<compile_context>
chip_gen: v7x
topology: tpu7x:2x2x1
jax: 0.10.2.dev20260603
libtpu: 0.0.44.dev20260713+nightly
codegen_flags: <defaults>
</compile_context>

<pallas_src>
import jax
import jax.numpy as jnp
from jax import lax
from jax.experimental import pallas as pl
from jax.experimental.pallas import tpu as pltpu
from jax.experimental.pallas import tpu_sc as plsc

B = 128
N = 32768
K = 16
L = 16
NC = 2
NS = 16
NW = NC * NS
ROWS_PER_W = B // NW

NEG = float("-inf")
CAND_CAP = 1024

G = 8
NG = N // (L * G)
_FOLD = 16
_PASS_B_GRP = 4


def _sorted_desc(v):
    k, _ = plsc.sort_key_val(v, v, descending=True)
    return k


def _merge_top16(a, b):
    m = jnp.maximum(a, lax.rev(b, (0,)))
    return _sorted_desc(m)


def _topk_body(scores_hbm, out_hbm, rows_v, outrow_v, gmax, cvals, cidxs,
               selbuf, insem, osem):
    cid = lax.axis_index("c")
    sid = lax.axis_index("s")
    wid = cid * NS + sid
    lane = lax.iota(jnp.int32, L)

    @plsc.parallel_loop(0, N // L)
    def _zfill(i):
        outrow_v[pl.ds(i * L, L)] = jnp.zeros((L,), jnp.float32)

    pltpu.async_copy(scores_hbm.at[wid * ROWS_PER_W], rows_v.at[0],
                     insem.at[0])

    def _row_body(rr, prev_selvec):
        row = wid * ROWS_PER_W + rr
        par = jnp.bitwise_and(rr, 1)

        @pl.when(rr + 1 < ROWS_PER_W)
        def _():
            pltpu.async_copy(scores_hbm.at[row + 1], rows_v.at[1 - par],
                             insem.at[1 - par])

        pltpu.make_async_copy(scores_hbm.at[row], rows_v.at[par],
                              insem.at[par]).wait()

        @plsc.parallel_loop(0, NG, unroll=4)
        def _pass_a(j):
            base = j * (L * G)
            vs = [rows_v[par, pl.ds(base + k * L, L)] for k in range(G)]
            while len(vs) > 1:
                vs = [jnp.maximum(vs[p], vs[p + 1])
                      for p in range(0, len(vs), 2)]
            gmax[pl.ds(j * L, L)] = vs[0]

        accs0 = tuple(jnp.full((L,), NEG) for _ in range(_FOLD))

        @plsc.parallel_loop(0, NG // _FOLD, carry=accs0)
        def _fold(i, accs):
            base = i * _FOLD * L
            return tuple(
                jnp.maximum(a, gmax[pl.ds(base + k * L, L)])
                for k, a in enumerate(accs)
            )

        srt = [_sorted_desc(a) for a in _fold]
        while len(srt) > 1:
            srt = [_merge_top16(srt[p], srt[p + 1])
                   for p in range(0, len(srt), 2)]
        t0 = srt[0][L - 1]

        @plsc.parallel_loop(0, NG // _PASS_B_GRP, carry=jnp.int32(0))
        def _pass_b(i, off):
            gb = i * _PASS_B_GRP
            gs = [gmax[pl.ds((gb + k) * L, L)] for k in range(_PASS_B_GRP)]
            ms = [g >= t0 for g in gs]
            anym = ms[0]
            for mk in ms[1:]:
                anym = anym | mk

            def slow(off):
                for k in range(_PASS_B_GRP):
                    def scan_group(off, k=k):
                        base = (gb + k) * (L * G)
                        for q in range(G):
                            v = rows_v[par, pl.ds(base + q * L, L)]
                            mk = v >= t0
                            cnt = plsc.all_reduce_population_count(mk)[0]
                            plsc.store_compressed(
                                cvals.at[pl.ds(off, L)], v, mask=mk)
                            plsc.store_compressed(
                                cidxs.at[pl.ds(off, L)],
                                lane + (base + q * L), mask=mk)
                            off = jnp.minimum(off + cnt, CAND_CAP)
                        return off

                    hask = plsc.all_reduce_population_count(ms[k])[0] > 0
                    off = lax.cond(hask, scan_group, lambda o: o, off)
                return off

            have = plsc.all_reduce_population_count(anym)[0] > 0
            return lax.cond(have, slow, lambda o: o, off)

        ncand = _pass_b
        nv = (ncand + (L - 1)) // L

        cvals[pl.ds(ncand, L)] = jnp.full((L,), NEG)

        def _tfold(j, cur):
            return _merge_top16(cur, _sorted_desc(cvals[pl.ds(j * L, L)]))

        top16 = lax.fori_loop(0, nv, _tfold, jnp.full((L,), NEG))
        t = top16[L - 1]

        def _px(j, off):
            v = cvals[pl.ds(j * L, L)]
            ix = cidxs[pl.ds(j * L, L)]
            mk = v > t
            plsc.store_compressed(selbuf.at[pl.ds(off, L)], ix, mask=mk)
            return off + plsc.all_reduce_population_count(mk)[0]

        g = lax.fori_loop(0, nv, _px, jnp.int32(0))

        def _py(j, off):
            v = cvals[pl.ds(j * L, L)]
            ix = cidxs[pl.ds(j * L, L)]
            mk = v == t
            plsc.store_compressed(selbuf.at[pl.ds(off, L)], ix, mask=mk)
            return off + plsc.all_reduce_population_count(mk)[0]

        lax.fori_loop(0, nv, _py, g)
        selvec = selbuf[pl.ds(0, L)]

        @pl.when(rr > 0)
        def _():
            pltpu.make_async_copy(outrow_v, out_hbm.at[row - 1],
                                  osem).wait()
            plsc.store_scatter(outrow_v, [prev_selvec],
                               jnp.zeros((L,), jnp.float32))

        plsc.store_scatter(outrow_v, [selvec], jnp.ones((L,), jnp.float32))
        pltpu.async_copy(outrow_v, out_hbm.at[row], osem)
        return selvec

    lax.fori_loop(0, ROWS_PER_W, _row_body, jnp.zeros((L,), jnp.int32))
    pltpu.make_async_copy(
        outrow_v, out_hbm.at[wid * ROWS_PER_W + ROWS_PER_W - 1],
        osem).wait()


@jax.jit
def _topk_mask(scores):
    mesh = plsc.VectorSubcoreMesh(
        core_axis_name="c", subcore_axis_name="s")
    return pl.kernel(
        _topk_body,
        out_type=jax.ShapeDtypeStruct((B, N), jnp.float32),
        mesh=mesh,
        compiler_params=pltpu.CompilerParams(needs_layout_passes=False),
        scratch_types=[
            pltpu.VMEM((2, N), jnp.float32),
            pltpu.VMEM((N,), jnp.float32),
            pltpu.VMEM((NG * L,), jnp.float32),
            pltpu.VMEM((CAND_CAP + L,), jnp.float32),
            pltpu.VMEM((CAND_CAP + L,), jnp.int32),
            pltpu.VMEM((CAND_CAP + L,), jnp.int32),
            pltpu.SemaphoreType.DMA((2,)),
            pltpu.SemaphoreType.DMA,
        ],
    )(scores)


def kernel(scores):
    return _topk_mask(scores)

# --- scband reference (transcript-rebuilt; emitter-appended) ---
"""Pipeline reference for scband-differentiable-top-kselector-16621523435814 (READ-ONLY COPY).

The authoritative reference and input builder live on the scoring server;
editing this copy changes nothing except your own understanding.
"""

import jax, jax.numpy as jnp
import numpy as np

K = 16
TEMPERATURE = 1.0


def setup_inputs(seed: int = 0) -> dict:
    key = jax.random.key(seed)
    scores = jax.random.normal(key, (128, 32768), dtype=jnp.float32)
    return {"scores": scores}


def reference(scores):
    # DifferentiableTopKSelector with method='gumbel', top_m_filter=0,
    # decoupled_backward_temp=False -> gumbel_top_k(scores, k, temperature, hard=True).
    # Forward-only (inference) path: logits do not require grad, so no Gumbel noise
    # is added (matches the torch `if filtered_logits.requires_grad` branch).
    k = K
    temperature = TEMPERATURE
    filtered_logits = scores  # top_m_filter == 0 -> no pre-filtering
    perturbed = filtered_logits / temperature

    # Iterative soft top-k: k rounds of softmax, suppressing selected mass each round
    soft_mask = jnp.zeros_like(filtered_logits)
    remaining = perturbed
    for _ in range(k):
        soft_selection = jax.nn.softmax(remaining, axis=-1)
        soft_mask = soft_mask + soft_selection
        remaining = remaining - soft_selection * 10000.0

    # Hard straight-through mask from true top-k of the raw logits
    _, indices = jax.lax.top_k(scores, k)
    b = scores.shape[0]
    hard_mask = jnp.zeros_like(scores).at[jnp.arange(b)[:, None], indices].set(1.0)

    # hard_mask - soft_mask.detach() + soft_mask
    return hard_mask - jax.lax.stop_gradient(soft_mask) + soft_mask

if __name__ == "__main__":
    import jax
    _d = setup_inputs()
    print(jax.jit(kernel)(*tuple(_d.values())))

</pallas_src>

<mosaic_0001>
#map = affine_map<(d0, d1) -> (0, 0)>
module attributes {stable_mosaic.version = 14 : i64} {
  func.func @_topk_body(%arg0: i32, %arg1: i32, %arg2: memref<128x32768xf32, #tpu.memory_space<hbm>>, %arg3: memref<128x32768xf32, #tpu.memory_space<hbm>>, %arg4: memref<2x32768xf32, #tpu.memory_space<vmem>>, %arg5: memref<32768xf32, #tpu.memory_space<vmem>>, %arg6: memref<4096xf32, #tpu.memory_space<vmem>>, %arg7: memref<1040xf32, #tpu.memory_space<vmem>>, %arg8: memref<1040xi32, #tpu.memory_space<vmem>>, %arg9: memref<1040xi32, #tpu.memory_space<vmem>>, %arg10: memref<2x!tpu.dma_semaphore, #tpu.memory_space<semaphore_mem>>, %arg11: memref<!tpu.dma_semaphore, #tpu.memory_space<semaphore_mem>>) attributes {dimension_semantics = [#tpu.dimension_semantics<core_parallel>, #tpu.dimension_semantics<subcore_parallel>], iteration_bounds = array<i64: 2, 16>, scalar_prefetch = 0 : i64, scratch_operands = 8 : i64, tpu.core_type = #tpu.core_type<sc_vector_subcore>, window_params = [{transform_indices = #map}, {transform_indices = #map}]} {
    %mul3A = arith.constant 16 : i32
    %mul3A_0 = arith.muli %arg0, %mul3A : i32
    %add3A = arith.addi %mul3A_0, %arg1 : i32
    %iota3A = tpu.iota {dimensions = array<i32: 0>} : vector<16xi32>
    %parallel_loop3A = arith.constant 0 : i32
    %parallel_loop3A_1 = arith.constant 2048 : i32
    %parallel_loop3A_2 = arith.constant 1 : i32
    scf.for %parallel_loop3A_36 = %parallel_loop3A to %parallel_loop3A_1 step %parallel_loop3A_2  : i32 {
      %parallel_loop3A_37 = arith.constant 0.000000e+00 : f32
      %parallel_loop3A_38 = vector.broadcast %parallel_loop3A_37 : f32 to vector<16xf32>
      %parallel_loop3A_39 = arith.constant 16 : i32
      %parallel_loop3A_40 = arith.muli %parallel_loop3A_36, %parallel_loop3A_39 : i32
      %parallel_loop3A_41 = arith.index_cast %parallel_loop3A_40 : i32 to index
      %parallel_loop3A_42 = tpu.vector_load %arg5[%parallel_loop3A_41] {strides = array<i32>} : memref<32768xf32, #tpu.memory_space<vmem>>, vector<16xf32>,
      tpu.vector_store %arg5[%parallel_loop3A_41], %parallel_loop3A_38 {strides = array<i32>} : memref<32768xf32, #tpu.memory_space<vmem>>, vector<16xf32>,
    } {sc.loop_unroll_factor = 1 : i64, sc.parallel_access}
    %mul3A_3 = arith.constant 4 : i32
    %mul3A_4 = arith.muli %add3A, %mul3A_3 : i32
    %dma_start3A = arith.constant 0 : i32
    %dma_start3A_5 = arith.constant 0 : i32
    %dma_start3A_6 = arith.constant 0 : i32
    %dma_start3A_7 = tpu.memref_slice %arg4[%dma_start3A, %dma_start3A_6] : memref<2x32768xf32, #tpu.memory_space<vmem>> -> memref<1x32768xf32, #tpu.memory_space<vmem>>
    %dma_start3A_8 = tpu.memref_squeeze %dma_start3A_7 : memref<1x32768xf32, #tpu.memory_space<vmem>> -> memref<32768xf32, #tpu.memory_space<vmem>>
    %dma_start3A_9 = arith.constant 0 : i32
    %dma_start3A_10 = tpu.memref_slice %arg2[%mul3A_4, %dma_start3A_9] : memref<128x32768xf32, #tpu.memory_space<hbm>> -> memref<1x32768xf32, #tpu.memory_space<hbm>>
    %dma_start3A_11 = tpu.memref_squeeze %dma_start3A_10 : memref<1x32768xf32, #tpu.memory_space<hbm>> -> memref<32768xf32, #tpu.memory_space<hbm>>
    %dma_start3A_12 = tpu.memref_slice %arg10[%dma_start3A_5] : memref<2x!tpu.dma_semaphore, #tpu.memory_space<semaphore_mem>> -> memref<1x!tpu.dma_semaphore, #tpu.memory_space<semaphore_mem>>
    %dma_start3A_13 = tpu.memref_squeeze %dma_start3A_12 : memref<1x!tpu.dma_semaphore, #tpu.memory_space<semaphore_mem>> -> memref<!tpu.dma_semaphore, #tpu.memory_space<semaphore_mem>>
    %dma_start3A_14 = arith.constant 0 : i32
    %dma_start3A_15 = tpu.memref_slice %arg4[%dma_start3A, %dma_start3A_14] : memref<2x32768xf32, #tpu.memory_space<vmem>> -> memref<1x32768xf32, #tpu.memory_space<vmem>>
    %dma_start3A_16 = tpu.memref_squeeze %dma_start3A_15 : memref<1x32768xf32, #tpu.memory_space<vmem>> -> memref<32768xf32, #tpu.memory_space<vmem>>
    %dma_start3A_17 = arith.constant 0 : i32
    %dma_start3A_18 = tpu.memref_slice %arg2[%mul3A_4, %dma_start3A_17] : memref<128x32768xf32, #tpu.memory_space<hbm>> -> memref<1x32768xf32, #tpu.memory_space<hbm>>
    %dma_start3A_19 = tpu.memref_squeeze %dma_start3A_18 : memref<1x32768xf32, #tpu.memory_space<hbm>> -> memref<32768xf32, #tpu.memory_space<hbm>>
    tpu.enqueue_dma source(%dma_start3A_19 : memref<32768xf32, #tpu.memory_space<hbm>>) target(%dma_start3A_16 : memref<32768xf32, #tpu.memory_space<vmem>>) target_semaphore(%dma_start3A_13 : memref<!tpu.dma_semaphore, #tpu.memory_space<semaphore_mem>>)
    %broadcast_in_dim3A = arith.constant 0 : i32
    %broadcast_in_dim3A_20 = vector.broadcast %broadcast_in_dim3A : i32 to vector<16xi32>
    %scan3A = arith.constant 0 : i32
    %scan3A_21 = arith.constant 4 : i32
    %scan3A_22 = arith.addi %scan3A, %scan3A_21 : i32
    %scan3A_23 = arith.constant 1 : i32
    %scan3A_24 = scf.for %scan3A_36 = %scan3A to %scan3A_22 step %scan3A_23 iter_args(%scan3A_37 = %broadcast_in_dim3A_20) -> (vector<16xi32>)  : i32 {
      %mul3A_38 = arith.constant 4 : i32
      %mul3A_39 = arith.muli %add3A, %mul3A_38 : i32
      %add3A_40 = arith.addi %mul3A_39, %scan3A_36 : i32
      %and3A = arith.constant 1 : i32
      %and3A_41 = arith.andi %scan3A_36, %and3A : i32
      %add3A_42 = arith.constant 1 : i32
      %add3A_43 = arith.addi %scan3A_36, %add3A_42 : i32
      %lt3A = arith.constant 4 : i32
      %lt3A_44 = arith.cmpi slt, %add3A_43, %lt3A : i32
      %convert_element_type3A = arith.extui %lt3A_44 : i1 to i32
      %cond3A = arith.constant 0 : i32
      %cond3A_45 = arith.cmpi ne, %convert_element_type3A, %cond3A : i32
      scf.if %cond3A_45 {
        %add3A_388 = arith.constant 1 : i32
        %add3A_389 = arith.addi %add3A_40, %add3A_388 : i32
        %sub3A_390 = arith.constant 1 : i32
        %sub3A_391 = arith.subi %sub3A_390, %and3A_41 : i32
        %sub3A_392 = arith.constant 1 : i32
        %sub3A_393 = arith.subi %sub3A_392, %and3A_41 : i32
        %dma_start3A_394 = arith.constant 0 : i32
        %dma_start3A_395 = tpu.memref_slice %arg4[%sub3A_391, %dma_start3A_394] : memref<2x32768xf32, #tpu.memory_space<vmem>> -> memref<1x32768xf32, #tpu.memory_space<vmem>>
        %dma_start3A_396 = tpu.memref_squeeze %dma_start3A_395 : memref<1x32768xf32, #tpu.memory_space<vmem>> -> memref<32768xf32, #tpu.memory_space<vmem>>
        %dma_start3A_397 = arith.constant 0 : i32
        %dma_start3A_398 = tpu.memref_slice %arg2[%add3A_389, %dma_start3A_397] : memref<128x32768xf32, #tpu.memory_space<hbm>> -> memref<1x32768xf32, #tpu.memory_space<hbm>>
        %dma_start3A_399 = tpu.memref_squeeze %dma_start3A_398 : memref<1x32768xf32, #tpu.memory_space<hbm>> -> memref<32768xf32, #tpu.memory_space<hbm>>
        %dma_start3A_400 = tpu.memref_slice %arg10[%sub3A_393] : memref<2x!tpu.dma_semaphore, #tpu.memory_space<semaphore_mem>> -> memref<1x!tpu.dma_semaphore, #tpu.memory_space<semaphore_mem>>
        %dma_start3A_401 = tpu.memref_squeeze %dma_start3A_400 : memref<1x!tpu.dma_semaphore, #tpu.memory_space<semaphore_mem>> -> memref<!tpu.dma_semaphore, #tpu.memory_space<semaphore_mem>>
        %dma_start3A_402 = arith.constant 0 : i32
        %dma_start3A_403 = tpu.memref_slice %arg4[%sub3A_391, %dma_start3A_402] : memref<2x32768xf32, #tpu.memory_space<vmem>> -> memref<1x32768xf32, #tpu.memory_space<vmem>>
        %dma_start3A_404 = tpu.memref_squeeze %dma_start3A_403 : memref<1x32768xf32, #tpu.memory_space<vmem>> -> memref<32768xf32, #tpu.memory_space<vmem>>
        %dma_start3A_405 = arith.constant 0 : i32
        %dma_start3A_406 = tpu.memref_slice %arg2[%add3A_389, %dma_start3A_405] : memref<128x32768xf32, #tpu.memory_space<hbm>> -> memref<1x32768xf32, #tpu.memory_space<hbm>>
        %dma_start3A_407 = tpu.memref_squeeze %dma_start3A_406 : memref<1x32768xf32, #tpu.memory_space<hbm>> -> memref<32768xf32, #tpu.memory_space<hbm>>
        tpu.enqueue_dma source(%dma_start3A_407 : memref<32768xf32, #tpu.memory_space<hbm>>) target(%dma_start3A_404 : memref<32768xf32, #tpu.memory_space<vmem>>) target_semaphore(%dma_start3A_401 : memref<!tpu.dma_semaphore, #tpu.memory_space<semaphore_mem>>)
      } else {
      }
      %dma_wait3A_46 = arith.constant 0 : i32
      %dma_wait3A_47 = tpu.memref_slice %arg4[%and3A_41, %dma_wait3A_46] : memref<2x32768xf32, #tpu.memory_space<vmem>> -> memref<1x32768xf32, #tpu.memory_space<vmem>>
      %dma_wait3A_48 = tpu.memref_squeeze %dma_wait3A_47 : memref<1x32768xf32, #tpu.memory_space<vmem>> -> memref<32768xf32, #tpu.memory_space<vmem>>
      %dma_wait3A_49 = arith.constant 0 : i32
      %dma_wait3A_50 = tpu.memref_slice %arg2[%add3A_40, %dma_wait3A_49] : memref<128x32768xf32, #tpu.memory_space<hbm>> -> memref<1x32768xf32, #tpu.memory_space<hbm>>
      %dma_wait3A_51 = tpu.memref_squeeze %dma_wait3A_50 : memref<1x32768xf32, #tpu.memory_space<hbm>> -> memref<32768xf32, #tpu.memory_space<hbm>>
      %dma_wait3A_52 = tpu.memref_slice %arg10[%and3A_41] : memref<2x!tpu.dma_semaphore, #tpu.memory_space<semaphore_mem>> -> memref<1x!tpu.dma_semaphore, #tpu.memory_space<semaphore_mem>>
      %dma_wait3A_53 = tpu.memref_squeeze %dma_wait3A_52 : memref<1x!tpu.dma_semaphore, #tpu.memory_space<semaphore_mem>> -> memref<!tpu.dma_semaphore, #tpu.memory_space<semaphore_mem>>
      %dma_wait3A_54 = arith.constant 0 : i32
      %dma_wait3A_55 = tpu.memref_slice %arg4[%and3A_41, %dma_wait3A_54] : memref<2x32768xf32, #tpu.memory_space<vmem>> -> memref<1x32768xf32, #tpu.memory_space<vmem>>
      %dma_wait3A_56 = tpu.memref_squeeze %dma_wait3A_55 : memref<1x32768xf32, #tpu.memory_space<vmem>> -> memref<32768xf32, #tpu.memory_space<vmem>>
      %dma_wait3A_57 = arith.constant 0 : i32
      %dma_wait3A_58 = tpu.memref_slice %arg2[%add3A_40, %dma_wait3A_57] : memref<128x32768xf32, #tpu.memory_space<hbm>> -> memref<1x32768xf32, #tpu.memory_space<hbm>>
      %dma_wait3A_59 = tpu.memref_squeeze %dma_wait3A_58 : memref<1x32768xf32, #tpu.memory_space<hbm>> -> memref<32768xf32, #tpu.memory_space<hbm>>
      tpu.wait_dma2 semaphore(%dma_wait3A_53 : memref<!tpu.dma_semaphore, #tpu.memory_space<semaphore_mem>>) src(%dma_wait3A_59 : memref<32768xf32, #tpu.memory_space<hbm>>) dst(%dma_wait3A_56 : memref<32768xf32, #tpu.memory_space<vmem>>)
      %parallel_loop3A_60 = arith.constant 0 : i32
      %parallel_loop3A_61 = arith.constant 256 : i32
      %parallel_loop3A_62 = arith.constant 1 : i32
      scf.for %parallel_loop3A_388 = %parallel_loop3A_60 to %parallel_loop3A_61 step %parallel_loop3A_62  : i32 {
        %parallel_loop3A_389 = arith.constant 128 : i32
        %parallel_loop3A_390 = arith.muli %parallel_loop3A_388, %parallel_loop3A_389 : i32
        %parallel_loop3A_391 = arith.constant 0 : i32
        %parallel_loop3A_392 = arith.addi %parallel_loop3A_390, %parallel_loop3A_391 : i32
        %parallel_loop3A_393 = arith.index_cast %and3A_41 : i32 to index
        %parallel_loop3A_394 = arith.index_cast %parallel_loop3A_392 : i32 to index
        %parallel_loop3A_395 = tpu.vector_load %arg4[%parallel_loop3A_393, %parallel_loop3A_394] {strides = array<i32>} : memref<2x32768xf32, #tpu.memory_space<vmem>>, vector<16xf32>,
        %parallel_loop3A_396 = arith.constant 16 : i32
        %parallel_loop3A_397 = arith.addi %parallel_loop3A_390, %parallel_loop3A_396 : i32
        %parallel_loop3A_398 = arith.index_cast %and3A_41 : i32 to index
        %parallel_loop3A_399 = arith.index_cast %parallel_loop3A_397 : i32 to index
        %parallel_loop3A_400 = tpu.vector_load %arg4[%parallel_loop3A_398, %parallel_loop3A_399] {strides = array<i32>} : memref<2x32768xf32, #tpu.memory_space<vmem>>, vector<16xf32>,
        %parallel_loop3A_401 = arith.constant 32 : i32
        %parallel_loop3A_402 = arith.addi %parallel_loop3A_390, %parallel_loop3A_401 : i32
        %parallel_loop3A_403 = arith.index_cast %and3A_41 : i32 to index
        %parallel_loop3A_404 = arith.index_cast %parallel_loop3A_402 : i32 to index
        %parallel_loop3A_405 = tpu.vector_load %arg4[%parallel_loop3A_403, %parallel_loop3A_404] {strides = array<i32>} : memref<2x32768xf32, #tpu.memory_space<vmem>>, vector<16xf32>,
        %parallel_loop3A_406 = arith.constant 48 : i32
        %parallel_loop3A_407 = arith.addi %parallel_loop3A_390, %parallel_loop3A_406 : i32
        %parallel_loop3A_408 = arith.index_cast %and3A_41 : i32 to index
        %parallel_loop3A_409 = arith.index_cast %parallel_loop3A_407 : i32 to index
        %parallel_loop3A_410 = tpu.vector_load %arg4[%parallel_loop3A_408, %parallel_loop3A_409] {strides = array<i32>} : memref<2x32768xf32, #tpu.memory_space<vmem>>, vector<16xf32>,
        %parallel_loop3A_411 = arith.constant 64 : i32
        %parallel_loop3A_412 = arith.addi %parallel_loop3A_390, %parallel_loop3A_411 : i32
        %parallel_loop3A_413 = arith.index_cast %and3A_41 : i32 to index
        %parallel_loop3A_414 = arith.index_cast %parallel_loop3A_412 : i32 to index
        %parallel_loop3A_415 = tpu.vector_load %arg4[%parallel_loop3A_413, %parallel_loop3A_414] {strides = array<i32>} : memref<2x32768xf32, #tpu.memory_space<vmem>>, vector<16xf32>,
        %parallel_loop3A_416 = arith.constant 80 : i32
        %parallel_loop3A_417 = arith.addi %parallel_loop3A_390, %parallel_loop3A_416 : i32
        %parallel_loop3A_418 = arith.index_cast %and3A_41 : i32 to index
        %parallel_loop3A_419 = arith.index_cast %parallel_loop3A_417 : i32 to index
        %parallel_loop3A_420 = tpu.vector_load %arg4[%parallel_loop3A_418, %parallel_loop3A_419] {strides = array<i32>} : memref<2x32768xf32, #tpu.memory_space<vmem>>, vector<16xf32>,
        %parallel_loop3A_421 = arith.constant 96 : i32
        %parallel_loop3A_422 = arith.addi %parallel_loop3A_390, %parallel_loop3A_421 : i32
        %parallel_loop3A_423 = arith.index_cast %and3A_41 : i32 to index
        %parallel_loop3A_424 = arith.index_cast %parallel_loop3A_422 : i32 to index
        %parallel_loop3A_425 = tpu.vector_load %arg4[%parallel_loop3A_423, %parallel_loop3A_424] {strides = array<i32>} : memref<2x32768xf32, #tpu.memory_space<vmem>>, vector<16xf32>,
        %parallel_loop3A_426 = arith.constant 112 : i32
        %parallel_loop3A_427 = arith.addi %parallel_loop3A_390, %parallel_loop3A_426 : i32
        %parallel_loop3A_428 = arith.index_cast %and3A_41 : i32 to index
        %parallel_loop3A_429 = arith.index_cast %parallel_loop3A_427 : i32 to index
        %parallel_loop3A_430 = tpu.vector_load %arg4[%parallel_loop3A_428, %parallel_loop3A_429] {strides = array<i32>} : memref<2x32768xf32, #tpu.memory_space<vmem>>, vector<16xf32>,
        %parallel_loop3A_431 = arith.maximumf %parallel_loop3A_395, %parallel_loop3A_400 : vector<16xf32>
        %parallel_loop3A_432 = arith.maximumf %parallel_loop3A_405, %parallel_loop3A_410 : vector<16xf32>
        %parallel_loop3A_433 = arith.maximumf %parallel_loop3A_415, %parallel_loop3A_420 : vector<16xf32>
        %parallel_loop3A_434 = arith.maximumf %parallel_loop3A_425, %parallel_loop3A_430 : vector<16xf32>
        %parallel_loop3A_435 = arith.maximumf %parallel_loop3A_431, %parallel_loop3A_432 : vector<16xf32>
        %parallel_loop3A_436 = arith.maximumf %parallel_loop3A_433, %parallel_loop3A_434 : vector<16xf32>
        %parallel_loop3A_437 = arith.maximumf %parallel_loop3A_435, %parallel_loop3A_436 : vector<16xf32>
        %parallel_loop3A_438 = arith.constant 16 : i32
        %parallel_loop3A_439 = arith.muli %parallel_loop3A_388, %parallel_loop3A_438 : i32
        %parallel_loop3A_440 = arith.index_cast %parallel_loop3A_439 : i32 to index
        %parallel_loop3A_441 = tpu.vector_load %arg6[%parallel_loop3A_440] {strides = array<i32>} : memref<4096xf32, #tpu.memory_space<vmem>>, vector<16xf32>,
        tpu.vector_store %arg6[%parallel_loop3A_440], %parallel_loop3A_437 {strides = array<i32>} : memref<4096xf32, #tpu.memory_space<vmem>>, vector<16xf32>,
      } {sc.loop_unroll_factor = 4 : i64, sc.parallel_access}
      %broadcast_in_dim3A_63 = arith.constant 0xFF800000 : f32
      %broadcast_in_dim3A_64 = vector.broadcast %broadcast_in_dim3A_63 : f32 to vector<16xf32>
      %broadcast_in_dim3A_65 = arith.constant 0xFF800000 : f32
      %broadcast_in_dim3A_66 = vector.broadcast %broadcast_in_dim3A_65 : f32 to vector<16xf32>
      %broadcast_in_dim3A_67 = arith.constant 0xFF800000 : f32
      %broadcast_in_dim3A_68 = vector.broadcast %broadcast_in_dim3A_67 : f32 to vector<16xf32>
      %broadcast_in_dim3A_69 = arith.constant 0xFF800000 : f32
      %broadcast_in_dim3A_70 = vector.broadcast %broadcast_in_dim3A_69 : f32 to vector<16xf32>
      %broadcast_in_dim3A_71 = arith.constant 0xFF800000 : f32
      %broadcast_in_dim3A_72 = vector.broadcast %broadcast_in_dim3A_71 : f32 to vector<16xf32>
      %broadcast_in_dim3A_73 = arith.constant 0xFF800000 : f32
      %broadcast_in_dim3A_74 = vector.broadcast %broadcast_in_dim3A_73 : f32 to vector<16xf32>
      %broadcast_in_dim3A_75 = arith.constant 0xFF800000 : f32
      %broadcast_in_dim3A_76 = vector.broadcast %broadcast_in_dim3A_75 : f32 to vector<16xf32>
      %broadcast_in_dim3A_77 = arith.constant 0xFF800000 : f32
      %broadcast_in_dim3A_78 = vector.broadcast %broadcast_in_dim3A_77 : f32 to vector<16xf32>
      %broadcast_in_dim3A_79 = arith.constant 0xFF800000 : f32
      %broadcast_in_dim3A_80 = vector.broadcast %broadcast_in_dim3A_79 : f32 to vector<16xf32>
      %broadcast_in_dim3A_81 = arith.constant 0xFF800000 : f32
      %broadcast_in_dim3A_82 = vector.broadcast %broadcast_in_dim3A_81 : f32 to vector<16xf32>
      %broadcast_in_dim3A_83 = arith.constant 0xFF800000 : f32
      %broadcast_in_dim3A_84 = vector.broadcast %broadcast_in_dim3A_83 : f32 to vector<16xf32>
      %broadcast_in_dim3A_85 = arith.constant 0xFF800000 : f32
      %broadcast_in_dim3A_86 = vector.broadcast %broadcast_in_dim3A_85 : f32 to vector<16xf32>
      %broadcast_in_dim3A_87 = arith.constant 0xFF800000 : f32
      %broadcast_in_dim3A_88 = vector.broadcast %broadcast_in_dim3A_87 : f32 to vector<16xf32>
      %broadcast_in_dim3A_89 = arith.constant 0xFF800000 : f32
      %broadcast_in_dim3A_90 = vector.broadcast %broadcast_in_dim3A_89 : f32 to vector<16xf32>
      %broadcast_in_dim3A_91 = arith.constant 0xFF800000 : f32
      %broadcast_in_dim3A_92 = vector.broadcast %broadcast_in_dim3A_91 : f32 to vector<16xf32>
      %broadcast_in_dim3A_93 = arith.constant 0xFF800000 : f32
      %broadcast_in_dim3A_94 = vector.broadcast %broadcast_in_dim3A_93 : f32 to vector<16xf32>
      %parallel_loop3A_95 = arith.constant 0 : i32
      %parallel_loop3A_96 = arith.constant 16 : i32
      %parallel_loop3A_97 = arith.constant 1 : i32
      %parallel_loop3A_98:16 = scf.for %parallel_loop3A_388 = %parallel_loop3A_95 to %parallel_loop3A_96 step %parallel_loop3A_97 iter_args(%parallel_loop3A_389 = %broadcast_in_dim3A_64, %parallel_loop3A_390 = %broadcast_in_dim3A_66, %parallel_loop3A_391 = %broadcast_in_dim3A_68, %parallel_loop3A_392 = %broadcast_in_dim3A_70, %parallel_loop3A_393 = %broadcast_in_dim3A_72, %parallel_loop3A_394 = %broadcast_in_dim3A_74, %parallel_loop3A_395 = %broadcast_in_dim3A_76, %parallel_loop3A_396 = %broadcast_in_dim3A_78, %parallel_loop3A_397 = %broadcast_in_dim3A_80, %parallel_loop3A_398 = %broadcast_in_dim3A_82, %parallel_loop3A_399 = %broadcast_in_dim3A_84, %parallel_loop3A_400 = %broadcast_in_dim3A_86, %parallel_loop3A_401 = %broadcast_in_dim3A_88, %parallel_loop3A_402 = %broadcast_in_dim3A_90, %parallel_loop3A_403 = %broadcast_in_dim3A_92, %parallel_loop3A_404 = %broadcast_in_dim3A_94) -> (vector<16xf32>, vector<16xf32>, vector<16xf32>, vector<16xf32>, vector<16xf32>, vector<16xf32>, vector<16xf32>, vector<16xf32>, vector<16xf32>, vector<16xf32>, vector<16xf32>, vector<16xf32>, vector<16xf32>, vector<16xf32>, vector<16xf32>, vector<16xf32>)  : i32 {
        %parallel_loop3A_405 = arith.constant 16 : i32
        %parallel_loop3A_406 = arith.muli %parallel_loop3A_388, %parallel_loop3A_405 : i32
        %parallel_loop3A_407 = arith.constant 16 : i32
        %parallel_loop3A_408 = arith.muli %parallel_loop3A_406, %parallel_loop3A_407 : i32
        %parallel_loop3A_409 = arith.constant 0 : i32
        %parallel_loop3A_410 = arith.addi %parallel_loop3A_408, %parallel_loop3A_409 : i32
        %parallel_loop3A_411 = arith.index_cast %parallel_loop3A_410 : i32 to index
        %parallel_loop3A_412 = tpu.vector_load %arg6[%parallel_loop3A_411] {strides = array<i32>} : memref<4096xf32, #tpu.memory_space<vmem>>, vector<16xf32>,
        %parallel_loop3A_413 = arith.maximumf %parallel_loop3A_389, %parallel_loop3A_412 : vector<16xf32>
        %parallel_loop3A_414 = arith.constant 16 : i32
        %parallel_loop3A_415 = arith.addi %parallel_loop3A_408, %parallel_loop3A_414 : i32
        %parallel_loop3A_416 = arith.index_cast %parallel_loop3A_415 : i32 to index
        %parallel_loop3A_417 = tpu.vector_load %arg6[%parallel_loop3A_416] {strides = array<i32>} : memref<4096xf32, #tpu.memory_space<vmem>>, vector<16xf32>,
        %parallel_loop3A_418 = arith.maximumf %parallel_loop3A_390, %parallel_loop3A_417 : vector<16xf32>
        %parallel_loop3A_419 = arith.constant 32 : i32
        %parallel_loop3A_420 = arith.addi %parallel_loop3A_408, %parallel_loop3A_419 : i32
        %parallel_loop3A_421 = arith.index_cast %parallel_loop3A_420 : i32 to index
        %parallel_loop3A_422 = tpu.vector_load %arg6[%parallel_loop3A_421] {strides = array<i32>} : memref<4096xf32, #tpu.memory_space<vmem>>, vector<16xf32>,
        %parallel_loop3A_423 = arith.maximumf %parallel_loop3A_391, %parallel_loop3A_422 : vector<16xf32>
        %parallel_loop3A_424 = arith.constant 48 : i32
        %parallel_loop3A_425 = arith.addi %parallel_loop3A_408, %parallel_loop3A_424 : i32
        %parallel_loop3A_426 = arith.index_cast %parallel_loop3A_425 : i32 to index
        %parallel_loop3A_427 = tpu.vector_load %arg6[%parallel_loop3A_426] {strides = array<i32>} : memref<4096xf32, #tpu.memory_space<vmem>>, vector<16xf32>,
        %parallel_loop3A_428 = arith.maximumf %parallel_loop3A_392, %parallel_loop3A_427 : vector<16xf32>
        %parallel_loop3A_429 = arith.constant 64 : i32
        %parallel_loop3A_430 = arith.addi %parallel_loop3A_408, %parallel_loop3A_429 : i32
        %parallel_loop3A_431 = arith.index_cast %parallel_loop3A_430 : i32 to index
        %parallel_loop3A_432 = tpu.vector_load %arg6[%parallel_loop3A_431] {strides = array<i32>} : memref<4096xf32, #tpu.memory_space<vmem>>, vector<16xf32>,
        %parallel_loop3A_433 = arith.maximumf %parallel_loop3A_393, %parallel_loop3A_432 : vector<16xf32>
        %parallel_loop3A_434 = arith.constant 80 : i32
        %parallel_loop3A_435 = arith.addi %parallel_loop3A_408, %parallel_loop3A_434 : i32
        %parallel_loop3A_436 = arith.index_cast %parallel_loop3A_435 : i32 to index
        %parallel_loop3A_437 = tpu.vector_load %arg6[%parallel_loop3A_436] {strides = array<i32>} : memref<4096xf32, #tpu.memory_space<vmem>>, vector<16xf32>,
        %parallel_loop3A_438 = arith.maximumf %parallel_loop3A_394, %parallel_loop3A_437 : vector<16xf32>
        %parallel_loop3A_439 = arith.constant 96 : i32
        %parallel_loop3A_440 = arith.addi %parallel_loop3A_408, %parallel_loop3A_439 : i32
        %parallel_loop3A_441 = arith.index_cast %parallel_loop3A_440 : i32 to index
        %parallel_loop3A_442 = tpu.vector_load %arg6[%parallel_loop3A_441] {strides = array<i32>} : memref<4096xf32, #tpu.memory_space<vmem>>, vector<16xf32>,
        %parallel_loop3A_443 = arith.maximumf %parallel_loop3A_395, %parallel_loop3A_442 : vector<16xf32>
        %parallel_loop3A_444 = arith.constant 112 : i32
        %parallel_loop3A_445 = arith.addi %parallel_loop3A_408, %parallel_loop3A_444 : i32
        %parallel_loop3A_446 = arith.index_cast %parallel_loop3A_445 : i32 to index
        %parallel_loop3A_447 = tpu.vector_load %arg6[%parallel_loop3A_446] {strides = array<i32>} : memref<4096xf32, #tpu.memory_space<vmem>>, vector<16xf32>,
        %parallel_loop3A_448 = arith.maximumf %parallel_loop3A_396, %parallel_loop3A_447 : vector<16xf32>
        %parallel_loop3A_449 = arith.constant 128 : i32
        %parallel_loop3A_450 = arith.addi %parallel_loop3A_408, %parallel_loop3A_449 : i32
        %parallel_loop3A_451 = arith.index_cast %parallel_loop3A_450 : i32 to index
        %parallel_loop3A_452 = tpu.vector_load %arg6[%parallel_loop3A_451] {strides = array<i32>} : memref<4096xf32, #tpu.memory_space<vmem>>, vector<16xf32>,
        %parallel_loop3A_453 = arith.maximumf %parallel_loop3A_397, %parallel_loop3A_452 : vector<16xf32>
        %parallel_loop3A_454 = arith.constant 144 : i32
        %parallel_loop3A_455 = arith.addi %parallel_loop3A_408, %parallel_loop3A_454 : i32
        %parallel_loop3A_456 = arith.index_cast %parallel_loop3A_455 : i32 to index
        %parallel_loop3A_457 = tpu.vector_load %arg6[%parallel_loop3A_456] {strides = array<i32>} : memref<4096xf32, #tpu.memory_space<vmem>>, vector<16xf32>,
        %parallel_loop3A_458 = arith.maximumf %parallel_loop3A_398, %parallel_loop3A_457 : vector<16xf32>
        %parallel_loop3A_459 = arith.constant 160 : i32
        %parallel_loop3A_460 = arith.addi %parallel_loop3A_408, %parallel_loop3A_459 : i32
        %parallel_loop3A_461 = arith.index_cast %parallel_loop3A_460 : i32 to index
        %parallel_loop3A_462 = tpu.vector_load %arg6[%parallel_loop3A_461] {strides = array<i32>} : memref<4096xf32, #tpu.memory_space<vmem>>, vector<16xf32>,
        %parallel_loop3A_463 = arith.maximumf %parallel_loop3A_399, %parallel_loop3A_462 : vector<16xf32>
        %parallel_loop3A_464 = arith.constant 176 : i32
        %parallel_loop3A_465 = arith.addi %parallel_loop3A_408, %parallel_loop3A_464 : i32
        %parallel_loop3A_466 = arith.index_cast %parallel_loop3A_465 : i32 to index
        %parallel_loop3A_467 = tpu.vector_load %arg6[%parallel_loop3A_466] {strides = array<i32>} : memref<4096xf32, #tpu.memory_space<vmem>>, vector<16xf32>,
        %parallel_loop3A_468 = arith.maximumf %parallel_loop3A_400, %parallel_loop3A_467 : vector<16xf32>
        %parallel_loop3A_469 = arith.constant 192 : i32
        %parallel_loop3A_470 = arith.addi %parallel_loop3A_408, %parallel_loop3A_469 : i32
        %parallel_loop3A_471 = arith.index_cast %parallel_loop3A_470 : i32 to index
        %parallel_loop3A_472 = tpu.vector_load %arg6[%parallel_loop3A_471] {strides = array<i32>} : memref<4096xf32, #tpu.memory_space<vmem>>, vector<16xf32>,
        %parallel_loop3A_473 = arith.maximumf %parallel_loop3A_401, %parallel_loop3A_472 : vector<16xf32>
        %parallel_loop3A_474 = arith.constant 208 : i32
        %parallel_loop3A_475 = arith.addi %parallel_loop3A_408, %parallel_loop3A_474 : i32
        %parallel_loop3A_476 = arith.index_cast %parallel_loop3A_475 : i32 to index
        %parallel_loop3A_477 = tpu.vector_load %arg6[%parallel_loop3A_476] {strides = array<i32>} : memref<4096xf32, #tpu.memory_space<vmem>>, vector<16xf32>,
        %parallel_loop3A_478 = arith.maximumf %parallel_loop3A_402, %parallel_loop3A_477 : vector<16xf32>
        %parallel_loop3A_479 = arith.constant 224 : i32
        %parallel_loop3A_480 = arith.addi %parallel_loop3A_408, %parallel_loop3A_479 : i32
        %parallel_loop3A_481 = arith.index_cast %parallel_loop3A_480 : i32 to index
        %parallel_loop3A_482 = tpu.vector_load %arg6[%parallel_loop3A_481] {strides = array<i32>} : memref<4096xf32, #tpu.memory_space<vmem>>, vector<16xf32>,
        %parallel_loop3A_483 = arith.maximumf %parallel_loop3A_403, %parallel_loop3A_482 : vector<16xf32>
        %parallel_loop3A_484 = arith.constant 240 : i32
        %parallel_loop3A_485 = arith.addi %parallel_loop3A_408, %parallel_loop3A_484 : i32
        %parallel_loop3A_486 = arith.index_cast %parallel_loop3A_485 : i32 to index
        %parallel_loop3A_487 = tpu.vector_load %arg6[%parallel_loop3A_486] {strides = array<i32>} : memref<4096xf32, #tpu.memory_space<vmem>>, vector<16xf32>,
        %parallel_loop3A_488 = arith.maximumf %parallel_loop3A_404, %parallel_loop3A_487 : vector<16xf32>
        scf.yield %parallel_loop3A_413, %parallel_loop3A_418, %parallel_loop3A_423, %parallel_loop3A_428, %parallel_loop3A_433, %parallel_loop3A_438, %parallel_loop3A_443, %parallel_loop3A_448, %parallel_loop3A_453, %parallel_loop3A_458, %parallel_loop3A_463, %parallel_loop3A_468, %parallel_loop3A_473, %parallel_loop3A_478, %parallel_loop3A_483, %parallel_loop3A_488 : vector<16xf32>, vector<16xf32>, vector<16xf32>, vector<16xf32>, vector<16xf32>, vector<16xf32>, vector<16xf32>, vector<16xf32>, vector<16xf32>, vector<16xf32>, vector<16xf32>, vector<16xf32>, vector<16xf32>, vector<16xf32>, vector<16xf32>, vector<16xf32>
      } {sc.loop_unroll_factor = 1 : i64, sc.parallel_access}
      %masked_sort3A = arith.constant dense<true> : vector<16xi1>
      %masked_sort3A_99, %masked_sort3A_100, %masked_sort3A_101 = tpu.sort %parallel_loop3A_98#0, %parallel_loop3A_98#0 masked %masked_sort3A {descending = true} : (vector<16xf32>, vector<16xf32>, vector<16xi1>) -> (vector<16xi1>, vector<16xf32>, vector<16xf32>)
      %masked_sort3A_102 = arith.constant dense<true> : vector<16xi1>
      %masked_sort3A_103, %masked_sort3A_104, %masked_sort3A_105 = tpu.sort %parallel_loop3A_98#1, %parallel_loop3A_98#1 masked %masked_sort3A_102 {descending = true} : (vector<16xf32>, vector<16xf32>, vector<16xi1>) -> (vector<16xi1>, vector<16xf32>, vector<16xf32>)
      %masked_sort3A_106 = arith.constant dense<true> : vector<16xi1>
      %masked_sort3A_107, %masked_sort3A_108, %masked_sort3A_109 = tpu.sort %parallel_loop3A_98#2, %parallel_loop3A_98#2 masked %masked_sort3A_106 {descending = true} : (vector<16xf32>, vector<16xf32>, vector<16xi1>) -> (vector<16xi1>, vector<16xf32>, vector<16xf32>)
      %masked_sort3A_110 = arith.constant dense<true> : vector<16xi1>
      %masked_sort3A_111, %masked_sort3A_112, %masked_sort3A_113 = tpu.sort %parallel_loop3A_98#3, %parallel_loop3A_98#3 masked %masked_sort3A_110 {descending = true} : (vector<16xf32>, vector<16xf32>, vector<16xi1>) -> (vector<16xi1>, vector<16xf32>, vector<16xf32>)
      %masked_sort3A_114 = arith.constant dense<true> : vector<16xi1>
      %masked_sort3A_115, %masked_sort3A_116, %masked_sort3A_117 = tpu.sort %parallel_loop3A_98#4, %parallel_loop3A_98#4 masked %masked_sort3A_114 {descending = true} : (vector<16xf32>, vector<16xf32>, vector<16xi1>) -> (vector<16xi1>, vector<16xf32>, vector<16xf32>)
      %masked_sort3A_118 = arith.constant dense<true> : vector<16xi1>
      %masked_sort3A_119, %masked_sort3A_120, %masked_sort3A_121 = tpu.sort %parallel_loop3A_98#5, %parallel_loop3A_98#5 masked %masked_sort3A_118 {descending = true} : (vector<16xf32>, vector<16xf32>, vector<16xi1>) -> (vector<16xi1>, vector<16xf32>, vector<16xf32>)
      %masked_sort3A_122 = arith.constant dense<true> : vector<16xi1>
      %masked_sort3A_123, %masked_sort3A_124, %masked_sort3A_125 = tpu.sort %parallel_loop3A_98#6, %parallel_loop3A_98#6 masked %masked_sort3A_122 {descending = true} : (vector<16xf32>, vector<16xf32>, vector<16xi1>) -> (vector<16xi1>, vector<16xf32>, vector<16xf32>)
      %masked_sort3A_126 = arith.constant dense<true> : vector<16xi1>
      %masked_sort3A_127, %masked_sort3A_128, %masked_sort3A_129 = tpu.sort %parallel_loop3A_98#7, %parallel_loop3A_98#7 masked %masked_sort3A_126 {descending = true} : (vector<16xf32>, vector<16xf32>, vector<16xi1>) -> (vector<16xi1>, vector<16xf32>, vector<16xf32>)
      %masked_sort3A_130 = arith.constant dense<true> : vector<16xi1>
      %masked_sort3A_131, %masked_sort3A_132, %masked_sort3A_133 = tpu.sort %parallel_loop3A_98#8, %parallel_loop3A_98#8 masked %masked_sort3A_130 {descending = true} : (vector<16xf32>, vector<16xf32>, vector<16xi1>) -> (vector<16xi1>, vector<16xf32>, vector<16xf32>)
      %masked_sort3A_134 = arith.constant dense<true> : vector<16xi1>
      %masked_sort3A_135, %masked_sort3A_136, %masked_sort3A_137 = tpu.sort %parallel_loop3A_98#9, %parallel_loop3A_98#9 masked %masked_sort3A_134 {descending = true} : (vector<16xf32>, vector<16xf32>, vector<16xi1>) -> (vector<16xi1>, vector<16xf32>, vector<16xf32>)
      %masked_sort3A_138 = arith.constant dense<true> : vector<16xi1>
      %masked_sort3A_139, %masked_sort3A_140, %masked_sort3A_141 = tpu.sort %parallel_loop3A_98#10, %parallel_loop3A_98#10 masked %masked_sort3A_138 {descending = true} : (vector<16xf32>, vector<16xf32>, vector<16xi1>) -> (vector<16xi1>, vector<16xf32>, vector<16xf32>)
      %masked_sort3A_142 = arith.constant dense<true> : vector<16xi1>
      %masked_sort3A_143, %masked_sort3A_144, %masked_sort3A_145 = tpu.sort %parallel_loop3A_98#11, %parallel_loop3A_98#11 masked %masked_sort3A_142 {descending = true} : (vector<16xf32>, vector<16xf32>, vector<16xi1>) -> (vector<16xi1>, vector<16xf32>, vector<16xf32>)
      %masked_sort3A_146 = arith.constant dense<true> : vector<16xi1>
      %masked_sort3A_147, %masked_sort3A_148, %masked_sort3A_149 = tpu.sort %parallel_loop3A_98#12, %parallel_loop3A_98#12 masked %masked_sort3A_146 {descending = true} : (vector<16xf32>, vector<16xf32>, vector<16xi1>) -> (vector<16xi1>, vector<16xf32>, vector<16xf32>)
      %masked_sort3A_150 = arith.constant dense<true> : vector<16xi1>
      %masked_sort3A_151, %masked_sort3A_152, %masked_sort3A_153 = tpu.sort %parallel_loop3A_98#13, %parallel_loop3A_98#13 masked %masked_sort3A_150 {descending = true} : (vector<16xf32>, vector<16xf32>, vector<16xi1>) -> (vector<16xi1>, vector<16xf32>, vector<16xf32>)
      %masked_sort3A_154 = arith.constant dense<true> : vector<16xi1>
      %masked_sort3A_155, %masked_sort3A_156, %masked_sort3A_157 = tpu.sort %parallel_loop3A_98#14, %parallel_loop3A_98#14 masked %masked_sort3A_154 {descending = true} : (vector<16xf32>, vector<16xf32>, vector<16xi1>) -> (vector<16xi1>, vector<16xf32>, vector<16xf32>)
      %masked_sort3A_158 = arith.constant dense<true> : vector<16xi1>
      %masked_sort3A_159, %masked_sort3A_160, %masked_sort3A_161 = tpu.sort %parallel_loop3A_98#15, %parallel_loop3A_98#15 masked %masked_sort3A_158 {descending = true} : (vector<16xf32>, vector<16xf32>, vector<16xi1>) -> (vector<16xi1>, vector<16xf32>, vector<16xf32>)
      %rev3A = arith.constant 15 : i32
      %rev3A_162 = vector.broadcast %rev3A : i32 to vector<16xi32>
      %rev3A_163 = tpu.iota {dimensions = array<i32: 0>} : vector<16xi32>
      %rev3A_164 = arith.subi %rev3A_162, %rev3A_163 : vector<16xi32>
      %rev3A_165 = tpu.dynamic_gather %masked_sort3A_104[%rev3A_164] in [0] : vector<16xf32>, vector<16xi32> -> vector<16xf32>
      %max3A = arith.maximumf %masked_sort3A_100, %rev3A_165 : vector<16xf32>
      %masked_sort3A_166 = arith.constant dense<true> : vector<16xi1>
      %masked_sort3A_167, %masked_sort3A_168, %masked_sort3A_169 = tpu.sort %max3A, %max3A masked %masked_sort3A_166 {descending = true} : (vector<16xf32>, vector<16xf32>, vector<16xi1>) -> (vector<16xi1>, vector<16xf32>, vector<16xf32>)
      %rev3A_170 = arith.constant 15 : i32
      %rev3A_171 = vector.broadcast %rev3A_170 : i32 to vector<16xi32>
      %rev3A_172 = tpu.iota {dimensions = array<i32: 0>} : vector<16xi32>
      %rev3A_173 = arith.subi %rev3A_171, %rev3A_172 : vector<16xi32>
      %rev3A_174 = tpu.dynamic_gather %masked_sort3A_112[%rev3A_173] in [0] : vector<16xf32>, vector<16xi32> -> vector<16xf32>
      %max3A_175 = arith.maximumf %masked_sort3A_108, %rev3A_174 : vector<16xf32>
      %masked_sort3A_176 = arith.constant dense<true> : vector<16xi1>
      %masked_sort3A_177, %masked_sort3A_178, %masked_sort3A_179 = tpu.sort %max3A_175, %max3A_175 masked %masked_sort3A_176 {descending = true} : (vector<16xf32>, vector<16xf32>, vector<16xi1>) -> (vector<16xi1>, vector<16xf32>, vector<16xf32>)
      %rev3A_180 = arith.constant 15 : i32
      %rev3A_181 = vector.broadcast %rev3A_180 : i32 to vector<16xi32>
      %rev3A_182 = tpu.iota {dimensions = array<i32: 0>} : vector<16xi32>
      %rev3A_183 = arith.subi %rev3A_181, %rev3A_182 : vector<16xi32>
      %rev3A_184 = tpu.dynamic_gather %masked_sort3A_120[%rev3A_183] in [0] : vector<16xf32>, vector<16xi32> -> vector<16xf32>
      %max3A_185 = arith.maximumf %masked_sort3A_116, %rev3A_184 : vector<16xf32>
      %masked_sort3A_186 = arith.constant dense<true> : vector<16xi1>
      %masked_sort3A_187, %masked_sort3A_188, %masked_sort3A_189 = tpu.sort %max3A_185, %max3A_185 masked %masked_sort3A_186 {descending = true} : (vector<16xf32>, vector<16xf32>, vector<16xi1>) -> (vector<16xi1>, vector<16xf32>, vector<16xf32>)
      %rev3A_190 = arith.constant 15 : i32
      %rev3A_191 = vector.broadcast %rev3A_190 : i32 to vector<16xi32>
      %rev3A_192 = tpu.iota {dimensions = array<i32: 0>} : vector<16xi32>
      %rev3A_193 = arith.subi %rev3A_191, %rev3A_192 : vector<16xi32>
      %rev3A_194 = tpu.dynamic_gather %masked_sort3A_128[%rev3A_193] in [0] : vector<16xf32>, vector<16xi32> -> vector<16xf32>
      %max3A_195 = arith.maximumf %masked_sort3A_124, %rev3A_194 : vector<16xf32>
      %masked_sort3A_196 = arith.constant dense<true> : vector<16xi1>
      %masked_sort3A_197, %masked_sort3A_198, %masked_sort3A_199 = tpu.sort %max3A_195, %max3A_195 masked %masked_sort3A_196 {descending = true} : (vector<16xf32>, vector<16xf32>, vector<16xi1>) -> (vector<16xi1>, vector<16xf32>, vector<16xf32>)
      %rev3A_200 = arith.constant 15 : i32
      %rev3A_201 = vector.broadcast %rev3A_200 : i32 to vector<16xi32>
      %rev3A_202 = tpu.iota {dimensions = array<i32: 0>} : vector<16xi32>
      %rev3A_203 = arith.subi %rev3A_201, %rev3A_202 : vector<16xi32>
      %rev3A_204 = tpu.dynamic_gather %masked_sort3A_136[%rev3A_203] in [0] : vector<16xf32>, vector<16xi32> -> vector<16xf32>
      %max3A_205 = arith.maximumf %masked_sort3A_132, %rev3A_204 : vector<16xf32>
      %masked_sort3A_206 = arith.constant dense<true> : vector<16xi1>
      %masked_sort3A_207, %masked_sort3A_208, %masked_sort3A_209 = tpu.sort %max3A_205, %max3A_205 masked %masked_sort3A_206 {descending = true} : (vector<16xf32>, vector<16xf32>, vector<16xi1>) -> (vector<16xi1>, vector<16xf32>, vector<16xf32>)
      %rev3A_210 = arith.constant 15 : i32
      %rev3A_211 = vector.broadcast %rev3A_210 : i32 to vector<16xi32>
      %rev3A_212 = tpu.iota {dimensions = array<i32: 0>} : vector<16xi32>
      %rev3A_213 = arith.subi %rev3A_211, %rev3A_212 : vector<16xi32>
      %rev3A_214 = tpu.dynamic_gather %masked_sort3A_144[%rev3A_213] in [0] : vector<16xf32>, vector<16xi32> -> vector<16xf32>
      %max3A_215 = arith.maximumf %masked_sort3A_140, %rev3A_214 : vector<16xf32>
      %masked_sort3A_216 = arith.constant dense<true> : vector<16xi1>
      %masked_sort3A_217, %masked_sort3A_218, %masked_sort3A_219 = tpu.sort %max3A_215, %max3A_215 masked %masked_sort3A_216 {descending = true} : (vector<16xf32>, vector<16xf32>, vector<16xi1>) -> (vector<16xi1>, vector<16xf32>, vector<16xf32>)
      %rev3A_220 = arith.constant 15 : i32
      %rev3A_221 = vector.broadcast %rev3A_220 : i32 to vector<16xi32>
      %rev3A_222 = tpu.iota {dimensions = array<i32: 0>} : vector<16xi32>
      %rev3A_223 = arith.subi %rev3A_221, %rev3A_222 : vector<16xi32>
      %rev3A_224 = tpu.dynamic_gather %masked_sort3A_152[%rev3A_223] in [0] : vector<16xf32>, vector<16xi32> -> vector<16xf32>
      %max3A_225 = arith.maximumf %masked_sort3A_148, %rev3A_224 : vector<16xf32>
      %masked_sort3A_226 = arith.constant dense<true> : vector<16xi1>
      %masked_sort3A_227, %masked_sort3A_228, %masked_sort3A_229 = tpu.sort %max3A_225, %max3A_225 masked %masked_sort3A_226 {descending = true} : (vector<16xf32>, vector<16xf32>, vector<16xi1>) -> (vector<16xi1>, vector<16xf32>, vector<16xf32>)
      %rev3A_230 = arith.constant 15 : i32
      %rev3A_231 = vector.broadcast %rev3A_230 : i32 to vector<16xi32>
      %rev3A_232 = tpu.iota {dimensions = array<i32: 0>} : vector<16xi32>
      %rev3A_233 = arith.subi %rev3A_231, %rev3A_232 : vector<16xi32>
      %rev3A_234 = tpu.dynamic_gather %masked_sort3A_160[%rev3A_233] in [0] : vector<16xf32>, vector<16xi32> -> vector<16xf32>
      %max3A_235 = arith.maximumf %masked_sort3A_156, %rev3A_234 : vector<16xf32>
      %masked_sort3A_236 = arith.constant dense<true> : vector<16xi1>
      %masked_sort3A_237, %masked_sort3A_238, %masked_sort3A_239 = tpu.sort %max3A_235, %max3A_235 masked %masked_sort3A_236 {descending = true} : (vector<16xf32>, vector<16xf32>, vector<16xi1>) -> (vector<16xi1>, vector<16xf32>, vector<16xf32>)
      %rev3A_240 = arith.constant 15 : i32
      %rev3A_241 = vector.broadcast %rev3A_240 : i32 to vector<16xi32>
      %rev3A_242 = tpu.iota {dimensions = array<i32: 0>} : vector<16xi32>
      %rev3A_243 = arith.subi %rev3A_241, %rev3A_242 : vector<16xi32>
      %rev3A_244 = tpu.dynamic_gather %masked_sort3A_178[%rev3A_243] in [0] : vector<16xf32>, vector<16xi32> -> vector<16xf32>
      %max3A_245 = arith.maximumf %masked_sort3A_168, %rev3A_244 : vector<16xf32>
      %masked_sort3A_246 = arith.constant dense<true> : vector<16xi1>
      %masked_sort3A_247, %masked_sort3A_248, %masked_sort3A_249 = tpu.sort %max3A_245, %max3A_245 masked %masked_sort3A_246 {descending = true} : (vector<16xf32>, vector<16xf32>, vector<16xi1>) -> (vector<16xi1>, vector<16xf32>, vector<16xf32>)
      %rev3A_250 = arith.constant 15 : i32
      %rev3A_251 = vector.broadcast %rev3A_250 : i32 to vector<16xi32>
      %rev3A_252 = tpu.iota {dimensions = array<i32: 0>} : vector<16xi32>
      %rev3A_253 = arith.subi %rev3A_251, %rev3A_252 : vector<16xi32>
      %rev3A_254 = tpu.dynamic_gather %masked_sort3A_198[%rev3A_253] in [0] : vector<16xf32>, vector<16xi32> -> vector<16xf32>
      %max3A_255 = arith.maximumf %masked_sort3A_188, %rev3A_254 : vector<16xf32>
      %masked_sort3A_256 = arith.constant dense<true> : vector<16xi1>
      %masked_sort3A_257, %masked_sort3A_258, %masked_sort3A_259 = tpu.sort %max3A_255, %max3A_255 masked %masked_sort3A_256 {descending = true} : (vector<16xf32>, vector<16xf32>, vector<16xi1>) -> (vector<16xi1>, vector<16xf32>, vector<16xf32>)
      %rev3A_260 = arith.constant 15 : i32
      %rev3A_261 = vector.broadcast %rev3A_260 : i32 to vector<16xi32>
      %rev3A_262 = tpu.iota {dimensions = array<i32: 0>} : vector<16xi32>
      %rev3A_263 = arith.subi %rev3A_261, %rev3A_262 : vector<16xi32>
      %rev3A_264 = tpu.dynamic_gather %masked_sort3A_218[%rev3A_263] in [0] : vector<16xf32>, vector<16xi32> -> vector<16xf32>
      %max3A_265 = arith.maximumf %masked_sort3A_208, %rev3A_264 : vector<16xf32>
      %masked_sort3A_266 = arith.constant dense<true> : vector<16xi1>
      %masked_sort3A_267, %masked_sort3A_268, %masked_sort3A_269 = tpu.sort %max3A_265, %max3A_265 masked %masked_sort3A_266 {descending = true} : (vector<16xf32>, vector<16xf32>, vector<16xi1>) -> (vector<16xi1>, vector<16xf32>, vector<16xf32>)
      %rev3A_270 = arith.constant 15 : i32
      %rev3A_271 = vector.broadcast %rev3A_270 : i32 to vector<16xi32>
      %rev3A_272 = tpu.iota {dimensions = array<i32: 0>} : vector<16xi32>
      %rev3A_273 = arith.subi %rev3A_271, %rev3A_272 : vector<16xi32>
      %rev3A_274 = tpu.dynamic_gather %masked_sort3A_238[%rev3A_273] in [0] : vector<16xf32>, vector<16xi32> -> vector<16xf32>
      %max3A_275 = arith.maximumf %masked_sort3A_228, %rev3A_274 : vector<16xf32>
      %masked_sort3A_276 = arith.constant dense<true> : vector<16xi1>
      %masked_sort3A_277, %masked_sort3A_278, %masked_sort3A_279 = tpu.sort %max3A_275, %max3A_275 masked %masked_sort3A_276 {descending = true} : (vector<16xf32>, vector<16xf32>, vector<16xi1>) -> (vector<16xi1>, vector<16xf32>, vector<16xf32>)
      %rev3A_280 = arith.constant 15 : i32
      %rev3A_281 = vector.broadcast %rev3A_280 : i32 to vector<16xi32>
      %rev3A_282 = tpu.iota {dimensions = array<i32: 0>} : vector<16xi32>
      %rev3A_283 = arith.subi %rev3A_281, %rev3A_282 : vector<16xi32>
      %rev3A_284 = tpu.dynamic_gather %masked_sort3A_258[%rev3A_283] in [0] : vector<16xf32>, vector<16xi32> -> vector<16xf32>
      %max3A_285 = arith.maximumf %masked_sort3A_248, %rev3A_284 : vector<16xf32>
      %masked_sort3A_286 = arith.constant dense<true> : vector<16xi1>
      %masked_sort3A_287, %masked_sort3A_288, %masked_sort3A_289 = tpu.sort %max3A_285, %max3A_285 masked %masked_sort3A_286 {descending = true} : (vector<16xf32>, vector<16xf32>, vector<16xi1>) -> (vector<16xi1>, vector<16xf32>, vector<16xf32>)
      %rev3A_290 = arith.constant 15 : i32
      %rev3A_291 = vector.broadcast %rev3A_290 : i32 to vector<16xi32>
      %rev3A_292 = tpu.iota {dimensions = array<i32: 0>} : vector<16xi32>
      %rev3A_293 = arith.subi %rev3A_291, %rev3A_292 : vector<16xi32>
      %rev3A_294 = tpu.dynamic_gather %masked_sort3A_278[%rev3A_293] in [0] : vector<16xf32>, vector<16xi32> -> vector<16xf32>
      %max3A_295 = arith.maximumf %masked_sort3A_268, %rev3A_294 : vector<16xf32>
      %masked_sort3A_296 = arith.constant dense<true> : vector<16xi1>
      %masked_sort3A_297, %masked_sort3A_298, %masked_sort3A_299 = tpu.sort %max3A_295, %max3A_295 masked %masked_sort3A_296 {descending = true} : (vector<16xf32>, vector<16xf32>, vector<16xi1>) -> (vector<16xi1>, vector<16xf32>, vector<16xf32>)
      %rev3A_300 = arith.constant 15 : i32
      %rev3A_301 = vector.broadcast %rev3A_300 : i32 to vector<16xi32>
      %rev3A_302 = tpu.iota {dimensions = array<i32: 0>} : vector<16xi32>
      %rev3A_303 = arith.subi %rev3A_301, %rev3A_302 : vector<16xi32>
      %rev3A_304 = tpu.dynamic_gather %masked_sort3A_298[%rev3A_303] in [0] : vector<16xf32>, vector<16xi32> -> vector<16xf32>
      %max3A_305 = arith.maximumf %masked_sort3A_288, %rev3A_304 : vector<16xf32>
      %masked_sort3A_306 = arith.constant dense<true> : vector<16xi1>
      %masked_sort3A_307, %masked_sort3A_308, %masked_sort3A_309 = tpu.sort %max3A_305, %max3A_305 masked %masked_sort3A_306 {descending = true} : (vector<16xf32>, vector<16xf32>, vector<16xi1>) -> (vector<16xi1>, vector<16xf32>, vector<16xf32>)
      %slice3A = vector.extract_strided_slice %masked_sort3A_308 {offsets = [15], sizes = [1], strides = [1]} : vector<16xf32> to vector<1xf32>
      %squeeze3A = vector.extract %slice3A[0] : f32 from vector<1xf32>
      %parallel_loop3A_310 = arith.constant 0 : i32
      %parallel_loop3A_311 = arith.constant 64 : i32
      %parallel_loop3A_312 = arith.constant 1 : i32
      %parallel_loop3A_313 = arith.constant 0 : i32
      %parallel_loop3A_314 = scf.for %parallel_loop3A_388 = %parallel_loop3A_310 to %parallel_loop3A_311 step %parallel_loop3A_312 iter_args(%parallel_loop3A_389 = %parallel_loop3A_313) -> (i32)  : i32 {
        %parallel_loop3A_390 = arith.constant 4 : i32
        %parallel_loop3A_391 = arith.muli %parallel_loop3A_388, %parallel_loop3A_390 : i32
        %parallel_loop3A_392 = arith.constant 0 : i32
        %parallel_loop3A_393 = arith.addi %parallel_loop3A_391, %parallel_loop3A_392 : i32
        %parallel_loop3A_394 = arith.constant 16 : i32
        %parallel_loop3A_395 = arith.muli %parallel_loop3A_393, %parallel_loop3A_394 : i32
        %parallel_loop3A_396 = arith.index_cast %parallel_loop3A_395 : i32 to index
        %parallel_loop3A_397 = tpu.vector_load %arg6[%parallel_loop3A_396] {strides = array<i32>} : memref<4096xf32, #tpu.memory_space<vmem>>, vector<16xf32>,
        %parallel_loop3A_398 = arith.constant 1 : i32
        %parallel_loop3A_399 = arith.addi %parallel_loop3A_391, %parallel_loop3A_398 : i32
        %parallel_loop3A_400 = arith.constant 16 : i32
        %parallel_loop3A_401 = arith.muli %parallel_loop3A_399, %parallel_loop3A_400 : i32
        %parallel_loop3A_402 = arith.index_cast %parallel_loop3A_401 : i32 to index
        %parallel_loop3A_403 = tpu.vector_load %arg6[%parallel_loop3A_402] {strides = array<i32>} : memref<4096xf32, #tpu.memory_space<vmem>>, vector<16xf32>,
        %parallel_loop3A_404 = arith.constant 2 : i32
        %parallel_loop3A_405 = arith.addi %parallel_loop3A_391, %parallel_loop3A_404 : i32
        %parallel_loop3A_406 = arith.constant 16 : i32
        %parallel_loop3A_407 = arith.muli %parallel_loop3A_405, %parallel_loop3A_406 : i32
        %parallel_loop3A_408 = arith.index_cast %parallel_loop3A_407 : i32 to index
        %parallel_loop3A_409 = tpu.vector_load %arg6[%parallel_loop3A_408] {strides = array<i32>} : memref<4096xf32, #tpu.memory_space<vmem>>, vector<16xf32>,
        %parallel_loop3A_410 = arith.constant 3 : i32
        %parallel_loop3A_411 = arith.addi %parallel_loop3A_391, %parallel_loop3A_410 : i32
        %parallel_loop3A_412 = arith.constant 16 : i32
        %parallel_loop3A_413 = arith.muli %parallel_loop3A_411, %parallel_loop3A_412 : i32
        %parallel_loop3A_414 = arith.index_cast %parallel_loop3A_413 : i32 to index
        %parallel_loop3A_415 = tpu.vector_load %arg6[%parallel_loop3A_414] {strides = array<i32>} : memref<4096xf32, #tpu.memory_space<vmem>>, vector<16xf32>,
        %parallel_loop3A_416 = vector.broadcast %squeeze3A : f32 to vector<16xf32>
        %parallel_loop3A_417 = arith.cmpf oge, %parallel_loop3A_397, %parallel_loop3A_416 : vector<16xf32>
        %parallel_loop3A_418 = vector.broadcast %squeeze3A : f32 to vector<16xf32>
        %parallel_loop3A_419 = arith.cmpf oge, %parallel_loop3A_403, %parallel_loop3A_418 : vector<16xf32>
        %parallel_loop3A_420 = vector.broadcast %squeeze3A : f32 to vector<16xf32>
        %parallel_loop3A_421 = arith.cmpf oge, %parallel_loop3A_409, %parallel_loop3A_420 : vector<16xf32>
        %parallel_loop3A_422 = vector.broadcast %squeeze3A : f32 to vector<16xf32>
        %parallel_loop3A_423 = arith.cmpf oge, %parallel_loop3A_415, %parallel_loop3A_422 : vector<16xf32>
        %parallel_loop3A_424 = arith.ori %parallel_loop3A_417, %parallel_loop3A_419 : vector<16xi1>
        %parallel_loop3A_425 = arith.ori %parallel_loop3A_424, %parallel_loop3A_421 : vector<16xi1>
        %parallel_loop3A_426 = arith.ori %parallel_loop3A_425, %parallel_loop3A_423 : vector<16xi1>
        %parallel_loop3A_427 = tpu.all_reduce %parallel_loop3A_426 {dim = 0 : i64, kind = #tpu.reduction_kind<sum>} : vector<16xi1> -> vector<16xi32>
        %parallel_loop3A_428 = vector.extract_strided_slice %parallel_loop3A_427 {offsets = [0], sizes = [1], strides = [1]} : vector<16xi32> to vector<1xi32>
        %parallel_loop3A_429 = vector.extract %parallel_loop3A_428[0] : i32 from vector<1xi32>
        %parallel_loop3A_430 = arith.constant 0 : i32
        %parallel_loop3A_431 = arith.cmpi sgt, %parallel_loop3A_429, %parallel_loop3A_430 : i32
        %parallel_loop3A_432 = arith.extui %parallel_loop3A_431 : i1 to i32
        %parallel_loop3A_433 = arith.constant 0 : i32
        %parallel_loop3A_434 = arith.cmpi ne, %parallel_loop3A_432, %parallel_loop3A_433 : i32
        %parallel_loop3A_435 = scf.if %parallel_loop3A_434 -> (i32) {
          %parallel_loop3A_436 = tpu.all_reduce %parallel_loop3A_417 {dim = 0 : i64, kind = #tpu.reduction_kind<sum>} : vector<16xi1> -> vector<16xi32>
          %parallel_loop3A_437 = vector.extract_strided_slice %parallel_loop3A_436 {offsets = [0], sizes = [1], strides = [1]} : vector<16xi32> to vector<1xi32>
          %parallel_loop3A_438 = vector.extract %parallel_loop3A_437[0] : i32 from vector<1xi32>
          %parallel_loop3A_439 = arith.constant 0 : i32
          %parallel_loop3A_440 = arith.cmpi sgt, %parallel_loop3A_438, %parallel_loop3A_439 : i32
          %parallel_loop3A_441 = arith.extui %parallel_loop3A_440 : i1 to i32
          %parallel_loop3A_442 = arith.constant 0 : i32
          %parallel_loop3A_443 = arith.cmpi ne, %parallel_loop3A_441, %parallel_loop3A_442 : i32
          %parallel_loop3A_444 = scf.if %parallel_loop3A_443 -> (i32) {
            %parallel_loop3A_472 = arith.constant 0 : i32
            %parallel_loop3A_473 = arith.addi %parallel_loop3A_391, %parallel_loop3A_472 : i32
            %parallel_loop3A_474 = arith.constant 128 : i32
            %parallel_loop3A_475 = arith.muli %parallel_loop3A_473, %parallel_loop3A_474 : i32
            %parallel_loop3A_476 = arith.constant 0 : i32
            %parallel_loop3A_477 = arith.addi %parallel_loop3A_475, %parallel_loop3A_476 : i32
            %parallel_loop3A_478 = arith.index_cast %and3A_41 : i32 to index
            %parallel_loop3A_479 = arith.index_cast %parallel_loop3A_477 : i32 to index
            %parallel_loop3A_480 = tpu.vector_load %arg4[%parallel_loop3A_478, %parallel_loop3A_479] {strides = array<i32>} : memref<2x32768xf32, #tpu.memory_space<vmem>>, vector<16xf32>,
            %parallel_loop3A_481 = vector.broadcast %squeeze3A : f32 to vector<16xf32>
            %parallel_loop3A_482 = arith.cmpf oge, %parallel_loop3A_480, %parallel_loop3A_481 : vector<16xf32>
            %parallel_loop3A_483 = tpu.all_reduce %parallel_loop3A_482 {dim = 0 : i64, kind = #tpu.reduction_kind<sum>} : vector<16xi1> -> vector<16xi32>
            %parallel_loop3A_484 = vector.extract_strided_slice %parallel_loop3A_483 {offsets = [0], sizes = [1], strides = [1]} : vector<16xi32> to vector<1xi32>
            %parallel_loop3A_485 = vector.extract %parallel_loop3A_484[0] : i32 from vector<1xi32>
            %parallel_loop3A_486 = arith.index_cast %parallel_loop3A_389 : i32 to index
            %parallel_loop3A_487 = tpu.vector_load %arg7[%parallel_loop3A_486] masked %parallel_loop3A_482 {strides = array<i32>} : memref<1040xf32, #tpu.memory_space<vmem>>, vector<16xf32>, vector<16xi1>
            tpu.vector_store %arg7[%parallel_loop3A_486], %parallel_loop3A_480 masked %parallel_loop3A_482 {strides = array<i32>} : memref<1040xf32, #tpu.memory_space<vmem>>, vector<16xf32>, vector<16xi1>
            %parallel_loop3A_488 = arith.constant 0 : i32
            %parallel_loop3A_489 = arith.addi %parallel_loop3A_475, %parallel_loop3A_488 : i32
            %parallel_loop3A_490 = vector.broadcast %parallel_loop3A_489 : i32 to vector<16xi32>
            %parallel_loop3A_491 = arith.addi %iota3A, %parallel_loop3A_490 : vector<16xi32>
            %parallel_loop3A_492 = arith.index_cast %parallel_loop3A_389 : i32 to index
            %parallel_loop3A_493 = tpu.vector_load %arg8[%parallel_loop3A_492] masked %parallel_loop3A_482 {strides = array<i32>} : memref<1040xi32, #tpu.memory_space<vmem>>, vector<16xi32>, vector<16xi1>
            tpu.vector_store %arg8[%parallel_loop3A_492], %parallel_loop3A_491 masked %parallel_loop3A_482 {strides = array<i32>} : memref<1040xi32, #tpu.memory_space<vmem>>, vector<16xi32>, vector<16xi1>
            %parallel_loop3A_494 = arith.addi %parallel_loop3A_389, %parallel_loop3A_485 : i32
            %parallel_loop3A_495 = arith.constant 1024 : i32
            %parallel_loop3A_496 = arith.minsi %parallel_loop3A_494, %parallel_loop3A_495 : i32
            %parallel_loop3A_497 = arith.constant 16 : i32
            %parallel_loop3A_498 = arith.addi %parallel_loop3A_475, %parallel_loop3A_497 : i32
            %parallel_loop3A_499 = arith.index_cast %and3A_41 : i32 to index
            %parallel_loop3A_500 = arith.index_cast %parallel_loop3A_498 : i32 to index
            %parallel_loop3A_501 = tpu.vector_load %arg4[%parallel_loop3A_499, %parallel_loop3A_500] {strides = array<i32>} : memref<2x32768xf32, #tpu.memory_space<vmem>>, vector<16xf32>,
            %parallel_loop3A_502 = vector.broadcast %squeeze3A : f32 to vector<16xf32>
            %parallel_loop3A_503 = arith.cmpf oge, %parallel_loop3A_501, %parallel_loop3A_502 : vector<16xf32>
            %parallel_loop3A_504 = tpu.all_reduce %parallel_loop3A_503 {dim = 0 : i64, kind = #tpu.reduction_kind<sum>} : vector<16xi1> -> vector<16xi32>
            %parallel_loop3A_505 = vector.extract_strided_slice %parallel_loop3A_504 {offsets = [0], sizes = [1], strides = [1]} : vector<16xi32> to vector<1xi32>
            %parallel_loop3A_506 = vector.extract %parallel_loop3A_505[0] : i32 from vector<1xi32>
            %parallel_loop3A_507 = arith.index_cast %parallel_loop3A_496 : i32 to index
            %parallel_loop3A_508 = tpu.vector_load %arg7[%parallel_loop3A_507] masked %parallel_loop3A_503 {strides = array<i32>} : memref<1040xf32, #tpu.memory_space<vmem>>, vector<16xf32>, vector<16xi1>
            tpu.vector_store %arg7[%parallel_loop3A_507], %parallel_loop3A_501 masked %parallel_loop3A_503 {strides = array<i32>} : memref<1040xf32, #tpu.memory_space<vmem>>, vector<16xf32>, vector<16xi1>
            %parallel_loop3A_509 = arith.constant 16 : i32
            %parallel_loop3A_510 = arith.addi %parallel_loop3A_475, %parallel_loop3A_509 : i32
            %parallel_loop3A_511 = vector.broadcast %parallel_loop3A_510 : i32 to vector<16xi32>
            %parallel_loop3A_512 = arith.addi %iota3A, %parallel_loop3A_511 : vector<16xi32>
            %parallel_loop3A_513 = arith.index_cast %parallel_loop3A_496 : i32 to index
            %parallel_loop3A_514 = tpu.vector_load %arg8[%parallel_loop3A_513] masked %parallel_loop3A_503 {strides = array<i32>} : memref<1040xi32, #tpu.memory_space<vmem>>, vector<16xi32>, vector<16xi1>
            tpu.vector_store %arg8[%parallel_loop3A_513], %parallel_loop3A_512 masked %parallel_loop3A_503 {strides = array<i32>} : memref<1040xi32, #tpu.memory_space<vmem>>, vector<16xi32>, vector<16xi1>
            %parallel_loop3A_515 = arith.addi %parallel_loop3A_496, %parallel_loop3A_506 : i32
            %parallel_loop3A_516 = arith.constant 1024 : i32
            %parallel_loop3A_517 = arith.minsi %parallel_loop3A_515, %parallel_loop3A_516 : i32
            %parallel_loop3A_518 = arith.constant 32 : i32
            %parallel_loop3A_519 = arith.addi %parallel_loop3A_475, %parallel_loop3A_518 : i32
            %parallel_loop3A_520 = arith.index_cast %and3A_41 : i32 to index
            %parallel_loop3A_521 = arith.index_cast %parallel_loop3A_519 : i32 to index
            %parallel_loop3A_522 = tpu.vector_load %arg4[%parallel_loop3A_520, %parallel_loop3A_521] {strides = array<i32>} : memref<2x32768xf32, #tpu.memory_space<vmem>>, vector<16xf32>,
            %parallel_loop3A_523 = vector.broadcast %squeeze3A : f32 to vector<16xf32>
            %parallel_loop3A_524 = arith.cmpf oge, %parallel_loop3A_522, %parallel_loop3A_523 : vector<16xf32>
            %parallel_loop3A_525 = tpu.all_reduce %parallel_loop3A_524 {dim = 0 : i64, kind = #tpu.reduction_kind<sum>} : vector<16xi1> -> vector<16xi32>
            %parallel_loop3A_526 = vector.extract_strided_slice %parallel_loop3A_525 {offsets = [0], sizes = [1], strides = [1]} : vector<16xi32> to vector<1xi32>
            %parallel_loop3A_527 = vector.extract %parallel_loop3A_526[0] : i32 from vector<1xi32>
            %parallel_loop3A_528 = arith.index_cast %parallel_loop3A_517 : i32 to index
            %parallel_loop3A_529 = tpu.vector_load %arg7[%parallel_loop3A_528] masked %parallel_loop3A_524 {strides = array<i32>} : memref<1040xf32, #tpu.memory_space<vmem>>, vector<16xf32>, vector<16xi1>
            tpu.vector_store %arg7[%parallel_loop3A_528], %parallel_loop3A_522 masked %parallel_loop3A_524 {strides = array<i32>} : memref<1040xf32, #tpu.memory_space<vmem>>, vector<16xf32>, vector<16xi1>
            %parallel_loop3A_530 = arith.constant 32 : i32
            %parallel_loop3A_531 = arith.addi %parallel_loop3A_475, %parallel_loop3A_530 : i32
            %parallel_loop3A_532 = vector.broadcast %parallel_loop3A_531 : i32 to vector<16xi32>
            %parallel_loop3A_533 = arith.addi %iota3A, %parallel_loop3A_532 : vector<16xi32>
            %parallel_loop3A_534 = arith.index_cast %parallel_loop3A_517 : i32 to index
            %parallel_loop3A_535 = tpu.vector_load %arg8[%parallel_loop3A_534] masked %parallel_loop3A_524 {strides = array<i32>} : memref<1040xi32, #tpu.memory_space<vmem>>, vector<16xi32>, vector<16xi1>
            tpu.vector_store %arg8[%parallel_loop3A_534], %parallel_loop3A_533 masked %parallel_loop3A_524 {strides = array<i32>} : memref<1040xi32, #tpu.memory_space<vmem>>, vector<16xi32>, vector<16xi1>
            %parallel_loop3A_536 = arith.addi %parallel_loop3A_517, %parallel_loop3A_527 : i32
            %parallel_loop3A_537 = arith.constant 1024 : i32
            %parallel_loop3A_538 = arith.minsi %parallel_loop3A_536, %parallel_loop3A_537 : i32
            %parallel_loop3A_539 = arith.constant 48 : i32
            %parallel_loop3A_540 = arith.addi %parallel_loop3A_475, %parallel_loop3A_539 : i32
            %parallel_loop3A_541 = arith.index_cast %and3A_41 : i32 to index
            %parallel_loop3A_542 = arith.index_cast %parallel_loop3A_540 : i32 to index
            %parallel_loop3A_543 = tpu.vector_load %arg4[%parallel_loop3A_541, %parallel_loop3A_542] {strides = array<i32>} : memref<2x32768xf32, #tpu.memory_space<vmem>>, vector<16xf32>,
            %parallel_loop3A_544 = vector.broadcast %squeeze3A : f32 to vector<16xf32>
            %parallel_loop3A_545 = arith.cmpf oge, %parallel_loop3A_543, %parallel_loop3A_544 : vector<16xf32>
            %parallel_loop3A_546 = tpu.all_reduce %parallel_loop3A_545 {dim = 0 : i64, kind = #tpu.reduction_kind<sum>} : vector<16xi1> -> vector<16xi32>
            %parallel_loop3A_547 = vector.extract_strided_slice %parallel_loop3A_546 {offsets = [0], sizes = [1], strides = [1]} : vector<16xi32> to vector<1xi32>
            %parallel_loop3A_548 = vector.extract %parallel_loop3A_547[0] : i32 from vector<1xi32>
            %parallel_loop3A_549 = arith.index_cast %parallel_loop3A_538 : i32 to index
            %parallel_loop3A_550 = tpu.vector_load %arg7[%parallel_loop3A_549] masked %parallel_loop3A_545 {strides = array<i32>} : memref<1040xf32, #tpu.memory_space<vmem>>, vector<16xf32>, vector<16xi1>
            tpu.vector_store %arg7[%parallel_loop3A_549], %parallel_loop3A_543 masked %parallel_loop3A_545 {strides = array<i32>} : memref<1040xf32, #tpu.memory_space<vmem>>, vector<16xf32>, vector<16xi1>
            %parallel_loop3A_551 = arith.constant 48 : i32
            %parallel_loop3A_552 = arith.addi %parallel_loop3A_475, %parallel_loop3A_551 : i32
            %parallel_loop3A_553 = vector.broadcast %parallel_loop3A_552 : i32 to vector<16xi32>
            %parallel_loop3A_554 = arith.addi %iota3A, %parallel_loop3A_553 : vector<16xi32>
            %parallel_loop3A_555 = arith.index_cast %parallel_loop3A_538 : i32 to index
            %parallel_loop3A_556 = tpu.vector_load %arg8[%parallel_loop3A_555] masked %parallel_loop3A_545 {strides = array<i32>} : memref<1040xi32, #tpu.memory_space<vmem>>, vector<16xi32>, vector<16xi1>
            tpu.vector_store %arg8[%parallel_loop3A_555], %parallel_loop3A_554 masked %parallel_loop3A_545 {strides = array<i32>} : memref<1040xi32, #tpu.memory_space<vmem>>, vector<16xi32>, vector<16xi1>
            %parallel_loop3A_557 = arith.addi %parallel_loop3A_538, %parallel_loop3A_548 : i32
            %parallel_loop3A_558 = arith.constant 1024 : i32
            %parallel_loop3A_559 = arith.minsi %parallel_loop3A_557, %parallel_loop3A_558 : i32
            %parallel_loop3A_560 = arith.constant 64 : i32
            %parallel_loop3A_561 = arith.addi %parallel_loop3A_475, %parallel_loop3A_560 : i32
            %parallel_loop3A_562 = arith.index_cast %and3A_41 : i32 to index
            %parallel_loop3A_563 = arith.index_cast %parallel_loop3A_561 : i32 to index
            %parallel_loop3A_564 = tpu.vector_load %arg4[%parallel_loop3A_562, %parallel_loop3A_563] {strides = array<i32>} : memref<2x32768xf32, #tpu.memory_space<vmem>>, vector<16xf32>,
            %parallel_loop3A_565 = vector.broadcast %squeeze3A : f32 to vector<16xf32>
            %parallel_loop3A_566 = arith.cmpf oge, %parallel_loop3A_564, %parallel_loop3A_565 : vector<16xf32>
            %parallel_loop3A_567 = tpu.all_reduce %parallel_loop3A_566 {dim = 0 : i64, kind = #tpu.reduction_kind<sum>} : vector<16xi1> -> vector<16xi32>
            %parallel_loop3A_568 = vector.extract_strided_slice %parallel_loop3A_567 {offsets = [0], sizes = [1], strides = [1]} : vector<16xi32> to vector<1xi32>
            %parallel_loop3A_569 = vector.extract %parallel_loop3A_568[0] : i32 from vector<1xi32>
            %parallel_loop3A_570 = arith.index_cast %parallel_loop3A_559 : i32 to index
            %parallel_loop3A_571 = tpu.vector_load %arg7[%parallel_loop3A_570] masked %parallel_loop3A_566 {strides = array<i32>} : memref<1040xf32, #tpu.memory_space<vmem>>, vector<16xf32>, vector<16xi1>
            tpu.vector_store %arg7[%parallel_loop3A_570], %parallel_loop3A_564 masked %parallel_loop3A_566 {strides = array<i32>} : memref<1040xf32, #tpu.memory_space<vmem>>, vector<16xf32>, vector<16xi1>
            %parallel_loop3A_572 = arith.constant 64 : i32
            %parallel_loop3A_573 = arith.addi %parallel_loop3A_475, %parallel_loop3A_572 : i32
            %parallel_loop3A_574 = vector.broadcast %parallel_loop3A_573 : i32 to vector<16xi32>
            %parallel_loop3A_575 = arith.addi %iota3A, %parallel_loop3A_574 : vector<16xi32>
            %parallel_loop3A_576 = arith.index_cast %parallel_loop3A_559 : i32 to index
            %parallel_loop3A_577 = tpu.vector_load %arg8[%parallel_loop3A_576] masked %parallel_loop3A_566 {strides = array<i32>} : memref<1040xi32, #tpu.memory_space<vmem>>, vector<16xi32>, vector<16xi1>
            tpu.vector_store %arg8[%parallel_loop3A_576], %parallel_loop3A_575 masked %parallel_loop3A_566 {strides = array<i32>} : memref<1040xi32, #tpu.memory_space<vmem>>, vector<16xi32>, vector<16xi1>
            %parallel_loop3A_578 = arith.addi %parallel_loop3A_559, %parallel_loop3A_569 : i32
            %parallel_loop3A_579 = arith.constant 1024 : i32
            %parallel_loop3A_580 = arith.minsi %parallel_loop3A_578, %parallel_loop3A_579 : i32
            %parallel_loop3A_581 = arith.constant 80 : i32
            %parallel_loop3A_582 = arith.addi %parallel_loop3A_475, %parallel_loop3A_581 : i32
            %parallel_loop3A_583 = arith.index_cast %and3A_41 : i32 to index
            %parallel_loop3A_584 = arith.index_cast %parallel_loop3A_582 : i32 to index
            %parallel_loop3A_585 = tpu.vector_load %arg4[%parallel_loop3A_583, %parallel_loop3A_584] {strides = array<i32>} : memref<2x32768xf32, #tpu.memory_space<vmem>>, vector<16xf32>,
            %parallel_loop3A_586 = vector.broadcast %squeeze3A : f32 to vector<16xf32>
            %parallel_loop3A_587 = arith.cmpf oge, %parallel_loop3A_585, %parallel_loop3A_586 : vector<16xf32>
            %parallel_loop3A_588 = tpu.all_reduce %parallel_loop3A_587 {dim = 0 : i64, kind = #tpu.reduction_kind<sum>} : vector<16xi1> -> vector<16xi32>
            %parallel_loop3A_589 = vector.extract_strided_slice %parallel_loop3A_588 {offsets = [0], sizes = [1], strides = [1]} : vector<16xi32> to vector<1xi32>
            %parallel_loop3A_590 = vector.extract %parallel_loop3A_589[0] : i32 from vector<1xi32>
            %parallel_loop3A_591 = arith.index_cast %parallel_loop3A_580 : i32 to index
            %parallel_loop3A_592 = tpu.vector_load %arg7[%parallel_loop3A_591] masked %parallel_loop3A_587 {strides = array<i32>} : memref<1040xf32, #tpu.memory_space<vmem>>, vector<16xf32>, vector<16xi1>
            tpu.vector_store %arg7[%parallel_loop3A_591], %parallel_loop3A_585 masked %parallel_loop3A_587 {strides = array<i32>} : memref<1040xf32, #tpu.memory_space<vmem>>, vector<16xf32>, vector<16xi1>
            %parallel_loop3A_593 = arith.constant 80 : i32
            %parallel_loop3A_594 = arith.addi %parallel_loop3A_475, %parallel_loop3A_593 : i32
            %parallel_loop3A_595 = vector.broadcast %parallel_loop3A_594 : i32 to vector<16xi32>
            %parallel_loop3A_596 = arith.addi %iota3A, %parallel_loop3A_595 : vector<16xi32>
            %parallel_loop3A_597 = arith.index_cast %parallel_loop3A_580 : i32 to index
            %parallel_loop3A_598 = tpu.vector_load %arg8[%parallel_loop3A_597] masked %parallel_loop3A_587 {strides = array<i32>} : memref<1040xi32, #tpu.memory_space<vmem>>, vector<16xi32>, vector<16xi1>
            tpu.vector_store %arg8[%parallel_loop3A_597], %parallel_loop3A_596 masked %parallel_loop3A_587 {strides = array<i32>} : memref<1040xi32, #tpu.memory_space<vmem>>, vector<16xi32>, vector<16xi1>
            %parallel_loop3A_599 = arith.addi %parallel_loop3A_580, %parallel_loop3A_590 : i32
            %parallel_loop3A_600 = arith.constant 1024 : i32
            %parallel_loop3A_601 = arith.minsi %parallel_loop3A_599, %parallel_loop3A_600 : i32
            %parallel_loop3A_602 = arith.constant 96 : i32
            %parallel_loop3A_603 = arith.addi %parallel_loop3A_475, %parallel_loop3A_602 : i32
            %parallel_loop3A_604 = arith.index_cast %and3A_41 : i32 to index
            %parallel_loop3A_605 = arith.index_cast %parallel_loop3A_603 : i32 to index
            %parallel_loop3A_606 = tpu.vector_load %arg4[%parallel_loop3A_604, %parallel_loop3A_605] {strides = array<i32>} : memref<2x32768xf32, #tpu.memory_space<vmem>>, vector<16xf32>,
            %parallel_loop3A_607 = vector.broadcast %squeeze3A : f32 to vector<16xf32>
            %parallel_loop3A_608 = arith.cmpf oge, %parallel_loop3A_606, %parallel_loop3A_607 : vector<16xf32>
            %parallel_loop3A_609 = tpu.all_reduce %parallel_loop3A_608 {dim = 0 : i64, kind = #tpu.reduction_kind<sum>} : vector<16xi1> -> vector<16xi32>
            %parallel_loop3A_610 = vector.extract_strided_slice %parallel_loop3A_609 {offsets = [0], sizes = [1], strides = [1]} : vector<16xi32> to vector<1xi32>
            %parallel_loop3A_611 = vector.extract %parallel_loop3A_610[0] : i32 from vector<1xi32>
            %parallel_loop3A_612 = arith.index_cast %parallel_loop3A_601 : i32 to index
            %parallel_loop3A_613 = tpu.vector_load %arg7[%parallel_loop3A_612] masked %parallel_loop3A_608 {strides = array<i32>} : memref<1040xf32, #tpu.memory_space<vmem>>, vector<16xf32>, vector<16xi1>
            tpu.vector_store %arg7[%parallel_loop3A_612], %parallel_loop3A_606 masked %parallel_loop3A_608 {strides = array<i32>} : memref<1040xf32, #tpu.memory_space<vmem>>, vector<16xf32>, vector<16xi1>
            %parallel_loop3A_614 = arith.constant 96 : i32
            %parallel_loop3A_615 = arith.addi %parallel_loop3A_475, %parallel_loop3A_614 : i32
            %parallel_loop3A_616 = vector.broadcast %parallel_loop3A_615 : i32 to vector<16xi32>
            %parallel_loop3A_617 = arith.addi %iota3A, %parallel_loop3A_616 : vector<16xi32>
            %parallel_loop3A_618 = arith.index_cast %parallel_loop3A_601 : i32 to index
            %parallel_loop3A_619 = tpu.vector_load %arg8[%parallel_loop3A_618] masked %parallel_loop3A_608 {strides = array<i32>} : memref<1040xi32, #tpu.memory_space<vmem>>, vector<16xi32>, vector<16xi1>
            tpu.vector_store %arg8[%parallel_loop3A_618], %parallel_loop3A_617 masked %parallel_loop3A_608 {strides = array<i32>} : memref<1040xi32, #tpu.memory_space<vmem>>, vector<16xi32>, vector<16xi1>
            %parallel_loop3A_620 = arith.addi %parallel_loop3A_601, %parallel_loop3A_611 : i32
            %parallel_loop3A_621 = arith.constant 1024 : i32
            %parallel_loop3A_622 = arith.minsi %parallel_loop3A_620, %parallel_loop3A_621 : i32
            %parallel_loop3A_623 = arith.constant 112 : i32
            %parallel_loop3A_624 = arith.addi %parallel_loop3A_475, %parallel_loop3A_623 : i32
            %parallel_loop3A_625 = arith.index_cast %and3A_41 : i32 to index
            %parallel_loop3A_626 = arith.index_cast %parallel_loop3A_624 : i32 to index
            %parallel_loop3A_627 = tpu.vector_load %arg4[%parallel_loop3A_625, %parallel_loop3A_626] {strides = array<i32>} : memref<2x32768xf32, #tpu.memory_space<vmem>>, vector<16xf32>,
            %parallel_loop3A_628 = vector.broadcast %squeeze3A : f32 to vector<16xf32>
            %parallel_loop3A_629 = arith.cmpf oge, %parallel_loop3A_627, %parallel_loop3A_628 : vector<16xf32>
            %parallel_loop3A_630 = tpu.all_reduce %parallel_loop3A_629 {dim = 0 : i64, kind = #tpu.reduction_kind<sum>} : vector<16xi1> -> vector<16xi32>
            %parallel_loop3A_631 = vector.extract_strided_slice %parallel_loop3A_630 {offsets = [0], sizes = [1], strides = [1]} : vector<16xi32> to vector<1xi32>
            %parallel_loop3A_632 = vector.extract %parallel_loop3A_631[0] : i32 from vector<1xi32>
            %parallel_loop3A_633 = arith.index_cast %parallel_loop3A_622 : i32 to index
            %parallel_loop3A_634 = tpu.vector_load %arg7[%parallel_loop3A_633] masked %parallel_loop3A_629 {strides = array<i32>} : memref<1040xf32, #tpu.memory_space<vmem>>, vector<16xf32>, vector<16xi1>
            tpu.vector_store %arg7[%parallel_loop3A_633], %parallel_loop3A_627 masked %parallel_loop3A_629 {strides = array<i32>} : memref<1040xf32, #tpu.memory_space<vmem>>, vector<16xf32>, vector<16xi1>
            %parallel_loop3A_635 = arith.constant 112 : i32
            %parallel_loop3A_636 = arith.addi %parallel_loop3A_475, %parallel_loop3A_635 : i32
            %parallel_loop3A_637 = vector.broadcast %parallel_loop3A_636 : i32 to vector<16xi32>
            %parallel_loop3A_638 = arith.addi %iota3A, %parallel_loop3A_637 : vector<16xi32>
            %parallel_loop3A_639 = arith.index_cast %parallel_loop3A_622 : i32 to index
            %parallel_loop3A_640 = tpu.vector_load %arg8[%parallel_loop3A_639] masked %parallel_loop3A_629 {strides = array<i32>} : memref<1040xi32, #tpu.memory_space<vmem>>, vector<16xi32>, vector<16xi1>
            tpu.vector_store %arg8[%parallel_loop3A_639], %parallel_loop3A_638 masked %parallel_loop3A_629 {strides = array<i32>} : memref<1040xi32, #tpu.memory_space<vmem>>, vector<16xi32>, vector<16xi1>
            %parallel_loop3A_641 = arith.addi %parallel_loop3A_622, %parallel_loop3A_632 : i32
            %parallel_loop3A_642 = arith.constant 1024 : i32
            %parallel_loop3A_643 = arith.minsi %parallel_loop3A_641, %parallel_loop3A_642 : i32
            scf.yield %parallel_loop3A_643 : i32
          } else {
            scf.yield %parallel_loop3A_389 : i32
          }
          %parallel_loop3A_445 = tpu.all_reduce %parallel_loop3A_419 {dim = 0 : i64, kind = #tpu.reduction_kind<sum>} : vector<16xi1> -> vector<16xi32>
          %parallel_loop3A_446 = vector.extract_strided_slice %parallel_loop3A_445 {offsets = [0], sizes = [1], strides = [1]} : vector<16xi32> to vector<1xi32>
          %parallel_loop3A_447 = vector.extract %parallel_loop3A_446[0] : i32 from vector<1xi32>
          %parallel_loop3A_448 = arith.constant 0 : i32
          %parallel_loop3A_449 = arith.cmpi sgt, %parallel_loop3A_447, %parallel_loop3A_448 : i32
          %parallel_loop3A_450 = arith.extui %parallel_loop3A_449 : i1 to i32
          %parallel_loop3A_451 = arith.constant 0 : i32
          %parallel_loop3A_452 = arith.cmpi ne, %parallel_loop3A_450, %parallel_loop3A_451 : i32
          %parallel_loop3A_453 = scf.if %parallel_loop3A_452 -> (i32) {
            %parallel_loop3A_472 = arith.constant 1 : i32
            %parallel_loop3A_473 = arith.addi %parallel_loop3A_391, %parallel_loop3A_472 : i32
            %parallel_loop3A_474 = arith.constant 128 : i32
            %parallel_loop3A_475 = arith.muli %parallel_loop3A_473, %parallel_loop3A_474 : i32
            %parallel_loop3A_476 = arith.constant 0 : i32
            %parallel_loop3A_477 = arith.addi %parallel_loop3A_475, %parallel_loop3A_476 : i32
            %parallel_loop3A_478 = arith.index_cast %and3A_41 : i32 to index
            %parallel_loop3A_479 = arith.index_cast %parallel_loop3A_477 : i32 to index
            %parallel_loop3A_480 = tpu.vector_load %arg4[%parallel_loop3A_478, %parallel_loop3A_479] {strides = array<i32>} : memref<2x32768xf32, #tpu.memory_space<vmem>>, vector<16xf32>,
            %parallel_loop3A_481 = vector.broadcast %squeeze3A : f32 to vector<16xf32>
            %parallel_loop3A_482 = arith.cmpf oge, %parallel_loop3A_480, %parallel_loop3A_481 : vector<16xf32>
            %parallel_loop3A_483 = tpu.all_reduce %parallel_loop3A_482 {dim = 0 : i64, kind = #tpu.reduction_kind<sum>} : vector<16xi1> -> vector<16xi32>
            %parallel_loop3A_484 = vector.extract_strided_slice %parallel_loop3A_483 {offsets = [0], sizes = [1], strides = [1]} : vector<16xi32> to vector<1xi32>
            %parallel_loop3A_485 = vector.extract %parallel_loop3A_484[0] : i32 from vector<1xi32>
            %parallel_loop3A_486 = arith.index_cast %parallel_loop3A_444 : i32 to index
            %parallel_loop3A_487 = tpu.vector_load %arg7[%parallel_loop3A_486] masked %parallel_loop3A_482 {strides = array<i32>} : memref<1040xf32, #tpu.memory_space<vmem>>, vector<16xf32>, vector<16xi1>
            tpu.vector_store %arg7[%parallel_loop3A_486], %parallel_loop3A_480 masked %parallel_loop3A_482 {strides = array<i32>} : memref<1040xf32, #tpu.memory_space<vmem>>, vector<16xf32>, vector<16xi1>
            %parallel_loop3A_488 = arith.constant 0 : i32
            %parallel_loop3A_489 = arith.addi %parallel_loop3A_475, %parallel_loop3A_488 : i32
            %parallel_loop3A_490 = vector.broadcast %parallel_loop3A_489 : i32 to vector<16xi32>
            %parallel_loop3A_491 = arith.addi %iota3A, %parallel_loop3A_490 : vector<16xi32>
            %parallel_loop3A_492 = arith.index_cast %parallel_loop3A_444 : i32 to index
            %parallel_loop3A_493 = tpu.vector_load %arg8[%parallel_loop3A_492] masked %parallel_loop3A_482 {strides = array<i32>} : memref<1040xi32, #tpu.memory_space<vmem>>, vector<16xi32>, vector<16xi1>
            tpu.vector_store %arg8[%parallel_loop3A_492], %parallel_loop3A_491 masked %parallel_loop3A_482 {strides = array<i32>} : memref<1040xi32, #tpu.memory_space<vmem>>, vector<16xi32>, vector<16xi1>
            %parallel_loop3A_494 = arith.addi %parallel_loop3A_444, %parallel_loop3A_485 : i32
            %parallel_loop3A_495 = arith.constant 1024 : i32
            %parallel_loop3A_496 = arith.minsi %parallel_loop3A_494, %parallel_loop3A_495 : i32
            %parallel_loop3A_497 = arith.constant 16 : i32
            %parallel_loop3A_498 = arith.addi %parallel_loop3A_475, %parallel_loop3A_497 : i32
            %parallel_loop3A_499 = arith.index_cast %and3A_41 : i32 to index
            %parallel_loop3A_500 = arith.index_cast %parallel_loop3A_498 : i32 to index
            %parallel_loop3A_501 = tpu.vector_load %arg4[%parallel_loop3A_499, %parallel_loop3A_500] {strides = array<i32>} : memref<2x32768xf32, #tpu.memory_space<vmem>>, vector<16xf32>,
            %parallel_loop3A_502 = vector.broadcast %squeeze3A : f32 to vector<16xf32>
            %parallel_loop3A_503 = arith.cmpf oge, %parallel_loop3A_501, %parallel_loop3A_502 : vector<16xf32>
            %parallel_loop3A_504 = tpu.all_reduce %parallel_loop3A_503 {dim = 0 : i64, kind = #tpu.reduction_kind<sum>} : vector<16xi1> -> vector<16xi32>
            %parallel_loop3A_505 = vector.extract_strided_slice %parallel_loop3A_504 {offsets = [0], sizes = [1], strides = [1]} : vector<16xi32> to vector<1xi32>
            %parallel_loop3A_506 = vector.extract %parallel_loop3A_505[0] : i32 from vector<1xi32>
            %parallel_loop3A_507 = arith.index_cast %parallel_loop3A_496 : i32 to index
            %parallel_loop3A_508 = tpu.vector_load %arg7[%parallel_loop3A_507] masked %parallel_loop3A_503 {strides = array<i32>} : memref<1040xf32, #tpu.memory_space<vmem>>, vector<16xf32>, vector<16xi1>
            tpu.vector_store %arg7[%parallel_loop3A_507], %parallel_loop3A_501 masked %parallel_loop3A_503 {strides = array<i32>} : memref<1040xf32, #tpu.memory_space<vmem>>, vector<16xf32>, vector<16xi1>
            %parallel_loop3A_509 = arith.constant 16 : i32
            %parallel_loop3A_510 = arith.addi %parallel_loop3A_475, %parallel_loop3A_509 : i32
            %parallel_loop3A_511 = vector.broadcast %parallel_loop3A_510 : i32 to vector<16xi32>
            %parallel_loop3A_512 = arith.addi %iota3A, %parallel_loop3A_511 : vector<16xi32>
            %parallel_loop3A_513 = arith.index_cast %parallel_loop3A_496 : i32 to index
            %parallel_loop3A_514 = tpu.vector_load %arg8[%parallel_loop3A_513] masked %parallel_loop3A_503 {strides = array<i32>} : memref<1040xi32, #tpu.memory_space<vmem>>, vector<16xi32>, vector<16xi1>
            tpu.vector_store %arg8[%parallel_loop3A_513], %parallel_loop3A_512 masked %parallel_loop3A_503 {strides = array<i32>} : memref<1040xi32, #tpu.memory_space<vmem>>, vector<16xi32>, vector<16xi1>
            %parallel_loop3A_515 = arith.addi %parallel_loop3A_496, %parallel_loop3A_506 : i32
            %parallel_loop3A_516 = arith.constant 1024 : i32
            %parallel_loop3A_517 = arith.minsi %parallel_loop3A_515, %parallel_loop3A_516 : i32
            %parallel_loop3A_518 = arith.constant 32 : i32
            %parallel_loop3A_519 = arith.addi %parallel_loop3A_475, %parallel_loop3A_518 : i32
            %parallel_loop3A_520 = arith.index_cast %and3A_41 : i32 to index
            %parallel_loop3A_521 = arith.index_cast %parallel_loop3A_519 : i32 to index
            %parallel_loop3A_522 = tpu.vector_load %arg4[%parallel_loop3A_520, %parallel_loop3A_521] {strides = array<i32>} : memref<2x32768xf32, #tpu.memory_space<vmem>>, vector<16xf32>,
            %parallel_loop3A_523 = vector.broadcast %squeeze3A : f32 to vector<16xf32>
            %parallel_loop3A_524 = arith.cmpf oge, %parallel_loop3A_522, %parallel_loop3A_523 : vector<16xf32>
            %parallel_loop3A_525 = tpu.all_reduce %parallel_loop3A_524 {dim = 0 : i64, kind = #tpu.reduction_kind<sum>} : vector<16xi1> -> vector<16xi32>
            %parallel_loop3A_526 = vector.extract_strided_slice %parallel_loop3A_525 {offsets = [0], sizes = [1], strides = [1]} : vector<16xi32> to vector<1xi32>
            %parallel_loop3A_527 = vector.extract %parallel_loop3A_526[0] : i32 from vector<1xi32>
            %parallel_loop3A_528 = arith.index_cast %parallel_loop3A_517 : i32 to index
            %parallel_loop3A_529 = tpu.vector_load %arg7[%parallel_loop3A_528] masked %parallel_loop3A_524 {strides = array<i32>} : memref<1040xf32, #tpu.memory_space<vmem>>, vector<16xf32>, vector<16xi1>
            tpu.vector_store %arg7[%parallel_loop3A_528], %parallel_loop3A_522 masked %parallel_loop3A_524 {strides = array<i32>} : memref<1040xf32, #tpu.memory_space<vmem>>, vector<16xf32>, vector<16xi1>
            %parallel_loop3A_530 = arith.constant 32 : i32
            %parallel_loop3A_531 = arith.addi %parallel_loop3A_475, %parallel_loop3A_530 : i32
            %parallel_loop3A_532 = vector.broadcast %parallel_loop3A_531 : i32 to vector<16xi32>
            %parallel_loop3A_533 = arith.addi %iota3A, %parallel_loop3A_532 : vector<16xi32>
            %parallel_loop3A_534 = arith.index_cast %parallel_loop3A_517 : i32 to index
            %parallel_loop3A_535 = tpu.vector_load %arg8[%parallel_loop3A_534] masked %parallel_loop3A_524 {strides = array<i32>} : memref<1040xi32, #tpu.memory_space<vmem>>, vector<16xi32>, vector<16xi1>
            tpu.vector_store %arg8[%parallel_loop3A_534], %parallel_loop3A_533 masked %parallel_loop3A_524 {strides = array<i32>} : memref<1040xi32, #tpu.memory_space<vmem>>, vector<16xi32>, vector<16xi1>
            %parallel_loop3A_536 = arith.addi %parallel_loop3A_517, %parallel_loop3A_527 : i32
            %parallel_loop3A_537 = arith.constant 1024 : i32
            %parallel_loop3A_538 = arith.minsi %parallel_loop3A_536, %parallel_loop3A_537 : i32
            %parallel_loop3A_539 = arith.constant 48 : i32
            %parallel_loop3A_540 = arith.addi %parallel_loop3A_475, %parallel_loop3A_539 : i32
            %parallel_loop3A_541 = arith.index_cast %and3A_41 : i32 to index
            %parallel_loop3A_542 = arith.index_cast %parallel_loop3A_540 : i32 to index
            %parallel_loop3A_543 = tpu.vector_load %arg4[%parallel_loop3A_541, %parallel_loop3A_542] {strides = array<i32>} : memref<2x32768xf32, #tpu.memory_space<vmem>>, vector<16xf32>,
            %parallel_loop3A_544 = vector.broadcast %squeeze3A : f32 to vector<16xf32>
            %parallel_loop3A_545 = arith.cmpf oge, %parallel_loop3A_543, %parallel_loop3A_544 : vector<16xf32>
            %parallel_loop3A_546 = tpu.all_reduce %parallel_loop3A_545 {dim = 0 : i64, kind = #tpu.reduction_kind<sum>} : vector<16xi1> -> vector<16xi32>
            %parallel_loop3A_547 = vector.extract_strided_slice %parallel_loop3A_546 {offsets = [0], sizes = [1], strides = [1]} : vector<16xi32> to vector<1xi32>
            %parallel_loop3A_548 = vector.extract %parallel_loop3A_547[0] : i32 from vector<1xi32>
            %parallel_loop3A_549 = arith.index_cast %parallel_loop3A_538 : i32 to index
            %parallel_loop3A_550 = tpu.vector_load %arg7[%parallel_loop3A_549] masked %parallel_loop3A_545 {strides = array<i32>} : memref<1040xf32, #tpu.memory_space<vmem>>, vector<16xf32>, vector<16xi1>
            tpu.vector_store %arg7[%parallel_loop3A_549], %parallel_loop3A_543 masked %parallel_loop3A_545 {strides = array<i32>} : memref<1040xf32, #tpu.memory_space<vmem>>, vector<16xf32>, vector<16xi1>
            %parallel_loop3A_551 = arith.constant 48 : i32
            %parallel_loop3A_552 = arith.addi %parallel_loop3A_475, %parallel_loop3A_551 : i32
            %parallel_loop3A_553 = vector.broadcast %parallel_loop3A_552 : i32 to vector<16xi32>
            %parallel_loop3A_554 = arith.addi %iota3A, %parallel_loop3A_553 : vector<16xi32>
            %parallel_loop3A_555 = arith.index_cast %parallel_loop3A_538 : i32 to index
            %parallel_loop3A_556 = tpu.vector_load %arg8[%parallel_loop3A_555] masked %parallel_loop3A_545 {strides = array<i32>} : memref<1040xi32, #tpu.memory_space<vmem>>, vector<16xi32>, vector<16xi1>
            tpu.vector_store %arg8[%parallel_loop3A_555], %parallel_loop3A_554 masked %parallel_loop3A_545 {strides = array<i32>} : memref<1040xi32, #tpu.memory_space<vmem>>, vector<16xi32>, vector<16xi1>
            %parallel_loop3A_557 = arith.addi %parallel_loop3A_538, %parallel_loop3A_548 : i32
            %parallel_loop3A_558 = arith.constant 1024 : i32
            %parallel_loop3A_559 = arith.minsi %parallel_loop3A_557, %parallel_loop3A_558 : i32
            %parallel_loop3A_560 = arith.constant 64 : i32
            %parallel_loop3A_561 = arith.addi %parallel_loop3A_475, %parallel_loop3A_560 : i32
            %parallel_loop3A_562 = arith.index_cast %and3A_41 : i32 to index
            %parallel_loop3A_563 = arith.index_cast %parallel_loop3A_561 : i32 to index
            %parallel_loop3A_564 = tpu.vector_load %arg4[%parallel_loop3A_562, %parallel_loop3A_563] {strides = array<i32>} : memref<2x32768xf32, #tpu.memory_space<vmem>>, vector<16xf32>,
            %parallel_loop3A_565 = vector.broadcast %squeeze3A : f32 to vector<16xf32>
            %parallel_loop3A_566 = arith.cmpf oge, %parallel_loop3A_564, %parallel_loop3A_565 : vector<16xf32>
            %parallel_loop3A_567 = tpu.all_reduce %parallel_loop3A_566 {dim = 0 : i64, kind = #tpu.reduction_kind<sum>} : vector<16xi1> -> vector<16xi32>
            %parallel_loop3A_568 = vector.extract_strided_slice %parallel_loop3A_567 {offsets = [0], sizes = [1], strides = [1]} : vector<16xi32> to vector<1xi32>
            %parallel_loop3A_569 = vector.extract %parallel_loop3A_568[0] : i32 from vector<1xi32>
            %parallel_loop3A_570 = arith.index_cast %parallel_loop3A_559 : i32 to index
            %parallel_loop3A_571 = tpu.vector_load %arg7[%parallel_loop3A_570] masked %parallel_loop3A_566 {strides = array<i32>} : memref<1040xf32, #tpu.memory_space<vmem>>, vector<16xf32>, vector<16xi1>
            tpu.vector_store %arg7[%parallel_loop3A_570], %parallel_loop3A_564 masked %parallel_loop3A_566 {strides = array<i32>} : memref<1040xf32, #tpu.memory_space<vmem>>, vector<16xf32>, vector<16xi1>
            %parallel_loop3A_572 = arith.constant 64 : i32
            %parallel_loop3A_573 = arith.addi %parallel_loop3A_475, %parallel_loop3A_572 : i32
            %parallel_loop3A_574 = vector.broadcast %parallel_loop3A_573 : i32 to vector<16xi32>
            %parallel_loop3A_575 = arith.addi %iota3A, %parallel_loop3A_574 : vector<16xi32>
            %parallel_loop3A_576 = arith.index_cast %parallel_loop3A_559 : i32 to index
            %parallel_loop3A_577 = tpu.vector_load %arg8[%parallel_loop3A_576] masked %parallel_loop3A_566 {strides = array<i32>} : memref<1040xi32, #tpu.memory_space<vmem>>, vector<16xi32>, vector<16xi1>
            tpu.vector_store %arg8[%parallel_loop3A_576], %parallel_loop3A_575 masked %parallel_loop3A_566 {strides = array<i32>} : memref<1040xi32, #tpu.memory_space<vmem>>, vector<16xi32>, vector<16xi1>
            %parallel_loop3A_578 = arith.addi %parallel_loop3A_559, %parallel_loop3A_569 : i32
            %parallel_loop3A_579 = arith.constant 1024 : i32
            %parallel_loop3A_580 = arith.minsi %parallel_loop3A_578, %parallel_loop3A_579 : i32
            %parallel_loop3A_581 = arith.constant 80 : i32
            %parallel_loop3A_582 = arith.addi %parallel_loop3A_475, %parallel_loop3A_581 : i32
            %parallel_loop3A_583 = arith.index_cast %and3A_41 : i32 to index
            %parallel_loop3A_584 = arith.index_cast %parallel_loop3A_582 : i32 to index
            %parallel_loop3A_585 = tpu.vector_load %arg4[%parallel_loop3A_583, %parallel_loop3A_584] {strides = array<i32>} : memref<2x32768xf32, #tpu.memory_space<vmem>>, vector<16xf32>,
            %parallel_loop3A_586 = vector.broadcast %squeeze3A : f32 to vector<16xf32>
            %parallel_loop3A_587 = arith.cmpf oge, %parallel_loop3A_585, %parallel_loop3A_586 : vector<16xf32>
            %parallel_loop3A_588 = tpu.all_reduce %parallel_loop3A_587 {dim = 0 : i64, kind = #tpu.reduction_kind<sum>} : vector<16xi1> -> vector<16xi32>
            %parallel_loop3A_589 = vector.extract_strided_slice %parallel_loop3A_588 {offsets = [0], sizes = [1], strides = [1]} : vector<16xi32> to vector<1xi32>
            %parallel_loop3A_590 = vector.extract %parallel_loop3A_589[0] : i32 from vector<1xi32>
            %parallel_loop3A_591 = arith.index_cast %parallel_loop3A_580 : i32 to index
            %parallel_loop3A_592 = tpu.vector_load %arg7[%parallel_loop3A_591] masked %parallel_loop3A_587 {strides = array<i32>} : memref<1040xf32, #tpu.memory_space<vmem>>, vector<16xf32>, vector<16xi1>
            tpu.vector_store %arg7[%parallel_loop3A_591], %parallel_loop3A_585 masked %parallel_loop3A_587 {strides = array<i32>} : memref<1040xf32, #tpu.memory_space<vmem>>, vector<16xf32>, vector<16xi1>
            %parallel_loop3A_593 = arith.constant 80 : i32
            %parallel_loop3A_594 = arith.addi %parallel_loop3A_475, %parallel_loop3A_593 : i32
            %parallel_loop3A_595 = vector.broadcast %parallel_loop3A_594 : i32 to vector<16xi32>
            %parallel_loop3A_596 = arith.addi %iota3A, %parallel_loop3A_595 : vector<16xi32>
            %parallel_loop3A_597 = arith.index_cast %parallel_loop3A_580 : i32 to index
            %parallel_loop3A_598 = tpu.vector_load %arg8[%parallel_loop3A_597] masked %parallel_loop3A_587 {strides = array<i32>} : memref<1040xi32, #tpu.memory_space<vmem>>, vector<16xi32>, vector<16xi1>
            tpu.vector_store %arg8[%parallel_loop3A_597], %parallel_loop3A_596 masked %parallel_loop3A_587 {strides = array<i32>} : memref<1040xi32, #tpu.memory_space<vmem>>, vector<16xi32>, vector<16xi1>
            %parallel_loop3A_599 = arith.addi %parallel_loop3A_580, %parallel_loop3A_590 : i32
            %parallel_loop3A_600 = arith.constant 1024 : i32
            %parallel_loop3A_601 = arith.minsi %parallel_loop3A_599, %parallel_loop3A_600 : i32
            %parallel_loop3A_602 = arith.constant 96 : i32
            %parallel_loop3A_603 = arith.addi %parallel_loop3A_475, %parallel_loop3A_602 : i32
            %parallel_loop3A_604 = arith.index_cast %and3A_41 : i32 to index
            %parallel_loop3A_605 = arith.index_cast %parallel_loop3A_603 : i32 to index
            %parallel_loop3A_606 = tpu.vector_load %arg4[%parallel_loop3A_604, %parallel_loop3A_605] {strides = array<i32>} : memref<2x32768xf32, #tpu.memory_space<vmem>>, vector<16xf32>,
            %parallel_loop3A_607 = vector.broadcast %squeeze3A : f32 to vector<16xf32>
            %parallel_loop3A_608 = arith.cmpf oge, %parallel_loop3A_606, %parallel_loop3A_607 : vector<16xf32>
            %parallel_loop3A_609 = tpu.all_reduce %parallel_loop3A_608 {dim = 0 : i64, kind = #tpu.reduction_kind<sum>} : vector<16xi1> -> vector<16xi32>
            %parallel_loop3A_610 = vector.extract_strided_slice %parallel_loop3A_609 {offsets = [0], sizes = [1], strides = [1]} : vector<16xi32> to vector<1xi32>
            %parallel_loop3A_611 = vector.extract %parallel_loop3A_610[0] : i32 from vector<1xi32>
            %parallel_loop3A_612 = arith.index_cast %parallel_loop3A_601 : i32 to index
            %parallel_loop3A_613 = tpu.vector_load %arg7[%parallel_loop3A_612] masked %parallel_loop3A_608 {strides = array<i32>} : memref<1040xf32, #tpu.memory_space<vmem>>, vector<16xf32>, vector<16xi1>
            tpu.vector_store %arg7[%parallel_loop3A_612], %parallel_loop3A_606 masked %parallel_loop3A_608 {strides = array<i32>} : memref<1040xf32, #tpu.memory_space<vmem>>, vector<16xf32>, vector<16xi1>
            %parallel_loop3A_614 = arith.constant 96 : i32
            %parallel_loop3A_615 = arith.addi %parallel_loop3A_475, %parallel_loop3A_614 : i32
            %parallel_loop3A_616 = vector.broadcast %parallel_loop3A_615 : i32 to vector<16xi32>
            %parallel_loop3A_617 = arith.addi %iota3A, %parallel_loop3A_616 : vector<16xi32>
            %parallel_loop3A_618 = arith.index_cast %parallel_loop3A_601 : i32 to index
            %parallel_loop3A_619 = tpu.vector_load %arg8[%parallel_loop3A_618] masked %parallel_loop3A_608 {strides = array<i32>} : memref<1040xi32, #tpu.memory_space<vmem>>, vector<16xi32>, vector<16xi1>
            tpu.vector_store %arg8[%parallel_loop3A_618], %parallel_loop3A_617 masked %parallel_loop3A_608 {strides = array<i32>} : memref<1040xi32, #tpu.memory_space<vmem>>, vector<16xi32>, vector<16xi1>
            %parallel_loop3A_620 = arith.addi %parallel_loop3A_601, %parallel_loop3A_611 : i32
            %parallel_loop3A_621 = arith.constant 1024 : i32
            %parallel_loop3A_622 = arith.minsi %parallel_loop3A_620, %parallel_loop3A_621 : i32
            %parallel_loop3A_623 = arith.constant 112 : i32
            %parallel_loop3A_624 = arith.addi %parallel_loop3A_475, %parallel_loop3A_623 : i32
            %parallel_loop3A_625 = arith.index_cast %and3A_41 : i32 to index
            %parallel_loop3A_626 = arith.index_cast %parallel_loop3A_624 : i32 to index
            %parallel_loop3A_627 = tpu.vector_load %arg4[%parallel_loop3A_625, %parallel_loop3A_626] {strides = array<i32>} : memref<2x32768xf32, #tpu.memory_space<vmem>>, vector<16xf32>,
            %parallel_loop3A_628 = vector.broadcast %squeeze3A : f32 to vector<16xf32>
            %parallel_loop3A_629 = arith.cmpf oge, %parallel_loop3A_627, %parallel_loop3A_628 : vector<16xf32>
            %parallel_loop3A_630 = tpu.all_reduce %parallel_loop3A_629 {dim = 0 : i64, kind = #tpu.reduction_kind<sum>} : vector<16xi1> -> vector<16xi32>
            %parallel_loop3A_631 = vector.extract_strided_slice %parallel_loop3A_630 {offsets = [0], sizes = [1], strides = [1]} : vector<16xi32> to vector<1xi32>
            %parallel_loop3A_632 = vector.extract %parallel_loop3A_631[0] : i32 from vector<1xi32>
            %parallel_loop3A_633 = arith.index_cast %parallel_loop3A_622 : i32 to index
            %parallel_loop3A_634 = tpu.vector_load %arg7[%parallel_loop3A_633] masked %parallel_loop3A_629 {strides = array<i32>} : memref<1040xf32, #tpu.memory_space<vmem>>, vector<16xf32>, vector<16xi1>
            tpu.vector_store %arg7[%parallel_loop3A_633], %parallel_loop3A_627 masked %parallel_loop3A_629 {strides = array<i32>} : memref<1040xf32, #tpu.memory_space<vmem>>, vector<16xf32>, vector<16xi1>
            %parallel_loop3A_635 = arith.constant 112 : i32
            %parallel_loop3A_636 = arith.addi %parallel_loop3A_475, %parallel_loop3A_635 : i32
            %parallel_loop3A_637 = vector.broadcast %parallel_loop3A_636 : i32 to vector<16xi32>
            %parallel_loop3A_638 = arith.addi %iota3A, %parallel_loop3A_637 : vector<16xi32>
            %parallel_loop3A_639 = arith.index_cast %parallel_loop3A_622 : i32 to index
            %parallel_loop3A_640 = tpu.vector_load %arg8[%parallel_loop3A_639] masked %parallel_loop3A_629 {strides = array<i32>} : memref<1040xi32, #tpu.memory_space<vmem>>, vector<16xi32>, vector<16xi1>
            tpu.vector_store %arg8[%parallel_loop3A_639], %parallel_loop3A_638 masked %parallel_loop3A_629 {strides = array<i32>} : memref<1040xi32, #tpu.memory_space<vmem>>, vector<16xi32>, vector<16xi1>
            %parallel_loop3A_641 = arith.addi %parallel_loop3A_622, %parallel_loop3A_632 : i32
            %parallel_loop3A_642 = arith.constant 1024 : i32
            %parallel_loop3A_643 = arith.minsi %parallel_loop3A_641, %parallel_loop3A_642 : i32
            scf.yield %parallel_loop3A_643 : i32
          } else {
            scf.yield %parallel_loop3A_444 : i32
          }
          %parallel_loop3A_454 = tpu.all_reduce %parallel_loop3A_421 {dim = 0 : i64, kind = #tpu.reduction_kind<sum>} : vector<16xi1> -> vector<16xi32>
          %parallel_loop3A_455 = vector.extract_strided_slice %parallel_loop3A_454 {offsets = [0], sizes = [1], strides = [1]} : vector<16xi32> to vector<1xi32>
          %parallel_loop3A_456 = vector.extract %parallel_loop3A_455[0] : i32 from vector<1xi32>
          %parallel_loop3A_457 = arith.constant 0 : i32
          %parallel_loop3A_458 = arith.cmpi sgt, %parallel_loop3A_456, %parallel_loop3A_457 : i32
          %parallel_loop3A_459 = arith.extui %parallel_loop3A_458 : i1 to i32
          %parallel_loop3A_460 = arith.constant 0 : i32
          %parallel_loop3A_461 = arith.cmpi ne, %parallel_loop3A_459, %parallel_loop3A_460 : i32
          %parallel_loop3A_462 = scf.if %parallel_loop3A_461 -> (i32) {
            %parallel_loop3A_472 = arith.constant 2 : i32
            %parallel_loop3A_473 = arith.addi %parallel_loop3A_391, %parallel_loop3A_472 : i32
            %parallel_loop3A_474 = arith.constant 128 : i32
            %parallel_loop3A_475 = arith.muli %parallel_loop3A_473, %parallel_loop3A_474 : i32
            %parallel_loop3A_476 = arith.constant 0 : i32
            %parallel_loop3A_477 = arith.addi %parallel_loop3A_475, %parallel_loop3A_476 : i32
            %parallel_loop3A_478 = arith.index_cast %and3A_41 : i32 to index
            %parallel_loop3A_479 = arith.index_cast %parallel_loop3A_477 : i32 to index
            %parallel_loop3A_480 = tpu.vector_load %arg4[%parallel_loop3A_478, %parallel_loop3A_479] {strides = array<i32>} : memref<2x32768xf32, #tpu.memory_space<vmem>>, vector<16xf32>,
            %parallel_loop3A_481 = vector.broadcast %squeeze3A : f32 to vector<16xf32>
            %parallel_loop3A_482 = arith.cmpf oge, %parallel_loop3A_480, %parallel_loop3A_481 : vector<16xf32>
            %parallel_loop3A_483 = tpu.all_reduce %parallel_loop3A_482 {dim = 0 : i64, kind = #tpu.reduction_kind<sum>} : vector<16xi1> -> vector<16xi32>
            %parallel_loop3A_484 = vector.extract_strided_slice %parallel_loop3A_483 {offsets = [0], sizes = [1], strides = [1]} : vector<16xi32> to vector<1xi32>
            %parallel_loop3A_485 = vector.extract %parallel_loop3A_484[0] : i32 from vector<1xi32>
            %parallel_loop3A_486 = arith.index_cast %parallel_loop3A_453 : i32 to index
            %parallel_loop3A_487 = tpu.vector_load %arg7[%parallel_loop3A_486] masked %parallel_loop3A_482 {strides = array<i32>} : memref<1040xf32, #tpu.memory_space<vmem>>, vector<16xf32>, vector<16xi1>
            tpu.vector_store %arg7[%parallel_loop3A_486], %parallel_loop3A_480 masked %parallel_loop3A_482 {strides = array<i32>} : memref<1040xf32, #tpu.memory_space<vmem>>, vector<16xf32>, vector<16xi1>
            %parallel_loop3A_488 = arith.constant 0 : i32
            %parallel_loop3A_489 = arith.addi %parallel_loop3A_475, %parallel_loop3A_488 : i32
            %parallel_loop3A_490 = vector.broadcast %parallel_loop3A_489 : i32 to vector<16xi32>
            %parallel_loop3A_491 = arith.addi %iota3A, %parallel_loop3A_490 : vector<16xi32>
            %parallel_loop3A_492 = arith.index_cast %parallel_loop3A_453 : i32 to index
            %parallel_loop3A_493 = tpu.vector_load %arg8[%parallel_loop3A_492] masked %parallel_loop3A_482 {strides = array<i32>} : memref<1040xi32, #tpu.memory_space<vmem>>, vector<16xi32>, vector<16xi1>
            tpu.vector_store %arg8[%parallel_loop3A_492], %parallel_loop3A_491 masked %parallel_loop3A_482 {strides = array<i32>} : memref<1040xi32, #tpu.memory_space<vmem>>, vector<16xi32>, vector<16xi1>
            %parallel_loop3A_494 = arith.addi %parallel_loop3A_453, %parallel_loop3A_485 : i32
            %parallel_loop3A_495 = arith.constant 1024 : i32
            %parallel_loop3A_496 = arith.minsi %parallel_loop3A_494, %parallel_loop3A_495 : i32
            %parallel_loop3A_497 = arith.constant 16 : i32
            %parallel_loop3A_498 = arith.addi %parallel_loop3A_475, %parallel_loop3A_497 : i32
            %parallel_loop3A_499 = arith.index_cast %and3A_41 : i32 to index
            %parallel_loop3A_500 = arith.index_cast %parallel_loop3A_498 : i32 to index
            %parallel_loop3A_501 = tpu.vector_load %arg4[%parallel_loop3A_499, %parallel_loop3A_500] {strides = array<i32>} : memref<2x32768xf32, #tpu.memory_space<vmem>>, vector<16xf32>,
            %parallel_loop3A_502 = vector.broadcast %squeeze3A : f32 to vector<16xf32>
            %parallel_loop3A_503 = arith.cmpf oge, %parallel_loop3A_501, %parallel_loop3A_502 : vector<16xf32>
            %parallel_loop3A_504 = tpu.all_reduce %parallel_loop3A_503 {dim = 0 : i64, kind = #tpu.reduction_kind<sum>} : vector<16xi1> -> vector<16xi32>
            %parallel_loop3A_505 = vector.extract_strided_slice %parallel_loop3A_504 {offsets = [0], sizes = [1], strides = [1]} : vector<16xi32> to vector<1xi32>
            %parallel_loop3A_506 = vector.extract %parallel_loop3A_505[0] : i32 from vector<1xi32>
            %parallel_loop3A_507 = arith.index_cast %parallel_loop3A_496 : i32 to index
            %parallel_loop3A_508 = tpu.vector_load %arg7[%parallel_loop3A_507] masked %parallel_loop3A_503 {strides = array<i32>} : memref<1040xf32, #tpu.memory_space<vmem>>, vector<16xf32>, vector<16xi1>
            tpu.vector_store %arg7[%parallel_loop3A_507], %parallel_loop3A_501 masked %parallel_loop3A_503 {strides = array<i32>} : memref<1040xf32, #tpu.memory_space<vmem>>, vector<16xf32>, vector<16xi1>
            %parallel_loop3A_509 = arith.constant 16 : i32
            %parallel_loop3A_510 = arith.addi %parallel_loop3A_475, %parallel_loop3A_509 : i32
            %parallel_loop3A_511 = vector.broadcast %parallel_loop3A_510 : i32 to vector<16xi32>
            %parallel_loop3A_512 = arith.addi %iota3A, %parallel_loop3A_511 : vector<16xi32>
            %parallel_loop3A_513 = arith.index_cast %parallel_loop3A_496 : i32 to index
            %parallel_loop3A_514 = tpu.vector_load %arg8[%parallel_loop3A_513] masked %parallel_loop3A_503 {strides = array<i32>} : memref<1040xi32, #tpu.memory_space<vmem>>, vector<16xi32>, vector<16xi1>
            tpu.vector_store %arg8[%parallel_loop3A_513], %parallel_loop3A_512 masked %parallel_loop3A_503 {strides = array<i32>} : memref<1040xi32, #tpu.memory_space<vmem>>, vector<16xi32>, vector<16xi1>
            %parallel_loop3A_515 = arith.addi %parallel_loop3A_496, %parallel_loop3A_506 : i32
            %parallel_loop3A_516 = arith.constant 1024 : i32
            %parallel_loop3A_517 = arith.minsi %parallel_loop3A_515, %parallel_loop3A_516 : i32
            %parallel_loop3A_518 = arith.constant 32 : i32
            %parallel_loop3A_519 = arith.addi %parallel_loop3A_475, %parallel_loop3A_518 : i32
            %parallel_loop3A_520 = arith.index_cast %and3A_41 : i32 to index
            %parallel_loop3A_521 = arith.index_cast %parallel_loop3A_519 : i32 to index
            %parallel_loop3A_522 = tpu.vector_load %arg4[%parallel_loop3A_520, %parallel_loop3A_521] {strides = array<i32>} : memref<2x32768xf32, #tpu.memory_space<vmem>>, vector<16xf32>,
            %parallel_loop3A_523 = vector.broadcast %squeeze3A : f32 to vector<16xf32>
            %parallel_loop3A_524 = arith.cmpf oge, %parallel_loop3A_522, %parallel_loop3A_523 : vector<16xf32>
            %parallel_loop3A_525 = tpu.all_reduce %parallel_loop3A_524 {dim = 0 : i64, kind = #tpu.reduction_kind<sum>} : vector<16xi1> -> vector<16xi32>
            %parallel_loop3A_526 = vector.extract_strided_slice %parallel_loop3A_525 {offsets = [0], sizes = [1], strides = [1]} : vector<16xi32> to vector<1xi32>
            %parallel_loop3A_527 = vector.extract %parallel_loop3A_526[0] : i32 from vector<1xi32>
            %parallel_loop3A_528 = arith.index_cast %parallel_loop3A_517 : i32 to index
            %parallel_loop3A_529 = tpu.vector_load %arg7[%parallel_loop3A_528] masked %parallel_loop3A_524 {strides = array<i32>} : memref<1040xf32, #tpu.memory_space<vmem>>, vector<16xf32>, vector<16xi1>
            tpu.vector_store %arg7[%parallel_loop3A_528], %parallel_loop3A_522 masked %parallel_loop3A_524 {strides = array<i32>} : memref<1040xf32, #tpu.memory_space<vmem>>, vector<16xf32>, vector<16xi1>
            %parallel_loop3A_530 = arith.constant 32 : i32
            %parallel_loop3A_531 = arith.addi %parallel_loop3A_475, %parallel_loop3A_530 : i32
            %parallel_loop3A_532 = vector.broadcast %parallel_loop3A_531 : i32 to vector<16xi32>
            %parallel_loop3A_533 = arith.addi %iota3A, %parallel_loop3A_532 : vector<16xi32>
            %parallel_loop3A_534 = arith.index_cast %parallel_loop3A_517 : i32 to index
            %parallel_loop3A_535 = tpu.vector_load %arg8[%parallel_loop3A_534] masked %parallel_loop3A_524 {strides = array<i32>} : memref<1040xi32, #tpu.memory_space<vmem>>, vector<16xi32>, vector<16xi1>
            tpu.vector_store %arg8[%parallel_loop3A_534], %parallel_loop3A_533 masked %parallel_loop3A_524 {strides = array<i32>} : memref<1040xi32, #tpu.memory_space<vmem>>, vector<16xi32>, vector<16xi1>
            %parallel_loop3A_536 = arith.addi %parallel_loop3A_517, %parallel_loop3A_527 : i32
            %parallel_loop3A_537 = arith.constant 1024 : i32
            %parallel_loop3A_538 = arith.minsi %parallel_loop3A_536, %parallel_loop3A_537 : i32
            %parallel_loop3A_539 = arith.constant 48 : i32
            %parallel_loop3A_540 = arith.addi %parallel_loop3A_475, %parallel_loop3A_539 : i32
            %parallel_loop3A_541 = arith.index_cast %and3A_41 : i32 to index
            %parallel_loop3A_542 = arith.index_cast %parallel_loop3A_540 : i32 to index
            %parallel_loop3A_543 = tpu.vector_load %arg4[%parallel_loop3A_541, %parallel_loop3A_542] {strides = array<i32>} : memref<2x32768xf32, #tpu.memory_space<vmem>>, vector<16xf32>,
            %parallel_loop3A_544 = vector.broadcast %squeeze3A : f32 to vector<16xf32>
            %parallel_loop3A_545 = arith.cmpf oge, %parallel_loop3A_543, %parallel_loop3A_544 : vector<16xf32>
            %parallel_loop3A_546 = tpu.all_reduce %parallel_loop3A_545 {dim = 0 : i64, kind = #tpu.reduction_kind<sum>} : vector<16xi1> -> vector<16xi32>
            %parallel_loop3A_547 = vector.extract_strided_slice %parallel_loop3A_546 {offsets = [0], sizes = [1], strides = [1]} : vector<16xi32> to vector<1xi32>
            %parallel_loop3A_548 = vector.extract %parallel_loop3A_547[0] : i32 from vector<1xi32>
            %parallel_loop3A_549 = arith.index_cast %parallel_loop3A_538 : i32 to index
            %parallel_loop3A_550 = tpu.vector_load %arg7[%parallel_loop3A_549] masked %parallel_loop3A_545 {strides = array<i32>} : memref<1040xf32, #tpu.memory_space<vmem>>, vector<16xf32>, vector<16xi1>
            tpu.vector_store %arg7[%parallel_loop3A_549], %parallel_loop3A_543 masked %parallel_loop3A_545 {strides = array<i32>} : memref<1040xf32, #tpu.memory_space<vmem>>, vector<16xf32>, vector<16xi1>
            %parallel_loop3A_551 = arith.constant 48 : i32
            %parallel_loop3A_552 = arith.addi %parallel_loop3A_475, %parallel_loop3A_551 : i32
            %parallel_loop3A_553 = vector.broadcast %parallel_loop3A_552 : i32 to vector<16xi32>
            %parallel_loop3A_554 = arith.addi %iota3A, %parallel_loop3A_553 : vector<16xi32>
            %parallel_loop3A_555 = arith.index_cast %parallel_loop3A_538 : i32 to index
            %parallel_loop3A_556 = tpu.vector_load %arg8[%parallel_loop3A_555] masked %parallel_loop3A_545 {strides = array<i32>} : memref<1040xi32, #tpu.memory_space<vmem>>, vector<16xi32>, vector<16xi1>
            tpu.vector_store %arg8[%parallel_loop3A_555], %parallel_loop3A_554 masked %parallel_loop3A_545 {strides = array<i32>} : memref<1040xi32, #tpu.memory_space<vmem>>, vector<16xi32>, vector<16xi1>
            %parallel_loop3A_557 = arith.addi %parallel_loop3A_538, %parallel_loop3A_548 : i32
            %parallel_loop3A_558 = arith.constant 1024 : i32
            %parallel_loop3A_559 = arith.minsi %parallel_loop3A_557, %parallel_loop3A_558 : i32
            %parallel_loop3A_560 = arith.constant 64 : i32
            %parallel_loop3A_561 = arith.addi %parallel_loop3A_475, %parallel_loop3A_560 : i32
            %parallel_loop3A_562 = arith.index_cast %and3A_41 : i32 to index
            %parallel_loop3A_563 = arith.index_cast %parallel_loop3A_561 : i32 to index
            %parallel_loop3A_564 = tpu.vector_load %arg4[%parallel_loop3A_562, %parallel_loop3A_563] {strides = array<i32>} : memref<2x32768xf32, #tpu.memory_space<vmem>>, vector<16xf32>,
            %parallel_loop3A_565 = vector.broadcast %squeeze3A : f32 to vector<16xf32>
            %parallel_loop3A_566 = arith.cmpf oge, %parallel_loop3A_564, %parallel_loop3A_565 : vector<16xf32>
            %parallel_loop3A_567 = tpu.all_reduce %parallel_loop3A_566 {dim = 0 : i64, kind = #tpu.reduction_kind<sum>} : vector<16xi1> -> vector<16xi32>
            %parallel_loop3A_568 = vector.extract_strided_slice %parallel_loop3A_567 {offsets = [0], sizes = [1], strides = [1]} : vector<16xi32> to vector<1xi32>
            %parallel_loop3A_569 = vector.extract %parallel_loop3A_568[0] : i32 from vector<1xi32>
            %parallel_loop3A_570 = arith.index_cast %parallel_loop3A_559 : i32 to index
            %parallel_loop3A_571 = tpu.vector_load %arg7[%parallel_loop3A_570] masked %parallel_loop3A_566 {strides = array<i32>} : memref<1040xf32, #tpu.memory_space<vmem>>, vector<16xf32>, vector<16xi1>
            tpu.vector_store %arg7[%parallel_loop3A_570], %parallel_loop3A_564 masked %parallel_loop3A_566 {strides = array<i32>} : memref<1040xf32, #tpu.memory_space<vmem>>, vector<16xf32>, vector<16xi1>
            %parallel_loop3A_572 = arith.constant 64 : i32
            %parallel_loop3A_573 = arith.addi %parallel_loop3A_475, %parallel_loop3A_572 : i32
            %parallel_loop3A_574 = vector.broadcast %parallel_loop3A_573 : i32 to vector<16xi32>
            %parallel_loop3A_575 = arith.addi %iota3A, %parallel_loop3A_574 : vector<16xi32>
            %parallel_loop3A_576 = arith.index_cast %parallel_loop3A_559 : i32 to index
            %parallel_loop3A_577 = tpu.vector_load %arg8[%parallel_loop3A_576] masked %parallel_loop3A_566 {strides = array<i32>} : memref<1040xi32, #tpu.memory_space<vmem>>, vector<16xi32>, vector<16xi1>
            tpu.vector_store %arg8[%parallel_loop3A_576], %parallel_loop3A_575 masked %parallel_loop3A_566 {strides = array<i32>} : memref<1040xi32, #tpu.memory_space<vmem>>, vector<16xi32>, vector<16xi1>
            %parallel_loop3A_578 = arith.addi %parallel_loop3A_559, %parallel_loop3A_569 : i32
            %parallel_loop3A_579 = arith.constant 1024 : i32
            %parallel_loop3A_580 = arith.minsi %parallel_loop3A_578, %parallel_loop3A_579 : i32
            %parallel_loop3A_581 = arith.constant 80 : i32
            %parallel_loop3A_582 = arith.addi %parallel_loop3A_475, %parallel_loop3A_581 : i32
            %parallel_loop3A_583 = arith.index_cast %and3A_41 : i32 to index
            %parallel_loop3A_584 = arith.index_cast %parallel_loop3A_582 : i32 to index
            %parallel_loop3A_585 = tpu.vector_load %arg4[%parallel_loop3A_583, %parallel_loop3A_584] {strides = array<i32>} : memref<2x32768xf32, #tpu.memory_space<vmem>>, vector<16xf32>,
            %parallel_loop3A_586 = vector.broadcast %squeeze3A : f32 to vector<16xf32>
            %parallel_loop3A_587 = arith.cmpf oge, %parallel_loop3A_585, %parallel_loop3A_586 : vector<16xf32>
            %parallel_loop3A_588 = tpu.all_reduce %parallel_loop3A_587 {dim = 0 : i64, kind = #tpu.reduction_kind<sum>} : vector<16xi1> -> vector<16xi32>
            %parallel_loop3A_589 = vector.extract_strided_slice %parallel_loop3A_588 {offsets = [0], sizes = [1], strides = [1]} : vector<16xi32> to vector<1xi32>
            %parallel_loop3A_590 = vector.extract %parallel_loop3A_589[0] : i32 from vector<1xi32>
            %parallel_loop3A_591 = arith.index_cast %parallel_loop3A_580 : i32 to index
            %parallel_loop3A_592 = tpu.vector_load %arg7[%parallel_loop3A_591] masked %parallel_loop3A_587 {strides = array<i32>} : memref<1040xf32, #tpu.memory_space<vmem>>, vector<16xf32>, vector<16xi1>
            tpu.vector_store %arg7[%parallel_loop3A_591], %parallel_loop3A_585 masked %parallel_loop3A_587 {strides = array<i32>} : memref<1040xf32, #tpu.memory_space<vmem>>, vector<16xf32>, vector<16xi1>
            %parallel_loop3A_593 = arith.constant 80 : i32
            %parallel_loop3A_594 = arith.addi %parallel_loop3A_475, %parallel_loop3A_593 : i32
            %parallel_loop3A_595 = vector.broadcast %parallel_loop3A_594 : i32 to vector<16xi32>
            %parallel_loop3A_596 = arith.addi %iota3A, %parallel_loop3A_595 : vector<16xi32>
            %parallel_loop3A_597 = arith.index_cast %parallel_loop3A_580 : i32 to index
            %parallel_loop3A_598 = tpu.vector_load %arg8[%parallel_loop3A_597] masked %parallel_loop3A_587 {strides = array<i32>} : memref<1040xi32, #tpu.memory_space<vmem>>, vector<16xi32>, vector<16xi1>
            tpu.vector_store %arg8[%parallel_loop3A_597], %parallel_loop3A_596 masked %parallel_loop3A_587 {strides = array<i32>} : memref<1040xi32, #tpu.memory_space<vmem>>, vector<16xi32>, vector<16xi1>
            %parallel_loop3A_599 = arith.addi %parallel_loop3A_580, %parallel_loop3A_590 : i32
            %parallel_loop3A_600 = arith.constant 1024 : i32
            %parallel_loop3A_601 = arith.minsi %parallel_loop3A_599, %parallel_loop3A_600 : i32
            %parallel_loop3A_602 = arith.constant 96 : i32
            %parallel_loop3A_603 = arith.addi %parallel_loop3A_475, %parallel_loop3A_602 : i32
            %parallel_loop3A_604 = arith.index_cast %and3A_41 : i32 to index
            %parallel_loop3A_605 = arith.index_cast %parallel_loop3A_603 : i32 to index
            %parallel_loop3A_606 = tpu.vector_load %arg4[%parallel_loop3A_604, %parallel_loop3A_605] {strides = array<i32>} : memref<2x32768xf32, #tpu.memory_space<vmem>>, vector<16xf32>,
            %parallel_loop3A_607 = vector.broadcast %squeeze3A : f32 to vector<16xf32>
            %parallel_loop3A_608 = arith.cmpf oge, %parallel_loop3A_606, %parallel_loop3A_607 : vector<16xf32>
            %parallel_loop3A_609 = tpu.all_reduce %parallel_loop3A_608 {dim = 0 : i64, kind = #tpu.reduction_kind<sum>} : vector<16xi1> -> vector<16xi32>
            %parallel_loop3A_610 = vector.extract_strided_slice %parallel_loop3A_609 {offsets = [0], sizes = [1], strides = [1]} : vector<16xi32> to vector<1xi32>
            %parallel_loop3A_611 = vector.extract %parallel_loop3A_610[0] : i32 from vector<1xi32>
            %parallel_loop3A_612 = arith.index_cast %parallel_loop3A_601 : i32 to index
            %parallel_loop3A_613 = tpu.vector_load %arg7[%parallel_loop3A_612] masked %parallel_loop3A_608 {strides = array<i32>} : memref<1040xf32, #tpu.memory_space<vmem>>, vector<16xf32>, vector<16xi1>
            tpu.vector_store %arg7[%parallel_loop3A_612], %parallel_loop3A_606 masked %parallel_loop3A_608 {strides = array<i32>} : memref<1040xf32, #tpu.memory_space<vmem>>, vector<16xf32>, vector<16xi1>
            %parallel_loop3A_614 = arith.constant 96 : i32
            %parallel_loop3A_615 = arith.addi %parallel_loop3A_475, %parallel_loop3A_614 : i32
            %parallel_loop3A_616 = vector.broadcast %parallel_loop3A_615 : i32 to vector<16xi32>
            %parallel_loop3A_617 = arith.addi %iota3A, %parallel_loop3A_616 : vector<16xi32>
            %parallel_loop3A_618 = arith.index_cast %parallel_loop3A_601 : i32 to index
            %parallel_loop3A_619 = tpu.vector_load %arg8[%parallel_loop3A_618] masked %parallel_loop3A_608 {strides = array<i32>} : memref<1040xi32, #tpu.memory_space<vmem>>, vector<16xi32>, vector<16xi1>
            tpu.vector_store %arg8[%parallel_loop3A_618], %parallel_loop3A_617 masked %parallel_loop3A_608 {strides = array<i32>} : memref<1040xi32, #tpu.memory_space<vmem>>, vector<16xi32>, vector<16xi1>
            %parallel_loop3A_620 = arith.addi %parallel_loop3A_601, %parallel_loop3A_611 : i32
            %parallel_loop3A_621 = arith.constant 1024 : i32
            %parallel_loop3A_622 = arith.minsi %parallel_loop3A_620, %parallel_loop3A_621 : i32
            %parallel_loop3A_623 = arith.constant 112 : i32
            %parallel_loop3A_624 = arith.addi %parallel_loop3A_475, %parallel_loop3A_623 : i32
            %parallel_loop3A_625 = arith.index_cast %and3A_41 : i32 to index
            %parallel_loop3A_626 = arith.index_cast %parallel_loop3A_624 : i32 to index
            %parallel_loop3A_627 = tpu.vector_load %arg4[%parallel_loop3A_625, %parallel_loop3A_626] {strides = array<i32>} : memref<2x32768xf32, #tpu.memory_space<vmem>>, vector<16xf32>,
            %parallel_loop3A_628 = vector.broadcast %squeeze3A : f32 to vector<16xf32>
            %parallel_loop3A_629 = arith.cmpf oge, %parallel_loop3A_627, %parallel_loop3A_628 : vector<16xf32>
            %parallel_loop3A_630 = tpu.all_reduce %parallel_loop3A_629 {dim = 0 : i64, kind = #tpu.reduction_kind<sum>} : vector<16xi1> -> vector<16xi32>
            %parallel_loop3A_631 = vector.extract_strided_slice %parallel_loop3A_630 {offsets = [0], sizes = [1], strides = [1]} : vector<16xi32> to vector<1xi32>
            %parallel_loop3A_632 = vector.extract %parallel_loop3A_631[0] : i32 from vector<1xi32>
            %parallel_loop3A_633 = arith.index_cast %parallel_loop3A_622 : i32 to index
            %parallel_loop3A_634 = tpu.vector_load %arg7[%parallel_loop3A_633] masked %parallel_loop3A_629 {strides = array<i32>} : memref<1040xf32, #tpu.memory_space<vmem>>, vector<16xf32>, vector<16xi1>
            tpu.vector_store %arg7[%parallel_loop3A_633], %parallel_loop3A_627 masked %parallel_loop3A_629 {strides = array<i32>} : memref<1040xf32, #tpu.memory_space<vmem>>, vector<16xf32>, vector<16xi1>
            %parallel_loop3A_635 = arith.constant 112 : i32
            %parallel_loop3A_636 = arith.addi %parallel_loop3A_475, %parallel_loop3A_635 : i32
            %parallel_loop3A_637 = vector.broadcast %parallel_loop3A_636 : i32 to vector<16xi32>
            %parallel_loop3A_638 = arith.addi %iota3A, %parallel_loop3A_637 : vector<16xi32>
            %parallel_loop3A_639 = arith.index_cast %parallel_loop3A_622 : i32 to index
            %parallel_loop3A_640 = tpu.vector_load %arg8[%parallel_loop3A_639] masked %parallel_loop3A_629 {strides = array<i32>} : memref<1040xi32, #tpu.memory_space<vmem>>, vector<16xi32>, vector<16xi1>
            tpu.vector_store %arg8[%parallel_loop3A_639], %parallel_loop3A_638 masked %parallel_loop3A_629 {strides = array<i32>} : memref<1040xi32, #tpu.memory_space<vmem>>, vector<16xi32>, vector<16xi1>
            %parallel_loop3A_641 = arith.addi %parallel_loop3A_622, %parallel_loop3A_632 : i32
            %parallel_loop3A_642 = arith.constant 1024 : i32
            %parallel_loop3A_643 = arith.minsi %parallel_loop3A_641, %parallel_loop3A_642 : i32
            scf.yield %parallel_loop3A_643 : i32
          } else {
            scf.yield %parallel_loop3A_453 : i32
          }
          %parallel_loop3A_463 = tpu.all_reduce %parallel_loop3A_423 {dim = 0 : i64, kind = #tpu.reduction_kind<sum>} : vector<16xi1> -> vector<16xi32>
          %parallel_loop3A_464 = vector.extract_strided_slice %parallel_loop3A_463 {offsets = [0], sizes = [1], strides = [1]} : vector<16xi32> to vector<1xi32>
          %parallel_loop3A_465 = vector.extract %parallel_loop3A_464[0] : i32 from vector<1xi32>
          %parallel_loop3A_466 = arith.constant 0 : i32
          %parallel_loop3A_467 = arith.cmpi sgt, %parallel_loop3A_465, %parallel_loop3A_466 : i32
          %parallel_loop3A_468 = arith.extui %parallel_loop3A_467 : i1 to i32
          %parallel_loop3A_469 = arith.constant 0 : i32
          %parallel_loop3A_470 = arith.cmpi ne, %parallel_loop3A_468, %parallel_loop3A_469 : i32
          %parallel_loop3A_471 = scf.if %parallel_loop3A_470 -> (i32) {
            %parallel_loop3A_472 = arith.constant 3 : i32
            %parallel_loop3A_473 = arith.addi %parallel_loop3A_391, %parallel_loop3A_472 : i32
            %parallel_loop3A_474 = arith.constant 128 : i32
            %parallel_loop3A_475 = arith.muli %parallel_loop3A_473, %parallel_loop3A_474 : i32
            %parallel_loop3A_476 = arith.constant 0 : i32
            %parallel_loop3A_477 = arith.addi %parallel_loop3A_475, %parallel_loop3A_476 : i32
            %parallel_loop3A_478 = arith.index_cast %and3A_41 : i32 to index
            %parallel_loop3A_479 = arith.index_cast %parallel_loop3A_477 : i32 to index
            %parallel_loop3A_480 = tpu.vector_load %arg4[%parallel_loop3A_478, %parallel_loop3A_479] {strides = array<i32>} : memref<2x32768xf32, #tpu.memory_space<vmem>>, vector<16xf32>,
            %parallel_loop3A_481 = vector.broadcast %squeeze3A : f32 to vector<16xf32>
            %parallel_loop3A_482 = arith.cmpf oge, %parallel_loop3A_480, %parallel_loop3A_481 : vector<16xf32>
            %parallel_loop3A_483 = tpu.all_reduce %parallel_loop3A_482 {dim = 0 : i64, kind = #tpu.reduction_kind<sum>} : vector<16xi1> -> vector<16xi32>
            %parallel_loop3A_484 = vector.extract_strided_slice %parallel_loop3A_483 {offsets = [0], sizes = [1], strides = [1]} : vector<16xi32> to vector<1xi32>
            %parallel_loop3A_485 = vector.extract %parallel_loop3A_484[0] : i32 from vector<1xi32>
            %parallel_loop3A_486 = arith.index_cast %parallel_loop3A_462 : i32 to index
            %parallel_loop3A_487 = tpu.vector_load %arg7[%parallel_loop3A_486] masked %parallel_loop3A_482 {strides = array<i32>} : memref<1040xf32, #tpu.memory_space<vmem>>, vector<16xf32>, vector<16xi1>
            tpu.vector_store %arg7[%parallel_loop3A_486], %parallel_loop3A_480 masked %parallel_loop3A_482 {strides = array<i32>} : memref<1040xf32, #tpu.memory_space<vmem>>, vector<16xf32>, vector<16xi1>
            %parallel_loop3A_488 = arith.constant 0 : i32
            %parallel_loop3A_489 = arith.addi %parallel_loop3A_475, %parallel_loop3A_488 : i32
            %parallel_loop3A_490 = vector.broadcast %parallel_loop3A_489 : i32 to vector<16xi32>
            %parallel_loop3A_491 = arith.addi %iota3A, %parallel_loop3A_490 : vector<16xi32>
            %parallel_loop3A_492 = arith.index_cast %parallel_loop3A_462 : i32 to index
            %parallel_loop3A_493 = tpu.vector_load %arg8[%parallel_loop3A_492] masked %parallel_loop3A_482 {strides = array<i32>} : memref<1040xi32, #tpu.memory_space<vmem>>, vector<16xi32>, vector<16xi1>
            tpu.vector_store %arg8[%parallel_loop3A_492], %parallel_loop3A_491 masked %parallel_loop3A_482 {strides = array<i32>} : memref<1040xi32, #tpu.memory_space<vmem>>, vector<16xi32>, vector<16xi1>
            %parallel_loop3A_494 = arith.addi %parallel_loop3A_462, %parallel_loop3A_485 : i32
            %parallel_loop3A_495 = arith.constant 1024 : i32
            %parallel_loop3A_496 = arith.minsi %parallel_loop3A_494, %parallel_loop3A_495 : i32
            %parallel_loop3A_497 = arith.constant 16 : i32
            %parallel_loop3A_498 = arith.addi %parallel_loop3A_475, %parallel_loop3A_497 : i32
            %parallel_loop3A_499 = arith.index_cast %and3A_41 : i32 to index
            %parallel_loop3A_500 = arith.index_cast %parallel_loop3A_498 : i32 to index
            %parallel_loop3A_501 = tpu.vector_load %arg4[%parallel_loop3A_499, %parallel_loop3A_500] {strides = array<i32>} : memref<2x32768xf32, #tpu.memory_space<vmem>>, vector<16xf32>,
            %parallel_loop3A_502 = vector.broadcast %squeeze3A : f32 to vector<16xf32>
            %parallel_loop3A_503 = arith.cmpf oge, %parallel_loop3A_501, %parallel_loop3A_502 : vector<16xf32>
            %parallel_loop3A_504 = tpu.all_reduce %parallel_loop3A_503 {dim = 0 : i64, kind = #tpu.reduction_kind<sum>} : vector<16xi1> -> vector<16xi32>
            %parallel_loop3A_505 = vector.extract_strided_slice %parallel_loop3A_504 {offsets = [0], sizes = [1], strides = [1]} : vector<16xi32> to vector<1xi32>
            %parallel_loop3A_506 = vector.extract %parallel_loop3A_505[0] : i32 from vector<1xi32>
            %parallel_loop3A_507 = arith.index_cast %parallel_loop3A_496 : i32 to index
            %parallel_loop3A_508 = tpu.vector_load %arg7[%parallel_loop3A_507] masked %parallel_loop3A_503 {strides = array<i32>} : memref<1040xf32, #tpu.memory_space<vmem>>, vector<16xf32>, vector<16xi1>
            tpu.vector_store %arg7[%parallel_loop3A_507], %parallel_loop3A_501 masked %parallel_loop3A_503 {strides = array<i32>} : memref<1040xf32, #tpu.memory_space<vmem>>, vector<16xf32>, vector<16xi1>
            %parallel_loop3A_509 = arith.constant 16 : i32
            %parallel_loop3A_510 = arith.addi %parallel_loop3A_475, %parallel_loop3A_509 : i32
            %parallel_loop3A_511 = vector.broadcast %parallel_loop3A_510 : i32 to vector<16xi32>
            %parallel_loop3A_512 = arith.addi %iota3A, %parallel_loop3A_511 : vector<16xi32>
            %parallel_loop3A_513 = arith.index_cast %parallel_loop3A_496 : i32 to index
            %parallel_loop3A_514 = tpu.vector_load %arg8[%parallel_loop3A_513] masked %parallel_loop3A_503 {strides = array<i32>} : memref<1040xi32, #tpu.memory_space<vmem>>, vector<16xi32>, vector<16xi1>
            tpu.vector_store %arg8[%parallel_loop3A_513], %parallel_loop3A_512 masked %parallel_loop3A_503 {strides = array<i32>} : memref<1040xi32, #tpu.memory_space<vmem>>, vector<16xi32>, vector<16xi1>
            %parallel_loop3A_515 = arith.addi %parallel_loop3A_496, %parallel_loop3A_506 : i32
            %parallel_loop3A_516 = arith.constant 1024 : i32
            %parallel_loop3A_517 = arith.minsi %parallel_loop3A_515, %parallel_loop3A_516 : i32
            %parallel_loop3A_518 = arith.constant 32 : i32
            %parallel_loop3A_519 = arith.addi %parallel_loop3A_475, %parallel_loop3A_518 : i32
            %parallel_loop3A_520 = arith.index_cast %and3A_41 : i32 to index
            %parallel_loop3A_521 = arith.index_cast %parallel_loop3A_519 : i32 to index
            %parallel_loop3A_522 = tpu.vector_load %arg4[%parallel_loop3A_520, %parallel_loop3A_521] {strides = array<i32>} : memref<2x32768xf32, #tpu.memory_space<vmem>>, vector<16xf32>,
            %parallel_loop3A_523 = vector.broadcast %squeeze3A : f32 to vector<16xf32>
            %parallel_loop3A_524 = arith.cmpf oge, %parallel_loop3A_522, %parallel_loop3A_523 : vector<16xf32>
            %parallel_loop3A_525 = tpu.all_reduce %parallel_loop3A_524 {dim = 0 : i64, kind = #tpu.reduction_kind<sum>} : vector<16xi1> -> vector<16xi32>
            %parallel_loop3A_526 = vector.extract_strided_slice %parallel_loop3A_525 {offsets = [0], sizes = [1], strides = [1]} : vector<16xi32> to vector<1xi32>
            %parallel_loop3A_527 = vector.extract %parallel_loop3A_526[0] : i32 from vector<1xi32>
            %parallel_loop3A_528 = arith.index_cast %parallel_loop3A_517 : i32 to index
            %parallel_loop3A_529 = tpu.vector_load %arg7[%parallel_loop3A_528] masked %parallel_loop3A_524 {strides = array<i32>} : memref<1040xf32, #tpu.memory_space<vmem>>, vector<16xf32>, vector<16xi1>
            tpu.vector_store %arg7[%parallel_loop3A_528], %parallel_loop3A_522 masked %parallel_loop3A_524 {strides = array<i32>} : memref<1040xf32, #tpu.memory_space<vmem>>, vector<16xf32>, vector<16xi1>
            %parallel_loop3A_530 = arith.constant 32 : i32
            %parallel_loop3A_531 = arith.addi %parallel_loop3A_475, %parallel_loop3A_530 : i32
            %parallel_loop3A_532 = vector.broadcast %parallel_loop3A_531 : i32 to vector<16xi32>
            %parallel_loop3A_533 = arith.addi %iota3A, %parallel_loop3A_532 : vector<16xi32>
            %parallel_loop3A_534 = arith.index_cast %parallel_loop3A_517 : i32 to index
            %parallel_loop3A_535 = tpu.vector_load %arg8[%parallel_loop3A_534] masked %parallel_loop3A_524 {strides = array<i32>} : memref<1040xi32, #tpu.memory_space<vmem>>, vector<16xi32>, vector<16xi1>
            tpu.vector_store %arg8[%parallel_loop3A_534], %parallel_loop3A_533 masked %parallel_loop3A_524 {strides = array<i32>} : memref<1040xi32, #tpu.memory_space<vmem>>, vector<16xi32>, vector<16xi1>
            %parallel_loop3A_536 = arith.addi %parallel_loop3A_517, %parallel_loop3A_527 : i32
            %parallel_loop3A_537 = arith.constant 1024 : i32
            %parallel_loop3A_538 = arith.minsi %parallel_loop3A_536, %parallel_loop3A_537 : i32
            %parallel_loop3A_539 = arith.constant 48 : i32
            %parallel_loop3A_540 = arith.addi %parallel_loop3A_475, %parallel_loop3A_539 : i32
            %parallel_loop3A_541 = arith.index_cast %and3A_41 : i32 to index
            %parallel_loop3A_542 = arith.index_cast %parallel_loop3A_540 : i32 to index
            %parallel_loop3A_543 = tpu.vector_load %arg4[%parallel_loop3A_541, %parallel_loop3A_542] {strides = array<i32>} : memref<2x32768xf32, #tpu.memory_space<vmem>>, vector<16xf32>,
            %parallel_loop3A_544 = vector.broadcast %squeeze3A : f32 to vector<16xf32>
            %parallel_loop3A_545 = arith.cmpf oge, %parallel_loop3A_543, %parallel_loop3A_544 : vector<16xf32>
            %parallel_loop3A_546 = tpu.all_reduce %parallel_loop3A_545 {dim = 0 : i64, kind = #tpu.reduction_kind<sum>} : vector<16xi1> -> vector<16xi32>
            %parallel_loop3A_547 = vector.extract_strided_slice %parallel_loop3A_546 {offsets = [0], sizes = [1], strides = [1]} : vector<16xi32> to vector<1xi32>
            %parallel_loop3A_548 = vector.extract %parallel_loop3A_547[0] : i32 from vector<1xi32>
            %parallel_loop3A_549 = arith.index_cast %parallel_loop3A_538 : i32 to index
            %parallel_loop3A_550 = tpu.vector_load %arg7[%parallel_loop3A_549] masked %parallel_loop3A_545 {strides = array<i32>} : memref<1040xf32, #tpu.memory_space<vmem>>, vector<16xf32>, vector<16xi1>
            tpu.vector_store %arg7[%parallel_loop3A_549], %parallel_loop3A_543 masked %parallel_loop3A_545 {strides = array<i32>} : memref<1040xf32, #tpu.memory_space<vmem>>, vector<16xf32>, vector<16xi1>
            %parallel_loop3A_551 = arith.constant 48 : i32
            %parallel_loop3A_552 = arith.addi %parallel_loop3A_475, %parallel_loop3A_551 : i32
            %parallel_loop3A_553 = vector.broadcast %parallel_loop3A_552 : i32 to vector<16xi32>
            %parallel_loop3A_554 = arith.addi %iota3A, %parallel_loop3A_553 : vector<16xi32>
            %parallel_loop3A_555 = arith.index_cast %parallel_loop3A_538 : i32 to index
            %parallel_loop3A_556 = tpu.vector_load %arg8[%parallel_loop3A_555] masked %parallel_loop3A_545 {strides = array<i32>} : memref<1040xi32, #tpu.memory_space<vmem>>, vector<16xi32>, vector<16xi1>
            tpu.vector_store %arg8[%parallel_loop3A_555], %parallel_loop3A_554 masked %parallel_loop3A_545 {strides = array<i32>} : memref<1040xi32, #tpu.memory_space<vmem>>, vector<16xi32>, vector<16xi1>
            %parallel_loop3A_557 = arith.addi %parallel_loop3A_538, %parallel_loop3A_548 : i32
            %parallel_loop3A_558 = arith.constant 1024 : i32
            %parallel_loop3A_559 = arith.minsi %parallel_loop3A_557, %parallel_loop3A_558 : i32
            %parallel_loop3A_560 = arith.constant 64 : i32
            %parallel_loop3A_561 = arith.addi %parallel_loop3A_475, %parallel_loop3A_560 : i32
            %parallel_loop3A_562 = arith.index_cast %and3A_41 : i32 to index
            %parallel_loop3A_563 = arith.index_cast %parallel_loop3A_561 : i32 to index
            %parallel_loop3A_564 = tpu.vector_load %arg4[%parallel_loop3A_562, %parallel_loop3A_563] {strides = array<i32>} : memref<2x32768xf32, #tpu.memory_space<vmem>>, vector<16xf32>,
            %parallel_loop3A_565 = vector.broadcast %squeeze3A : f32 to vector<16xf32>
            %parallel_loop3A_566 = arith.cmpf oge, %parallel_loop3A_564, %parallel_loop3A_565 : vector<16xf32>
            %parallel_loop3A_567 = tpu.all_reduce %parallel_loop3A_566 {dim = 0 : i64, kind = #tpu.reduction_kind<sum>} : vector<16xi1> -> vector<16xi32>
            %parallel_loop3A_568 = vector.extract_strided_slice %parallel_loop3A_567 {offsets = [0], sizes = [1], strides = [1]} : vector<16xi32> to vector<1xi32>
            %parallel_loop3A_569 = vector.extract %parallel_loop3A_568[0] : i32 from vector<1xi32>
            %parallel_loop3A_570 = arith.index_cast %parallel_loop3A_559 : i32 to index
            %parallel_loop3A_571 = tpu.vector_load %arg7[%parallel_loop3A_570] masked %parallel_loop3A_566 {strides = array<i32>} : memref<1040xf32, #tpu.memory_space<vmem>>, vector<16xf32>, vector<16xi1>
            tpu.vector_store %arg7[%parallel_loop3A_570], %parallel_loop3A_564 masked %parallel_loop3A_566 {strides = array<i32>} : memref<1040xf32, #tpu.memory_space<vmem>>, vector<16xf32>, vector<16xi1>
            %parallel_loop3A_572 = arith.constant 64 : i32
            %parallel_loop3A_573 = arith.addi %parallel_loop3A_475, %parallel_loop3A_572 : i32
            %parallel_loop3A_574 = vector.broadcast %parallel_loop3A_573 : i32 to vector<16xi32>
            %parallel_loop3A_575 = arith.addi %iota3A, %parallel_loop3A_574 : vector<16xi32>
            %parallel_loop3A_576 = arith.index_cast %parallel_loop3A_559 : i32 to index
            %parallel_loop3A_577 = tpu.vector_load %arg8[%parallel_loop3A_576] masked %parallel_loop3A_566 {strides = array<i32>} : memref<1040xi32, #tpu.memory_space<vmem>>, vector<16xi32>, vector<16xi1>
            tpu.vector_store %arg8[%parallel_loop3A_576], %parallel_loop3A_575 masked %parallel_loop3A_566 {strides = array<i32>} : memref<1040xi32, #tpu.memory_space<vmem>>, vector<16xi32>, vector<16xi1>
            %parallel_loop3A_578 = arith.addi %parallel_loop3A_559, %parallel_loop3A_569 : i32
            %parallel_loop3A_579 = arith.constant 1024 : i32
            %parallel_loop3A_580 = arith.minsi %parallel_loop3A_578, %parallel_loop3A_579 : i32
            %parallel_loop3A_581 = arith.constant 80 : i32
            %parallel_loop3A_582 = arith.addi %parallel_loop3A_475, %parallel_loop3A_581 : i32
            %parallel_loop3A_583 = arith.index_cast %and3A_41 : i32 to index
            %parallel_loop3A_584 = arith.index_cast %parallel_loop3A_582 : i32 to index
            %parallel_loop3A_585 = tpu.vector_load %arg4[%parallel_loop3A_583, %parallel_loop3A_584] {strides = array<i32>} : memref<2x32768xf32, #tpu.memory_space<vmem>>, vector<16xf32>,
            %parallel_loop3A_586 = vector.broadcast %squeeze3A : f32 to vector<16xf32>
            %parallel_loop3A_587 = arith.cmpf oge, %parallel_loop3A_585, %parallel_loop3A_586 : vector<16xf32>
            %parallel_loop3A_588 = tpu.all_reduce %parallel_loop3A_587 {dim = 0 : i64, kind = #tpu.reduction_kind<sum>} : vector<16xi1> -> vector<16xi32>
            %parallel_loop3A_589 = vector.extract_strided_slice %parallel_loop3A_588 {offsets = [0], sizes = [1], strides = [1]} : vector<16xi32> to vector<1xi32>
            %parallel_loop3A_590 = vector.extract %parallel_loop3A_589[0] : i32 from vector<1xi32>
            %parallel_loop3A_591 = arith.index_cast %parallel_loop3A_580 : i32 to index
            %parallel_loop3A_592 = tpu.vector_load %arg7[%parallel_loop3A_591] masked %parallel_loop3A_587 {strides = array<i32>} : memref<1040xf32, #tpu.memory_space<vmem>>, vector<16xf32>, vector<16xi1>
            tpu.vector_store %arg7[%parallel_loop3A_591], %parallel_loop3A_585 masked %parallel_loop3A_587 {strides = array<i32>} : memref<1040xf32, #tpu.memory_space<vmem>>, vector<16xf32>, vector<16xi1>
            %parallel_loop3A_593 = arith.constant 80 : i32
            %parallel_loop3A_594 = arith.addi %parallel_loop3A_475, %parallel_loop3A_593 : i32
            %parallel_loop3A_595 = vector.broadcast %parallel_loop3A_594 : i32 to vector<16xi32>
            %parallel_loop3A_596 = arith.addi %iota3A, %parallel_loop3A_595 : vector<16xi32>
            %parallel_loop3A_597 = arith.index_cast %parallel_loop3A_580 : i32 to index
            %parallel_loop3A_598 = tpu.vector_load %arg8[%parallel_loop3A_597] masked %parallel_loop3A_587 {strides = array<i32>} : memref<1040xi32, #tpu.memory_space<vmem>>, vector<16xi32>, vector<16xi1>
            tpu.vector_store %arg8[%parallel_loop3A_597], %parallel_loop3A_596 masked %parallel_loop3A_587 {strides = array<i32>} : memref<1040xi32, #tpu.memory_space<vmem>>, vector<16xi32>, vector<16xi1>
            %parallel_loop3A_599 = arith.addi %parallel_loop3A_580, %parallel_loop3A_590 : i32
            %parallel_loop3A_600 = arith.constant 1024 : i32
            %parallel_loop3A_601 = arith.minsi %parallel_loop3A_599, %parallel_loop3A_600 : i32
            %parallel_loop3A_602 = arith.constant 96 : i32
            %parallel_loop3A_603 = arith.addi %parallel_loop3A_475, %parallel_loop3A_602 : i32
            %parallel_loop3A_604 = arith.index_cast %and3A_41 : i32 to index
            %parallel_loop3A_605 = arith.index_cast %parallel_loop3A_603 : i32 to index
            %parallel_loop3A_606 = tpu.vector_load %arg4[%parallel_loop3A_604, %parallel_loop3A_605] {strides = array<i32>} : memref<2x32768xf32, #tpu.memory_space<vmem>>, vector<16xf32>,
            %parallel_loop3A_607 = vector.broadcast %squeeze3A : f32 to vector<16xf32>
            %parallel_loop3A_608 = arith.cmpf oge, %parallel_loop3A_606, %parallel_loop3A_607 : vector<16xf32>
            %parallel_loop3A_609 = tpu.all_reduce %parallel_loop3A_608 {dim = 0 : i64, kind = #tpu.reduction_kind<sum>} : vector<16xi1> -> vector<16xi32>
            %parallel_loop3A_610 = vector.extract_strided_slice %parallel_loop3A_609 {offsets = [0], sizes = [1], strides = [1]} : vector<16xi32> to vector<1xi32>
            %parallel_loop3A_611 = vector.extract %parallel_loop3A_610[0] : i32 from vector<1xi32>
            %parallel_loop3A_612 = arith.index_cast %parallel_loop3A_601 : i32 to index
            %parallel_loop3A_613 = tpu.vector_load %arg7[%parallel_loop3A_612] masked %parallel_loop3A_608 {strides = array<i32>} : memref<1040xf32, #tpu.memory_space<vmem>>, vector<16xf32>, vector<16xi1>
            tpu.vector_store %arg7[%parallel_loop3A_612], %parallel_loop3A_606 masked %parallel_loop3A_608 {strides = array<i32>} : memref<1040xf32, #tpu.memory_space<vmem>>, vector<16xf32>, vector<16xi1>
            %parallel_loop3A_614 = arith.constant 96 : i32
            %parallel_loop3A_615 = arith.addi %parallel_loop3A_475, %parallel_loop3A_614 : i32
            %parallel_loop3A_616 = vector.broadcast %parallel_loop3A_615 : i32 to vector<16xi32>
            %parallel_loop3A_617 = arith.addi %iota3A, %parallel_loop3A_616 : vector<16xi32>
            %parallel_loop3A_618 = arith.index_cast %parallel_loop3A_601 : i32 to index
            %parallel_loop3A_619 = tpu.vector_load %arg8[%parallel_loop3A_618] masked %parallel_loop3A_608 {strides = array<i32>} : memref<1040xi32, #tpu.memory_space<vmem>>, vector<16xi32>, vector<16xi1>
            tpu.vector_store %arg8[%parallel_loop3A_618], %parallel_loop3A_617 masked %parallel_loop3A_608 {strides = array<i32>} : memref<1040xi32, #tpu.memory_space<vmem>>, vector<16xi32>, vector<16xi1>
            %parallel_loop3A_620 = arith.addi %parallel_loop3A_601, %parallel_loop3A_611 : i32
            %parallel_loop3A_621 = arith.constant 1024 : i32
            %parallel_loop3A_622 = arith.minsi %parallel_loop3A_620, %parallel_loop3A_621 : i32
            %parallel_loop3A_623 = arith.constant 112 : i32
            %parallel_loop3A_624 = arith.addi %parallel_loop3A_475, %parallel_loop3A_623 : i32
            %parallel_loop3A_625 = arith.index_cast %and3A_41 : i32 to index
            %parallel_loop3A_626 = arith.index_cast %parallel_loop3A_624 : i32 to index
            %parallel_loop3A_627 = tpu.vector_load %arg4[%parallel_loop3A_625, %parallel_loop3A_626] {strides = array<i32>} : memref<2x32768xf32, #tpu.memory_space<vmem>>, vector<16xf32>,
            %parallel_loop3A_628 = vector.broadcast %squeeze3A : f32 to vector<16xf32>
            %parallel_loop3A_629 = arith.cmpf oge, %parallel_loop3A_627, %parallel_loop3A_628 : vector<16xf32>
            %parallel_loop3A_630 = tpu.all_reduce %parallel_loop3A_629 {dim = 0 : i64, kind = #tpu.reduction_kind<sum>} : vector<16xi1> -> vector<16xi32>
            %parallel_loop3A_631 = vector.extract_strided_slice %parallel_loop3A_630 {offsets = [0], sizes = [1], strides = [1]} : vector<16xi32> to vector<1xi32>
            %parallel_loop3A_632 = vector.extract %parallel_loop3A_631[0] : i32 from vector<1xi32>
            %parallel_loop3A_633 = arith.index_cast %parallel_loop3A_622 : i32 to index
            %parallel_loop3A_634 = tpu.vector_load %arg7[%parallel_loop3A_633] masked %parallel_loop3A_629 {strides = array<i32>} : memref<1040xf32, #tpu.memory_space<vmem>>, vector<16xf32>, vector<16xi1>
            tpu.vector_store %arg7[%parallel_loop3A_633], %parallel_loop3A_627 masked %parallel_loop3A_629 {strides = array<i32>} : memref<1040xf32, #tpu.memory_space<vmem>>, vector<16xf32>, vector<16xi1>
            %parallel_loop3A_635 = arith.constant 112 : i32
            %parallel_loop3A_636 = arith.addi %parallel_loop3A_475, %parallel_loop3A_635 : i32
            %parallel_loop3A_637 = vector.broadcast %parallel_loop3A_636 : i32 to vector<16xi32>
            %parallel_loop3A_638 = arith.addi %iota3A, %parallel_loop3A_637 : vector<16xi32>
            %parallel_loop3A_639 = arith.index_cast %parallel_loop3A_622 : i32 to index
            %parallel_loop3A_640 = tpu.vector_load %arg8[%parallel_loop3A_639] masked %parallel_loop3A_629 {strides = array<i32>} : memref<1040xi32, #tpu.memory_space<vmem>>, vector<16xi32>, vector<16xi1>
            tpu.vector_store %arg8[%parallel_loop3A_639], %parallel_loop3A_638 masked %parallel_loop3A_629 {strides = array<i32>} : memref<1040xi32, #tpu.memory_space<vmem>>, vector<16xi32>, vector<16xi1>
            %parallel_loop3A_641 = arith.addi %parallel_loop3A_622, %parallel_loop3A_632 : i32
            %parallel_loop3A_642 = arith.constant 1024 : i32
            %parallel_loop3A_643 = arith.minsi %parallel_loop3A_641, %parallel_loop3A_642 : i32
            scf.yield %parallel_loop3A_643 : i32
          } else {
            scf.yield %parallel_loop3A_462 : i32
          }
          scf.yield %parallel_loop3A_471 : i32
        } else {
          scf.yield %parallel_loop3A_389 : i32
        }
        scf.yield %parallel_loop3A_435 : i32
      } {sc.loop_unroll_factor = 1 : i64, sc.parallel_access}
      %add3A_315 = arith.constant 15 : i32
      %add3A_316 = arith.addi %parallel_loop3A_314, %add3A_315 : i32
      %jit3A = arith.constant 16 : i32
      %div3A = arith.divsi %add3A_316, %jit3A : i32
      %sign3A = arith.constant 0 : i32
      %sign3A_317 = arith.cmpi sgt, %add3A_316, %sign3A : i32
      %sign3A_318 = arith.extui %sign3A_317 : i1 to i32
      %sign3A_319 = arith.constant 0 : i32
      %sign3A_320 = arith.cmpi slt, %add3A_316, %sign3A_319 : i32
      %sign3A_321 = arith.extui %sign3A_320 : i1 to i32
      %sign3A_322 = arith.subi %sign3A_318, %sign3A_321 : i32
      %sign3A_323 = arith.constant 0 : i32
      %sign3A_324 = arith.cmpi sgt, %jit3A, %sign3A_323 : i32
      %sign3A_325 = arith.extui %sign3A_324 : i1 to i32
      %sign3A_326 = arith.constant 0 : i32
      %sign3A_327 = arith.cmpi slt, %jit3A, %sign3A_326 : i32
      %sign3A_328 = arith.extui %sign3A_327 : i1 to i32
      %sign3A_329 = arith.subi %sign3A_325, %sign3A_328 : i32
      %ne3A = arith.cmpi ne, %sign3A_322, %sign3A_329 : i32
      %rem3A = arith.remsi %add3A_316, %jit3A : i32
      %ne3A_330 = arith.constant 0 : i32
      %ne3A_331 = arith.cmpi ne, %rem3A, %ne3A_330 : i32
      %and3A_332 = arith.andi %ne3A, %ne3A_331 : i1
      %sub3A_333 = arith.constant 1 : i32
      %sub3A_334 = arith.subi %div3A, %sub3A_333 : i32
      %select_n3A = arith.select %and3A_332, %sub3A_334, %div3A : i32
      %broadcast_in_dim3A_335 = arith.constant 0xFF800000 : f32
      %broadcast_in_dim3A_336 = vector.broadcast %broadcast_in_dim3A_335 : f32 to vector<16xf32>
      %swap3A = arith.index_cast %parallel_loop3A_314 : i32 to index
      %swap3A_337 = tpu.vector_load %arg7[%swap3A] {strides = array<i32>} : memref<1040xf32, #tpu.memory_space<vmem>>, vector<16xf32>,
      tpu.vector_store %arg7[%swap3A], %broadcast_in_dim3A_336 {strides = array<i32>} : memref<1040xf32, #tpu.memory_space<vmem>>, vector<16xf32>,
      %broadcast_in_dim3A_338 = arith.constant 0xFF800000 : f32
      %broadcast_in_dim3A_339 = vector.broadcast %broadcast_in_dim3A_338 : f32 to vector<16xf32>
      %while3A = arith.constant 0 : i32
      %while3A_340 = arith.subi %select_n3A, %while3A : i32
      %while3A_341 = arith.addi %while3A, %while3A_340 : i32
      %while3A_342 = arith.constant 1 : i32
      %while3A_343 = arith.divsi %while3A_340, %while3A_342 : i32
      %while3A_344 = arith.muli %while3A_343, %while3A_342 : i32
      %while3A_345 = arith.addi %while3A, %while3A_344 : i32
      %while3A_346 = arith.constant 1 : i32
      %while3A_347 = scf.for %while3A_388 = %while3A to %while3A_345 step %while3A_346 iter_args(%while3A_389 = %broadcast_in_dim3A_339) -> (vector<16xf32>)  : i32 {
        %mul3A_390 = arith.constant 16 : i32
        %mul3A_391 = arith.muli %while3A_388, %mul3A_390 : i32
        %get3A_392 = arith.index_cast %mul3A_391 : i32 to index
        %get3A_393 = tpu.vector_load %arg7[%get3A_392] {strides = array<i32>} : memref<1040xf32, #tpu.memory_space<vmem>>, vector<16xf32>,
        %masked_sort3A_394 = arith.constant dense<true> : vector<16xi1>
        %masked_sort3A_395, %masked_sort3A_396, %masked_sort3A_397 = tpu.sort %get3A_393, %get3A_393 masked %masked_sort3A_394 {descending = true} : (vector<16xf32>, vector<16xf32>, vector<16xi1>) -> (vector<16xi1>, vector<16xf32>, vector<16xf32>)
        %rev3A_398 = arith.constant 15 : i32
        %rev3A_399 = vector.broadcast %rev3A_398 : i32 to vector<16xi32>
        %rev3A_400 = tpu.iota {dimensions = array<i32: 0>} : vector<16xi32>
        %rev3A_401 = arith.subi %rev3A_399, %rev3A_400 : vector<16xi32>
        %rev3A_402 = tpu.dynamic_gather %masked_sort3A_396[%rev3A_401] in [0] : vector<16xf32>, vector<16xi32> -> vector<16xf32>
        %max3A_403 = arith.maximumf %while3A_389, %rev3A_402 : vector<16xf32>
        %masked_sort3A_404 = arith.constant dense<true> : vector<16xi1>
        %masked_sort3A_405, %masked_sort3A_406, %masked_sort3A_407 = tpu.sort %max3A_403, %max3A_403 masked %masked_sort3A_404 {descending = true} : (vector<16xf32>, vector<16xf32>, vector<16xi1>) -> (vector<16xi1>, vector<16xf32>, vector<16xf32>)
        scf.yield %masked_sort3A_406 : vector<16xf32>
      }
      %while3A_348 = arith.constant 1 : i32
      %while3A_349 = scf.for %while3A_388 = %while3A_345 to %while3A_341 step %while3A_348 iter_args(%while3A_389 = %while3A_347) -> (vector<16xf32>)  : i32 {
        %mul3A_390 = arith.constant 16 : i32
        %mul3A_391 = arith.muli %while3A_388, %mul3A_390 : i32
        %get3A_392 = arith.index_cast %mul3A_391 : i32 to index
        %get3A_393 = tpu.vector_load %arg7[%get3A_392] {strides = array<i32>} : memref<1040xf32, #tpu.memory_space<vmem>>, vector<16xf32>,
        %masked_sort3A_394 = arith.constant dense<true> : vector<16xi1>
        %masked_sort3A_395, %masked_sort3A_396, %masked_sort3A_397 = tpu.sort %get3A_393, %get3A_393 masked %masked_sort3A_394 {descending = true} : (vector<16xf32>, vector<16xf32>, vector<16xi1>) -> (vector<16xi1>, vector<16xf32>, vector<16xf32>)
        %rev3A_398 = arith.constant 15 : i32
        %rev3A_399 = vector.broadcast %rev3A_398 : i32 to vector<16xi32>
        %rev3A_400 = tpu.iota {dimensions = array<i32: 0>} : vector<16xi32>
        %rev3A_401 = arith.subi %rev3A_399, %rev3A_400 : vector<16xi32>
        %rev3A_402 = tpu.dynamic_gather %masked_sort3A_396[%rev3A_401] in [0] : vector<16xf32>, vector<16xi32> -> vector<16xf32>
        %max3A_403 = arith.maximumf %while3A_389, %rev3A_402 : vector<16xf32>
        %masked_sort3A_404 = arith.constant dense<true> : vector<16xi1>
        %masked_sort3A_405, %masked_sort3A_406, %masked_sort3A_407 = tpu.sort %max3A_403, %max3A_403 masked %masked_sort3A_404 {descending = true} : (vector<16xf32>, vector<16xf32>, vector<16xi1>) -> (vector<16xi1>, vector<16xf32>, vector<16xf32>)
        scf.yield %masked_sort3A_406 : vector<16xf32>
      }
      %slice3A_350 = vector.extract_strided_slice %while3A_349 {offsets = [15], sizes = [1], strides = [1]} : vector<16xf32> to vector<1xf32>
      %squeeze3A_351 = vector.extract %slice3A_350[0] : f32 from vector<1xf32>
      %while3A_352 = arith.constant 0 : i32
      %while3A_353 = arith.constant 0 : i32
      %while3A_354 = arith.subi %select_n3A, %while3A_352 : i32
      %while3A_355 = arith.addi %while3A_352, %while3A_354 : i32
      %while3A_356 = arith.constant 1 : i32
      %while3A_357 = arith.divsi %while3A_354, %while3A_356 : i32
      %while3A_358 = arith.muli %while3A_357, %while3A_356 : i32
      %while3A_359 = arith.addi %while3A_352, %while3A_358 : i32
      %while3A_360 = arith.constant 1 : i32
      %while3A_361 = scf.for %while3A_388 = %while3A_352 to %while3A_359 step %while3A_360 iter_args(%while3A_389 = %while3A_353) -> (i32)  : i32 {
        %mul3A_390 = arith.constant 16 : i32
        %mul3A_391 = arith.muli %while3A_388, %mul3A_390 : i32
        %get3A_392 = arith.index_cast %mul3A_391 : i32 to index
        %get3A_393 = tpu.vector_load %arg7[%get3A_392] {strides = array<i32>} : memref<1040xf32, #tpu.memory_space<vmem>>, vector<16xf32>,
        %mul3A_394 = arith.constant 16 : i32
        %mul3A_395 = arith.muli %while3A_388, %mul3A_394 : i32
        %get3A_396 = arith.index_cast %mul3A_395 : i32 to index
        %get3A_397 = tpu.vector_load %arg8[%get3A_396] {strides = array<i32>} : memref<1040xi32, #tpu.memory_space<vmem>>, vector<16xi32>,
        %gt3A_398 = vector.broadcast %squeeze3A_351 : f32 to vector<16xf32>
        %gt3A_399 = arith.cmpf ogt, %get3A_393, %gt3A_398 : vector<16xf32>
        %swap3A_400 = arith.index_cast %while3A_389 : i32 to index
        %swap3A_401 = tpu.vector_load %arg9[%swap3A_400] masked %gt3A_399 {strides = array<i32>} : memref<1040xi32, #tpu.memory_space<vmem>>, vector<16xi32>, vector<16xi1>
        tpu.vector_store %arg9[%swap3A_400], %get3A_397 masked %gt3A_399 {strides = array<i32>} : memref<1040xi32, #tpu.memory_space<vmem>>, vector<16xi32>, vector<16xi1>
        %all_reduce_population_count3A = tpu.all_reduce %gt3A_399 {dim = 0 : i64, kind = #tpu.reduction_kind<sum>} : vector<16xi1> -> vector<16xi32>
        %slice3A_402 = vector.extract_strided_slice %all_reduce_population_count3A {offsets = [0], sizes = [1], strides = [1]} : vector<16xi32> to vector<1xi32>
        %squeeze3A_403 = vector.extract %slice3A_402[0] : i32 from vector<1xi32>
        %add3A_404 = arith.addi %while3A_389, %squeeze3A_403 : i32
        scf.yield %add3A_404 : i32
      }
      %while3A_362 = arith.constant 1 : i32
      %while3A_363 = scf.for %while3A_388 = %while3A_359 to %while3A_355 step %while3A_362 iter_args(%while3A_389 = %while3A_361) -> (i32)  : i32 {
        %mul3A_390 = arith.constant 16 : i32
        %mul3A_391 = arith.muli %while3A_388, %mul3A_390 : i32
        %get3A_392 = arith.index_cast %mul3A_391 : i32 to index
        %get3A_393 = tpu.vector_load %arg7[%get3A_392] {strides = array<i32>} : memref<1040xf32, #tpu.memory_space<vmem>>, vector<16xf32>,
        %mul3A_394 = arith.constant 16 : i32
        %mul3A_395 = arith.muli %while3A_388, %mul3A_394 : i32
        %get3A_396 = arith.index_cast %mul3A_395 : i32 to index
        %get3A_397 = tpu.vector_load %arg8[%get3A_396] {strides = array<i32>} : memref<1040xi32, #tpu.memory_space<vmem>>, vector<16xi32>,
        %gt3A_398 = vector.broadcast %squeeze3A_351 : f32 to vector<16xf32>
        %gt3A_399 = arith.cmpf ogt, %get3A_393, %gt3A_398 : vector<16xf32>
        %swap3A_400 = arith.index_cast %while3A_389 : i32 to index
        %swap3A_401 = tpu.vector_load %arg9[%swap3A_400] masked %gt3A_399 {strides = array<i32>} : memref<1040xi32, #tpu.memory_space<vmem>>, vector<16xi32>, vector<16xi1>
        tpu.vector_store %arg9[%swap3A_400], %get3A_397 masked %gt3A_399 {strides = array<i32>} : memref<1040xi32, #tpu.memory_space<vmem>>, vector<16xi32>, vector<16xi1>
        %all_reduce_population_count3A = tpu.all_reduce %gt3A_399 {dim = 0 : i64, kind = #tpu.reduction_kind<sum>} : vector<16xi1> -> vector<16xi32>
        %slice3A_402 = vector.extract_strided_slice %all_reduce_population_count3A {offsets = [0], sizes = [1], strides = [1]} : vector<16xi32> to vector<1xi32>
        %squeeze3A_403 = vector.extract %slice3A_402[0] : i32 from vector<1xi32>
        %add3A_404 = arith.addi %while3A_389, %squeeze3A_403 : i32
        scf.yield %add3A_404 : i32
      }
      %while3A_364 = arith.constant 0 : i32
      %while3A_365 = arith.subi %select_n3A, %while3A_364 : i32
      %while3A_366 = arith.addi %while3A_364, %while3A_365 : i32
      %while3A_367 = arith.constant 1 : i32
      %while3A_368 = arith.divsi %while3A_365, %while3A_367 : i32
      %while3A_369 = arith.muli %while3A_368, %while3A_367 : i32
      %while3A_370 = arith.addi %while3A_364, %while3A_369 : i32
      %while3A_371 = arith.constant 1 : i32
      %while3A_372 = scf.for %while3A_388 = %while3A_364 to %while3A_370 step %while3A_371 iter_args(%while3A_389 = %while3A_363) -> (i32)  : i32 {
        %mul3A_390 = arith.constant 16 : i32
        %mul3A_391 = arith.muli %while3A_388, %mul3A_390 : i32
        %get3A_392 = arith.index_cast %mul3A_391 : i32 to index
        %get3A_393 = tpu.vector_load %arg7[%get3A_392] {strides = array<i32>} : memref<1040xf32, #tpu.memory_space<vmem>>, vector<16xf32>,
        %mul3A_394 = arith.constant 16 : i32
        %mul3A_395 = arith.muli %while3A_388, %mul3A_394 : i32
        %get3A_396 = arith.index_cast %mul3A_395 : i32 to index
        %get3A_397 = tpu.vector_load %arg8[%get3A_396] {strides = array<i32>} : memref<1040xi32, #tpu.memory_space<vmem>>, vector<16xi32>,
        %eq3A = vector.broadcast %squeeze3A_351 : f32 to vector<16xf32>
        %eq3A_398 = arith.cmpf oeq, %get3A_393, %eq3A : vector<16xf32>
        %swap3A_399 = arith.index_cast %while3A_389 : i32 to index
        %swap3A_400 = tpu.vector_load %arg9[%swap3A_399] masked %eq3A_398 {strides = array<i32>} : memref<1040xi32, #tpu.memory_space<vmem>>, vector<16xi32>, vector<16xi1>
        tpu.vector_store %arg9[%swap3A_399], %get3A_397 masked %eq3A_398 {strides = array<i32>} : memref<1040xi32, #tpu.memory_space<vmem>>, vector<16xi32>, vector<16xi1>
        %all_reduce_population_count3A = tpu.all_reduce %eq3A_398 {dim = 0 : i64, kind = #tpu.reduction_kind<sum>} : vector<16xi1> -> vector<16xi32>
        %slice3A_401 = vector.extract_strided_slice %all_reduce_population_count3A {offsets = [0], sizes = [1], strides = [1]} : vector<16xi32> to vector<1xi32>
        %squeeze3A_402 = vector.extract %slice3A_401[0] : i32 from vector<1xi32>
        %add3A_403 = arith.addi %while3A_389, %squeeze3A_402 : i32
        scf.yield %add3A_403 : i32
      }
      %while3A_373 = arith.constant 1 : i32
      %while3A_374 = scf.for %while3A_388 = %while3A_370 to %while3A_366 step %while3A_373 iter_args(%while3A_389 = %while3A_372) -> (i32)  : i32 {
        %mul3A_390 = arith.constant 16 : i32
        %mul3A_391 = arith.muli %while3A_388, %mul3A_390 : i32
        %get3A_392 = arith.index_cast %mul3A_391 : i32 to index
        %get3A_393 = tpu.vector_load %arg7[%get3A_392] {strides = array<i32>} : memref<1040xf32, #tpu.memory_space<vmem>>, vector<16xf32>,
        %mul3A_394 = arith.constant 16 : i32
        %mul3A_395 = arith.muli %while3A_388, %mul3A_394 : i32
        %get3A_396 = arith.index_cast %mul3A_395 : i32 to index
        %get3A_397 = tpu.vector_load %arg8[%get3A_396] {strides = array<i32>} : memref<1040xi32, #tpu.memory_space<vmem>>, vector<16xi32>,
        %eq3A = vector.broadcast %squeeze3A_351 : f32 to vector<16xf32>
        %eq3A_398 = arith.cmpf oeq, %get3A_393, %eq3A : vector<16xf32>
        %swap3A_399 = arith.index_cast %while3A_389 : i32 to index
        %swap3A_400 = tpu.vector_load %arg9[%swap3A_399] masked %eq3A_398 {strides = array<i32>} : memref<1040xi32, #tpu.memory_space<vmem>>, vector<16xi32>, vector<16xi1>
        tpu.vector_store %arg9[%swap3A_399], %get3A_397 masked %eq3A_398 {strides = array<i32>} : memref<1040xi32, #tpu.memory_space<vmem>>, vector<16xi32>, vector<16xi1>
        %all_reduce_population_count3A = tpu.all_reduce %eq3A_398 {dim = 0 : i64, kind = #tpu.reduction_kind<sum>} : vector<16xi1> -> vector<16xi32>
        %slice3A_401 = vector.extract_strided_slice %all_reduce_population_count3A {offsets = [0], sizes = [1], strides = [1]} : vector<16xi32> to vector<1xi32>
        %squeeze3A_402 = vector.extract %slice3A_401[0] : i32 from vector<1xi32>
        %add3A_403 = arith.addi %while3A_389, %squeeze3A_402 : i32
        scf.yield %add3A_403 : i32
      }
      %get3A = arith.constant 0 : index
      %get3A_375 = tpu.vector_load %arg9[%get3A] {strides = array<i32>} : memref<1040xi32, #tpu.memory_space<vmem>>, vector<16xi32>,
      %gt3A = arith.constant 0 : i32
      %gt3A_376 = arith.cmpi sgt, %scan3A_36, %gt3A : i32
      %convert_element_type3A_377 = arith.extui %gt3A_376 : i1 to i32
      %cond3A_378 = arith.constant 0 : i32
      %cond3A_379 = arith.cmpi ne, %convert_element_type3A_377, %cond3A_378 : i32
      scf.if %cond3A_379 {
        %sub3A_388 = arith.constant 1 : i32
        %sub3A_389 = arith.subi %add3A_40, %sub3A_388 : i32
        %dma_wait3A_390 = arith.constant 0 : i32
        %dma_wait3A_391 = tpu.memref_slice %arg3[%sub3A_389, %dma_wait3A_390] : memref<128x32768xf32, #tpu.memory_space<hbm>> -> memref<1x32768xf32, #tpu.memory_space<hbm>>
        %dma_wait3A_392 = tpu.memref_squeeze %dma_wait3A_391 : memref<1x32768xf32, #tpu.memory_space<hbm>> -> memref<32768xf32, #tpu.memory_space<hbm>>
        %dma_wait3A_393 = arith.constant 0 : i32
        %dma_wait3A_394 = tpu.memref_slice %arg3[%sub3A_389, %dma_wait3A_393] : memref<128x32768xf32, #tpu.memory_space<hbm>> -> memref<1x32768xf32, #tpu.memory_space<hbm>>
        %dma_wait3A_395 = tpu.memref_squeeze %dma_wait3A_394 : memref<1x32768xf32, #tpu.memory_space<hbm>> -> memref<32768xf32, #tpu.memory_space<hbm>>
        tpu.wait_dma2 semaphore(%arg11 : memref<!tpu.dma_semaphore, #tpu.memory_space<semaphore_mem>>) src(%arg5 : memref<32768xf32, #tpu.memory_space<vmem>>) dst(%dma_wait3A_395 : memref<32768xf32, #tpu.memory_space<hbm>>)
        %broadcast_in_dim3A_396 = arith.constant 0.000000e+00 : f32
        %broadcast_in_dim3A_397 = vector.broadcast %broadcast_in_dim3A_396 : f32 to vector<16xf32>
        tpu.vector_store_idx %arg5[%scan3A_37], %broadcast_in_dim3A_397 : memref<32768xf32, #tpu.memory_space<vmem>>[vector<16xi32>], vector<16xf32>,
      } else {
      }
      %broadcast_in_dim3A_380 = arith.constant 1.000000e+00 : f32
      %broadcast_in_dim3A_381 = vector.broadcast %broadcast_in_dim3A_380 : f32 to vector<16xf32>
      tpu.vector_store_idx %arg5[%get3A_375], %broadcast_in_dim3A_381 : memref<32768xf32, #tpu.memory_space<vmem>>[vector<16xi32>], vector<16xf32>,
      %dma_start3A_382 = arith.constant 0 : i32
      %dma_start3A_383 = tpu.memref_slice %arg3[%add3A_40, %dma_start3A_382] : memref<128x32768xf32, #tpu.memory_space<hbm>> -> memref<1x32768xf32, #tpu.memory_space<hbm>>
      %dma_start3A_384 = tpu.memref_squeeze %dma_start3A_383 : memref<1x32768xf32, #tpu.memory_space<hbm>> -> memref<32768xf32, #tpu.memory_space<hbm>>
      %dma_start3A_385 = arith.constant 0 : i32
      %dma_start3A_386 = tpu.memref_slice %arg3[%add3A_40, %dma_start3A_385] : memref<128x32768xf32, #tpu.memory_space<hbm>> -> memref<1x32768xf32, #tpu.memory_space<hbm>>
      %dma_start3A_387 = tpu.memref_squeeze %dma_start3A_386 : memref<1x32768xf32, #tpu.memory_space<hbm>> -> memref<32768xf32, #tpu.memory_space<hbm>>
      tpu.enqueue_dma source(%arg5 : memref<32768xf32, #tpu.memory_space<vmem>>) target(%dma_start3A_387 : memref<32768xf32, #tpu.memory_space<hbm>>) target_semaphore(%arg11 : memref<!tpu.dma_semaphore, #tpu.memory_space<semaphore_mem>>)
      scf.yield %get3A_375 : vector<16xi32>
    }
    %scan3A_25 = arith.constant 4 : i32
    %mul3A_26 = arith.constant 4 : i32
    %mul3A_27 = arith.muli %add3A, %mul3A_26 : i32
    %add3A_28 = arith.constant 4 : i32
    %add3A_29 = arith.addi %mul3A_27, %add3A_28 : i32
    %sub3A = arith.constant 1 : i32
    %sub3A_30 = arith.subi %add3A_29, %sub3A : i32
    %dma_wait3A = arith.constant 0 : i32
    %dma_wait3A_31 = tpu.memref_slice %arg3[%sub3A_30, %dma_wait3A] : memref<128x32768xf32, #tpu.memory_space<hbm>> -> memref<1x32768xf32, #tpu.memory_space<hbm>>
    %dma_wait3A_32 = tpu.memref_squeeze %dma_wait3A_31 : memref<1x32768xf32, #tpu.memory_space<hbm>> -> memref<32768xf32, #tpu.memory_space<hbm>>
    %dma_wait3A_33 = arith.constant 0 : i32
    %dma_wait3A_34 = tpu.memref_slice %arg3[%sub3A_30, %dma_wait3A_33] : memref<128x32768xf32, #tpu.memory_space<hbm>> -> memref<1x32768xf32, #tpu.memory_space<hbm>>
    %dma_wait3A_35 = tpu.memref_squeeze %dma_wait3A_34 : memref<1x32768xf32, #tpu.memory_space<hbm>> -> memref<32768xf32, #tpu.memory_space<hbm>>
    tpu.wait_dma2 semaphore(%arg11 : memref<!tpu.dma_semaphore, #tpu.memory_space<semaphore_mem>>) src(%arg5 : memref<32768xf32, #tpu.memory_space<vmem>>) dst(%dma_wait3A_35 : memref<32768xf32, #tpu.memory_space<hbm>>)
    return
  }
}

</mosaic_0001>

<sc_bundles>
// kernel: _topk_mask.3.cloned.1.call-start
scs
__scs_entry_jumppad:
0x0: {  	(pc) =	sbr.rel $0x88, $3  }
0x1: {  	(tag) =	ssettag $0x0;
	lr =	simm.s32 $0x1  }
0x2: {  	[smem:$0x3FA0] =	sst lr;
	_ =	strace $0xD0000000  }
0x3: {  	_ = 	snop  }
0x4: {  	_ = 	snop  }
0x5: {  	_ = 	snop  }
0x6: {  	_ = 	snop  }
0x7: {  	_ = 	snop  }
__scs_overlays_trampoline_lowered:
0x8: {  	[smem:$0x3FAF] =	sst s0  }
0x9: {  	[smem:$0x3FB0] =	sst s1  }
0xa: {  	[smem:$0x3FB1] =	sst s2  }
0xb: {  	[smem:$0x3FB2] =	sst s3  }
0xc: {  	[smem:$0x3FB3] =	sst s4  }
0xd: {  	[smem:$0x3FB4] =	sst s5  }
0xe: {  	[smem:$0x3FB5] =	sst s6  }
0xf: {  	[smem:$0x3FB6] =	sst s7  }
0x10: {  	[smem:$0x3FB7] =	sst s8  }
0x11: {  	[smem:$0x3FB8] =	sst s9;
	s0 =	simm.s32 @!p0 $0x0  }
0x12: {  	s1 =	sld [smem:$0x3F9E];
	s0 =	simm.s32 @p0 $0x1  }
0x13: {  	[smem:$0x3FB9] =	sst s0;
	s0 =	simm.s32 @!p1 $0x0  }
0x14: {  	s2 =	sld [smem:$0x3F9D];
	s0 =	simm.s32 @p1 $0x1  }
0x15: {  	[smem:$0x3FBA] =	sst s0;
	s0 =	simm.s32 @!p2 $0x0  }
0x16: {  	s3 =	sld [smem:$0x3FDB];
	s0 =	simm.s32 @p2 $0x1  }
0x17: {  	s4 =	simm.s32 $0x1BF5;
	[smem:$0x3FBC] =	sst s0  }
0x18: {  	s0 =	sld [smem:$0x3F9F];
	_ =	swait.ge [sflag:s4], $0x0  }
0x19: {  	s7 =	sld [smem:$0x3FA0]  }
0x1a: {  	s8 =	sadd.s32 $0xFFFFE003, lr  }
0x1b: {  	s9 =	sadd.s32 $0xFFFFFEF7, lr;
	s5 =	simm.s32 $0xFFFFFFFF;
	p2 =	slt.u32 s8, $0xFFFFF086  }
0x1c: {  	p1 =	slt.u32 s9, $0xF7A;
	s5 =	simm.s32 @!p2 $0x0  }
0x1d: {  	s5 =	simm.s32 @p1 $0x1;
	p0 =	seq.s32 s7, s2  }
0x1e: {  	s7 =	smul.u32 @!p0 $0xF7A, s2;
	p2 =	seq.s32 @!p0 s5, $0x0  }
0x1f: {  	s9 =	smul.u32 $0xF7A, s1;
	s8 =	simm.s32 @!p0 $0x1BF5;
	p2 =	por !p2, p0  }
0x20: {  	[sflag:s8] =	ssyncset.s32 @!p0 $0xFFFFF086;
	s6 =	sadd.s32 @!p0 s3, s7;
	s7 =	simm.s32 @!p0 $0x108  }
0x21: {  	s3 =	sadd.s32 s3, s9;
	s6 =	sadd.s32 @!p0 $0x88, s6;
	s7 =	simm.s32 @p2 $0x1082  }
0x22: {  	[simem:s7], [sflag:s8] =	dma.local @!p0 [hbm:s6], $0xF7A  }
0x23: {  	s9 =	sor.u32 $0xD0000000, s2;
	s6 =	simm.s32 $0x108;
	_ =	swait.ge @!p0 [sflag:s8], $0x0  }
0x24: {  	s3 =	sadd.s32 $0x88, s3;
	s6 =	simm.s32 @!p1 $0x1082;
	[sflag:s4] =	ssyncset.s32 $0xFFFFF086  }
0x25: {  	[simem:s6], [sflag:s4] =	dma.local [hbm:s3], $0xF7A  }
0x26: {  	[smem:$0x3FA0] =	sst s1;
	(tag) =	ssettag s2;
	_ =	strace s9  }
0x27: {  	s1 =	sld [smem:$0x3FB0]  }
0x28: {  	s2 =	sld [smem:$0x3FB1]  }
0x29: {  	s4 =	sld [smem:$0x3FB3]  }
0x2a: {  	p0 =	seq.s32 s5, $0x0;
	s5 =	sld [smem:$0x3FB4]  }
0x2b: {  	s6 =	sld [smem:$0x3FB5]  }
0x2c: {  	s7 =	sld [smem:$0x3FB6]  }
0x2d: {  	s3 =	simm.s32 $0x108;
	s8 =	sld [smem:$0x3FB7]  }
0x2e: {  	s3 =	simm.s32 @!p0 $0x1082;
	s9 =	sld [smem:$0x3FB8]  }
0x2f: {  	lr =	sadd.s32 s0, s3;
	s0 =	sld [smem:$0x3FAF]  }
0x30: {  	s3 =	sld [smem:$0x3FB2]  }
0x31: {  	[smem:$0x3FBB] =	sst s10  }
0x32: {  	s10 =	sld [smem:$0x3FB9];
	_ =	sdelay $0x3  }
0x33: {  	p0 =	seq.s32 s10, $0x1;
	s10 =	sld [smem:$0x3FBB];
	_ =	sdelay $0x3  }
0x34: {  	[smem:$0x3FBB] =	sst s10  }
0x35: {  	s10 =	sld [smem:$0x3FBA];
	_ =	sdelay $0x3  }
0x36: {  	p1 =	seq.s32 s10, $0x1;
	s10 =	sld [smem:$0x3FBB];
	_ =	sdelay $0x3  }
0x37: {  	[smem:$0x3FBB] =	sst s10  }
0x38: {  	s10 =	sld [smem:$0x3FBC]  }
0x39: {  	_ = 	snop;
	(pc) =	sbr.ind lr, $3  }
0x3a: {  	_ = 	snop  }
0x3b: {  	_ = 	snop  }
0x3c: {  	p2 =	seq.s32 s10, $0x1;
	s10 =	sld [smem:$0x3FBB]  }
0x3d: {  	_ =	shalt  }
0x3e: {  	_ =	shalt  }
0x3f: {  	_ =	shalt  }
0x40: {  	_ =	shalt  }
0x41: {  	_ =	shalt  }
0x42: {  	_ =	shalt  }
0x43: {  	_ =	shalt  }
0x44: {  	_ =	shalt  }
0x45: {  	_ =	shalt  }
0x46: {  	_ =	shalt  }
0x47: {  	_ =	shalt  }
0x48: {  	_ =	shalt  }
0x49: {  	_ =	shalt  }
0x4a: {  	_ =	shalt  }
0x4b: {  	_ =	shalt  }
0x4c: {  	_ =	shalt  }
0x4d: {  	_ =	shalt  }
0x4e: {  	_ =	shalt  }
0x4f: {  	_ =	shalt  }
0x50: {  	_ =	shalt  }
0x51: {  	_ =	shalt  }
0x52: {  	_ =	shalt  }
0x53: {  	_ =	shalt  }
0x54: {  	_ =	shalt  }
0x55: {  	_ =	shalt  }
0x56: {  	_ =	shalt  }
0x57: {  	_ =	shalt  }
0x58: {  	_ =	shalt  }
0x59: {  	_ =	shalt  }
0x5a: {  	_ =	shalt  }
0x5b: {  	_ =	shalt  }
0x5c: {  	_ =	shalt  }
0x5d: {  	_ =	shalt  }
0x5e: {  	_ =	shalt  }
0x5f: {  	_ =	shalt  }
0x60: {  	_ =	shalt  }
0x61: {  	_ =	shalt  }
0x62: {  	_ =	shalt  }
0x63: {  	_ =	shalt  }
0x64: {  	_ =	shalt  }
0x65: {  	_ =	shalt  }
0x66: {  	_ =	shalt  }
0x67: {  	_ =	shalt  }
0x68: {  	_ =	shalt  }
0x69: {  	_ =	shalt  }
0x6a: {  	_ =	shalt  }
0x6b: {  	_ =	shalt  }
0x6c: {  	_ =	shalt  }
0x6d: {  	_ =	shalt  }
0x6e: {  	_ =	shalt  }
0x6f: {  	_ =	shalt  }
0x70: {  	_ =	shalt  }
0x71: {  	_ =	shalt  }
0x72: {  	_ =	shalt  }
0x73: {  	_ =	shalt  }
0x74: {  	_ =	shalt  }
0x75: {  	_ =	shalt  }
0x76: {  	_ =	shalt  }
0x77: {  	_ =	shalt  }
0x78: {  	_ =	shalt  }
0x79: {  	_ =	shalt  }
0x7a: {  	_ =	shalt  }
0x7b: {  	_ =	shalt  }
0x7c: {  	_ =	shalt  }
0x7d: {  	_ =	shalt  }
0x7e: {  	_ =	shalt  }
0x7f: {  	_ =	shalt  }
0x80: {  	_ =	shalt  }
0x81: {  	_ =	shalt  }
0x82: {  	_ =	shalt  }
0x83: {  	_ =	shalt  }
0x84: {  	_ =	shalt  }
0x85: {  	_ =	shalt  }
0x86: {  	_ =	shalt  }
0x87: {  	_ =	shalt  }
.Lfunc_end0:
.L_simem_size_0:
called_computation_lowered:
.L_overlay_start_0:
0x88: {  	s2 =	sld [smem:$0x3FD9]  }
0x89: {  	s3 =	sld [smem:$0x3FFE];
	_ =	sdelay $0x1  }
0x8a: {  	s1 =	srdreg.scid  }
0x8b: {  	s0 =	sand.u32 $0x1, s1  }
0x8c: {  	s18 =	sshll.u32 s0, $0xA;
	s2 =	sadd.s32 s3, s2  }
0x8d: {  	s2 =	sadd.s32 s2, s18  }
0x8e: {  	[smem:$0x3FC7] =	sst s2  }
0x8f: {  	_ = 	snop  }
0x90: {  	s2 =	sld [smem:$0x3FC9]  }
0x91: {  	s19 =	sld [smem:$0x3FD0];
	(tm) =	ssettm $0x1  }
0x92: {  	s4 =	sld [smem:$0x3FFB];
	_ =	sdelay $0x3  }
0x93: {  	_ =	strace s4  }
0x94: {  	s4 =	sld [smem:$0x3FFC];
	_ =	sdelay $0x3  }
0x95: {  	_ =	strace s4  }
0x96: {  	s4 =	sld [smem:$0x3FFD];
	_ =	sdelay $0x3  }
0x97: {  	_ =	strace s4  }
0x98: {  	_ =	strace $0x8FFFFFFF  }
0x99: {  	s20 =	sld [smem:$0x3FDB];
	_ =	sdelay $0x1  }
0x9a: {  	s5 =	simm.s32 $_scs_section_size  }
0x9b: {  	s6 =	simm.s32 $_size__tile_overlayer_lowered;
	s7 =	simm.s32 $_tile_overlayer_lowered  }
0x9c: {  	s23 =	simm.s32 $0x1BFF;
	s22 =	sshll.u32 s7, $0x1;
	s4 =	sadd.s32 s5, s20  }
0x9d: {  	s8 =	simm.s32 $0x0;
	s21 =	sshll.u32 s6, $0x1;
	s6 =	sadd.s32 s22, s4  }
0x9e: {  	[timem:s8], [sflag:s23] =	dma.local [hbm:s6], s21  }
0x9f: {  	_ =	swait.ge [sflag:s23], s21  }
0xa0: {  	s5 =	ssub.s32 $0x0, s21;
	[sflag:s23] =	ssyncset.done $0x0  }
0xa1: {  	[sflag:s23] =	ssyncadd.s32 s5;
	_ =	sdelay $0x1  }
0xa2: {  	s24 =	simm.s32 $0x1B8B  }
0xa3: {  	_ =	swait.ge [sflag:s24], $0x1  }
0xa4: {  	[sflag:s24] =	ssyncset.done $0x0  }
0xa5: {  	s25 =	simm.s32 $0x1B8E;
	[sflag:s24] =	ssyncadd.s32 $0xFFFFFFFF  }
0xa6: {  	s26 =	simm.s32 $execute0_lowered;
	[smem:$0x3FD2] =	sst s25  }
0xa7: {  	s5 =	sshll.u32 s26, $0x1;
	_ =	strace $0x80000046;
	[dreg:$0x1] =	wrdreg $0xFFFFFFFF  }
0xa8: {  	s28 =	simm.s32 $_size_execute0_lowered;
	s4 =	sadd.s32 s4, s5;
	[dreg:$0x0] =	wrdreg $0x0  }
0xa9: {  	s5 =	sshll.u32 s28, $0x1;
	[dreg:$0x2] =	wrdreg s4  }
0xaa: {  	[dreg:$0x3] =	wrdreg s5  }
0xab: {  	[dreg:$0x4] =	wrdreg $0xC0  }
0xac: {  	_ =	task [dreg:s8], $0x5FFFF  }
0xad: {  	[dreg:$0x1] =	wrdreg $0xFFFFFFFF  }
0xae: {  	[dreg:$0x0] =	wrdreg $0x60  }
0xaf: {  	[dreg:$0x2] =	wrdreg s2  }
0xb0: {  	[dreg:$0x3] =	wrdreg s19  }
0xb1: {  	[dreg:$0x4] =	wrdreg $0x9  }
0xb2: {  	_ =	task.clear_ibuf [dreg:s8], $0x5FFFF;
	_ =	strace $0x90000046  }
0xb3: {  	s29 =	simm.s32 $0x9;
	_ =	strace $0x80000048  }
0xb4: {  	_ =	swait.ge [sflag:s29], $0x1  }
0xb5: {  	[sflag:s29] =	ssyncadd.s32 $0xFFFFFFFF  }
0xb6: {  	_ =	strace $0x90000048  }
0xb7: {  	_ =	sfence  }
0xb8: {  	s30 =	sld [smem:$0x0];
	_ =	sdelay $0x2  }
0xb9: {  	s31 =	sshll.u32 s1, $0xD;
	s1 =	sshrl.u32 s1, $0x2  }
0xba: {  	s3 =	sand.u32 $0x4000, s31;
	s1 =	sadd.s32 s1, s30  }
0xbb: {  	s0 =	sor.u32 s3, s0;
	s1 =	sshll.u32 s1, $0x11  }
0xbc: {  	s0 =	sor.u32 s1, s0  }
0xbd: {  	s0 =	sadd.s32 $0x8F2B, s0  }
0xbe: {  	[sflag:s0] =	ssyncadd.remote.s32 $0x1  }
0xbf: {  	_ =	sfence.sel $0xFFFF  }
0xc0: {  	[dreg:$0x0] =	wrdreg $0xFFFFFFFF;
	(pc) =	sbr.abs _section_cstart, $3  }
0xc1: {  	[dreg:$0x1] =	wrdreg $0xFFFFFFFF  }
0xc2: {  	_ =	task.clear_ibuf [dreg:s8], $0x2FFFF;
	_ =	strace $0x9FFFFFFF  }
0xc3: {  	(tm) =	ssettm $0x7FFFFFFF  }
tec
execute0_lowered:
.L_overlay_start_1:
0x0: {  	(tag) =	ssettag $0x1  }
0x1: {  	s1 =	rddreg [dreg:$0x0]  }
0x2: {  	s6 =	rddreg [dreg:$0x1]  }
0x3: {  	s0 =	rddreg [dreg:$0x2];
	s4 =	srdreg.scid;
	s3 =	simm.s32 $0x0  }
0x4: {  	s2 =	stileid.u32;
	s10 =	simm.s32 $0x400;
	s11 =	simm.s32 $0x3  }
0x5: {  	s12 =	simm.s32 $0x0;
	s5 =	sand.u32 $0x1, s4;
	[smem:$0x7FF] =	sst s3  }
0x6: {  	s7 =	sshll.u32 s2, $0x2;
	s31 =	sshll.u32 s2, $0x6;
	s4 =	sshll.u32 s5, $0x6  }
.Ltmp0:
0x7: {  	_ =	strace $0x80000047;
	s4 =	sor.u32 s7, s4;
	(pc) =	sbr.rel .LBB2_1-.Ltmp0, $4  }
0x8: {  	v0 =	vlaneseq.u32;
	s5 =	ssub.s32 $0x2, s5;
	s7 =	sand.u32 $0x40, s31;
	s8 =	sshll.u32 s4, $0xC  }
0x9: {  	v2 =	vmul.u32 $0xFFFFFFFF, v0;
	s9 =	sshrl.u32 s5, $0x1;
	s7 =	sadd.s32 s1, s7;
	s8 =	sand.u32 $0x78000, s8  }
0xa: {  	s9 =	ssub.s32 s5, s9;
	s5 =	sadd.s32 s8, s7;
	s6 =	sadd.s32 s6, s8  }
0xb: {  	v1 =	vimm.f32 $0.0e+00;
	v3 =	vimm.f32 $1.000000000e+00;
	v2 =	vadd.s32 $0xF, v2;
	s7 =	smax.u32 s9, $0x1;
	s8 =	simm.s32 $0x10000;
	s9 =	simm.s32 $0x80  }
.LBB2_44:
0xc: {  	s12 =	sadd.s32 $0x1, s12  }
0xd: {  	p0 =	sne.s32 s12, s7  }
.Ltmp1:
0xe: {  	_ = 	snop;
	(pc) =	sbr.rel @!p0 .LBB2_45-.Ltmp1, $4  }
0xf: {  	_ = 	snop  }
0x10: {  	_ =	swait.ge [sflag:s11], $0x8000  }
0x11: {  	[sflag:s11] =	ssyncset.done $0x0  }
0x12: {  	[sflag:s11] =	ssyncadd.s32 $0xFFFF8000  }
.LBB2_1:
0x13: {  	s13 =	simm.s32 $0x40;
	s14 =	simm.s32 $0x0  }
.LBB2_2:
0x14: {  	p0 =	sne.s32 s13, $0x1FFC0;
	[tilespmem:s14+$0x10000] =	vst v1;
	s14 =	smov.u32 s13;
	s13 =	sadd.s32 $0x40, s13  }
.Ltmp2:
0x15: {  	(pc) =	sbr.rel @p0 .LBB2_2-.Ltmp2, $2  }
0x16: {  	_ =	sdelay $0x2  }
0x17: {  	s14 =	sshra.s32 s14, $0x2  }
0x18: {  	[tilespmem:s14+$0x10000] =	vst v1;
	s13 =	simm.s32 $0x0;
	s14 =	simm.s32 $0x0;
	s15 =	simm.s32 $0x0  }
.LBB2_4:
0x19: {  	p0 =	sne.s32 s15, $0x7F80  }
.Ltmp3:
0x1a: {  	_ = 	snop;
	(pc) =	sbr.rel @p0 .LBB2_4-.Ltmp3, $4  }
0x1b: {  	_ = 	snop  }
0x1c: {  	s16 =	sadd.s32 s15, s5  }
0x1d: {  	[tilespmem:s14], [sflag:$0x1] =	stream.linear.gather [hbm4b:s16+s13], $0x80, $0x38;
	[tilespmem:$0x19D80] =	vst v63  }
0x1e: {  	s15 =	sadd.s32 $0x80, s15;
	s14 =	sadd.s32 $0x100, s14  }
.Ltmp4:
0x1f: {  	(pc) =	sbr.rel .LBB2_6-.Ltmp4, $2  }
0x20: {  	_ =	sdelay $0x2  }
0x21: {  	v4 =	vimm.s32 $0x0;
	p0 =	por $0x1, $0x1;
	p1 =	por $0x0, $0x0  }
.LBB2_38:
0x22: {  	s17 =	simm.s32 $0x19480;
	s18 =	smov.u32 s19  }
.LBB2_42:
0x23: {  	vm0 =	veq.f32 v6, v5  }
0x24: {  	v5 =	vmpcnt.ones.xlane vm0;
	_ =	sdelay $0x1  }
0x25: {  	(v2sf) =	vpush v5, $0x0;
	_ =	sdelay $0x7  }
0x26: {  	s17 =	sadd.s32 @p2 $0x10, s17  }
0x27: {  	s16 =	smov.u32 @p2 s17  }
0x28: {  	v5 =	vld [tilespmem:s16+$0x0];
	_ =	sdelay $0x1  }
0x29: {  	s16 =	spop @p2 (v2sf)  }
0x2a: {  	s16 =	sadd.s32 @p2 s18, s16  }
0x2b: {  	s19 =	smov.u32 @p2 s16  }
0x2c: {  	[tilespmem:s19+$0x19900] =	vst.msk vm0, v5;
	s31 =	spop (v2sf)  }
.LBB2_43:
0x2d: {  	p2 =	seq.s32 s13, $0x0  }
0x2e: {  	v5 =	vld [tilespmem:$0x19900];
	s13 =	simm.s32 @!p2 $0x3  }
0x2f: {  	_ =	swait.ge @!p2 [sflag:s13], $0x8000  }
0x30: {  	[sflag:s13] =	ssyncset.done @!p2 $0x0  }
0x31: {  	v6 =	vimm.f32 @!p2 $0.0e+00;
	[sflag:s13] =	ssyncadd.s32 @!p2 $0xFFFF8000;
	s13 =	simm.s32 @!p2 $0x10000  }
0x32: {  	[tilespmem:v4+s13+$0x0] =	vst.idx.msk @!p2 $0xffff, v6;
	p2 =	sne.s32 s15, $0x4  }
.Ltmp5:
0x33: {  	_ = 	snop;
	(pc) =	sbr.rel @!p2 .LBB2_44-.Ltmp5, $4  }
0x34: {  	s14 =	sshll.u32 s14, $0x4  }
0x35: {  	p0 =	por !p0, !p0;
	s14 =	sand.u32 $0x70, s14  }
0x36: {  	p1 =	por !p1, !p1;
	s31 =	sadd.s32 s14, s6;
	s13 =	smov.u32 s15;
	[tilespmem:v5+s8+$0x0] =	vst.idx.msk $0xffff, v3  }
0x37: {  	v4 =	vmov v5;
	[hbm4b:s31+s9] =	stream.strided.scatter [tilespmem:s8], [sflag:$0x3], $0x8000, s10, s9, $0x38;
	[tilespmem:$0x19D80] =	vst v63  }
.LBB2_6:
0x38: {  	p2 =	seq.s32 s13, $0x3  }
.Ltmp6:
0x39: {  	_ = 	snop;
	(pc) =	sbr.rel @p2 .LBB2_10-.Ltmp6, $2  }
0x3a: {  	_ =	sdelay $0x2  }
0x3b: {  	s14 =	sor.u32 s4, s13;
	s15 =	sand.u32 $0x1, s13  }
0x3c: {  	s16 =	sadd.s32 $0x1, s14  }
0x3d: {  	s17 =	simm.s32 $0x1;
	s18 =	sshll.u32 s16, $0x4  }
0x3e: {  	s19 =	sxor.u32 $0x1, s15;
	s16 =	sshll.u32 s16, $0xC;
	s18 =	sand.u32 $0x70, s18  }
0x3f: {  	s17 =	simm.s32 @!p0 $0x0;
	s20 =	sand.u32 $0xFFF8000, s16;
	s18 =	sadd.s32 s1, s18  }
0x40: {  	s17 =	sshll.u32 s17, $0x7;
	s16 =	sadd.s32 $0x1, s19;
	s18 =	sadd.s32 s20, s18  }
0x41: {  	s19 =	simm.s32 $0x80;
	s20 =	sadd.s32 $0x100, s17;
	s21 =	sadd.s32 $0x0, s18  }
.LBB2_8:
0x42: {  	[tilespmem:s17], [sflag:s16] =	stream.linear.gather [hbm4b:s21+s3], $0x80, $0x38;
	[tilespmem:$0x19D80] =	vst v63  }
0x43: {  	s21 =	smov.u32 s19;
	s17 =	smov.u32 s20;
	p2 =	sne.s32 s19, $0x7F80  }
.Ltmp7:
0x44: {  	s19 =	sadd.s32 $0x80, s19;
	(pc) =	sbr.rel @p2 .LBB2_8-.Ltmp7, $2  }
0x45: {  	_ =	sdelay $0x2  }
0x46: {  	s20 =	sadd.s32 $0x100, s20;
	s21 =	sadd.s32 s21, s18  }
0x47: {  	[tilespmem:s17], [sflag:s16] =	stream.linear.gather [hbm4b:s21+s3], $0x80, $0x38;
	[tilespmem:$0x19D80] =	vst v63  }
.LBB2_10:
0x48: {  	s16 =	simm.s32 $0x1;
	s15 =	sadd.s32 $0x1, s15  }
0x49: {  	s16 =	simm.s32 @!p1 $0x0;
	_ =	swait.ge [sflag:s15], $0x8000  }
0x4a: {  	s16 =	sshll.u32 s16, $0x7;
	[sflag:s15] =	ssyncset.done $0x0  }
0x4b: {  	s16 =	sor.u32 $0x200, s16;
	[sflag:s15] =	ssyncadd.s32 $0xFFFF8000  }
0x4c: {  	v5 =	vld [tilespmem:s16+$0x100]  }
0x4d: {  	v7 =	vld [tilespmem:s16+$0x110]  }
0x4e: {  	v8 =	vld [tilespmem:s16+$0x120]  }
0x4f: {  	v9 =	vld [tilespmem:s16+$0x130]  }
0x50: {  	v10 =	vld [tilespmem:s16+$0x140]  }
0x51: {  	v11 =	vld [tilespmem:s16+$0x150]  }
0x52: {  	v12 =	vld [tilespmem:s16+$0x160]  }
0x53: {  	v13 =	vld [tilespmem:s16+$0x170]  }
0x54: {  	v6 =	vld [tilespmem:s16+$0xFFFFFE10]  }
0x55: {  	v14 =	vld [tilespmem:s16+$0xFFFFFE20]  }
0x56: {  	v15 =	vld [tilespmem:s16+$0xFFFFFE30]  }
0x57: {  	v16 =	vld [tilespmem:s16+$0xFFFFFE40]  }
0x58: {  	v17 =	vld [tilespmem:s16+$0xFFFFFE50]  }
0x59: {  	v18 =	vld [tilespmem:s16+$0xFFFFFE60]  }
0x5a: {  	v19 =	vld [tilespmem:s16+$0xFFFFFE70]  }
0x5b: {  	v20 =	vld [tilespmem:s16+$0xFFFFFF00]  }
0x5c: {  	v21 =	vld [tilespmem:s16+$0xFFFFFF10]  }
0x5d: {  	v22 =	vld [tilespmem:s16+$0xFFFFFF20]  }
0x5e: {  	v23 =	vld [tilespmem:s16+$0xFFFFFF30]  }
0x5f: {  	v24 =	vld [tilespmem:s16+$0xFFFFFF40]  }
0x60: {  	v25 =	vld [tilespmem:s16+$0xFFFFFF50]  }
0x61: {  	v26 =	vld [tilespmem:s16+$0xFFFFFF60]  }
0x62: {  	v27 =	vld [tilespmem:s16+$0xFFFFFF70]  }
0x63: {  	v28 =	vld [tilespmem:s16+$0x0]  }
0x64: {  	v29 =	vld [tilespmem:s16+$0x10]  }
0x65: {  	v30 =	vld [tilespmem:s16+$0x20];
	v5 =	vmax.f32 v5, v7;
	v7 =	vmax.f32 v8, v9;
	v8 =	vmax.f32 v10, v11  }
0x66: {  	v31 =	vld [tilespmem:s16+$0x30];
	v9 =	vmax.f32 v12, v13;
	v11 =	vmax.f32 v22, v23;
	v12 =	vmax.f32 v24, v25  }
0x67: {  	v13 =	vmax.f32 v26, v27;
	v10 =	vld [tilespmem:s16+$0x50];
	v5 =	vmax.f32 v5, v7;
	v7 =	vmax.f32 v8, v9  }
0x68: {  	v8 =	vmax.f32 v16, v17;
	v9 =	vld [tilespmem:s16+$0x40];
	v5 =	vmax.f32 v5, v7;
	v7 =	vmax.f32 v20, v21  }
0x69: {  	s17 =	simm.s32 $0x18020;
	v16 =	vmax.f32 v18, v19;
	v12 =	vmax.f32 v12, v13;
	v17 =	vmax.f32 v7, v11;
	v11 =	vld [tilespmem:s16+$0x60]  }
0x6a: {  	v8 =	vmax.f32 v8, v16;
	v7 =	vmax.f32 v14, v15;
	[tilespmem:s17+$0x10] =	vst v5;
	v13 =	vmax.f32 v17, v12;
	v12 =	vld [tilespmem:s16+$0x70]  }
0x6b: {  	s18 =	simm.s32 $0x0;
	s15 =	sadd.s32 $0x1, s13;
	s19 =	sadd.s32 $0x400, s16;
	v14 =	vmax.f32 v28, v29;
	v5 =	vimm.f32 $-Inf;
	v15 =	vmax.f32 v30, v31;
	[tilespmem:s17+$0xFFFFFFF0] =	vst v13;
	v13 =	vld [tilespmem:s16+$0xFFFFFE00]  }
.LBB2_11:
0x6c: {  	v16 =	vld [tilespmem:s19+$0x100];
	v14 =	vmax.f32 v14, v15  }
0x6d: {  	v15 =	vld [tilespmem:s19+$0x110];
	v9 =	vmax.f32 v9, v10  }
0x6e: {  	v10 =	vld [tilespmem:s19+$0x120]  }
0x6f: {  	v17 =	vld [tilespmem:s19+$0x130];
	v11 =	vmax.f32 v11, v12  }
0x70: {  	v12 =	vld [tilespmem:s19+$0x140];
	v6 =	vmax.f32 v13, v6;
	v9 =	vmax.f32 v9, v11  }
0x71: {  	v11 =	vld [tilespmem:s19+$0x150];
	v6 =	vmax.f32 v6, v7;
	v7 =	vmax.f32 v14, v9  }
0x72: {  	v9 =	vld [tilespmem:s19+$0x160];
	v6 =	vmax.f32 v6, v8;
	[tilespmem:s17+$0x0] =	vst v7  }
0x73: {  	s18 =	sadd.s32 $0x4, s18;
	v7 =	vld [tilespmem:s19+$0x170];
	[tilespmem:s17+$0xFFFFFFE0] =	vst v6  }
0x74: {  	p2 =	slt.u32 s18, $0xFC;
	v6 =	vld [tilespmem:s19+$0xFFFFFE10]  }
0x75: {  	v8 =	vld [tilespmem:s19+$0xFFFFFE20]  }
0x76: {  	v13 =	vld [tilespmem:s19+$0xFFFFFE30]  }
0x77: {  	v15 =	vmax.f32 v16, v15;
	v14 =	vld [tilespmem:s19+$0xFFFFFE40]  }
0x78: {  	v10 =	vmax.f32 v10, v17;
	v11 =	vmax.f32 v12, v11;
	v16 =	vld [tilespmem:s19+$0xFFFFFE50];
	v7 =	vmax.f32 v9, v7  }
0x79: {  	v10 =	vmax.f32 v15, v10;
	v9 =	vld [tilespmem:s19+$0xFFFFFE60];
	v7 =	vmax.f32 v11, v7  }
0x7a: {  	s17 =	sadd.s32 $0x40, s17;
	v11 =	vld [tilespmem:s19+$0xFFFFFE70];
	v10 =	vmax.f32 v10, v7  }
0x7b: {  	v7 =	vmax.f32 v8, v13;
	v12 =	vld [tilespmem:s19+$0xFFFFFF00];
	[tilespmem:s17+$0x10] =	vst v10  }
0x7c: {  	v10 =	vld [tilespmem:s19+$0xFFFFFF10]  }
0x7d: {  	v8 =	vmax.f32 v14, v16;
	v13 =	vld [tilespmem:s19+$0xFFFFFF20]  }
0x7e: {  	v14 =	vld [tilespmem:s19+$0xFFFFFF30]  }
0x7f: {  	v9 =	vmax.f32 v9, v11;
	v11 =	vld [tilespmem:s19+$0xFFFFFF40]  }
0x80: {  	v8 =	vmax.f32 v8, v9;
	v9 =	vld [tilespmem:s19+$0xFFFFFF50]  }
0x81: {  	v15 =	vld [tilespmem:s19+$0xFFFFFF60];
	v10 =	vmax.f32 v12, v10  }
0x82: {  	v12 =	vld [tilespmem:s19+$0xFFFFFF70]  }
0x83: {  	v13 =	vmax.f32 v13, v14;
	v14 =	vld [tilespmem:s19+$0x0]  }
0x84: {  	v13 =	vmax.f32 v10, v13;
	v16 =	vld [tilespmem:s19+$0x10]  }
0x85: {  	v10 =	vmax.f32 v11, v9;
	v17 =	vld [tilespmem:s19+$0x20]  }
0x86: {  	v18 =	vld [tilespmem:s19+$0x30]  }
.Ltmp8:
0x87: {  	v11 =	vmax.f32 v15, v12;
	v9 =	vld [tilespmem:s19+$0x40];
	(pc) =	sbr.rel @p2 .LBB2_11-.Ltmp8, $4  }
0x88: {  	v11 =	vmax.f32 v10, v11;
	v10 =	vld [tilespmem:s19+$0x50]  }
0x89: {  	v12 =	vmax.f32 v13, v11;
	v11 =	vld [tilespmem:s19+$0x60];
	v14 =	vmax.f32 v14, v16  }
0x8a: {  	[tilespmem:s17+$0xFFFFFFF0] =	vst v12;
	v12 =	vld [tilespmem:s19+$0x70]  }
0x8b: {  	v13 =	vld [tilespmem:s19+$0xFFFFFE00];
	v15 =	vmax.f32 v17, v18;
	s19 =	sadd.s32 $0x400, s19  }
0x8c: {  	_ =	sdelay $0x2  }
0x8d: {  	v9 =	vmax.f32 v9, v10;
	v10 =	vmax.f32 v11, v12  }
0x8e: {  	v11 =	vmax.f32 v14, v15;
	v6 =	vmax.f32 v13, v6;
	v9 =	vmax.f32 v9, v10  }
0x8f: {  	v6 =	vmax.f32 v6, v7;
	v7 =	vmax.f32 v11, v9  }
0x90: {  	v6 =	vmax.f32 v6, v8;
	[tilespmem:s17+$0x0] =	vst v7  }
0x91: {  	s19 =	simm.s32 $0x0;
	[tilespmem:s17+$0xFFFFFFE0] =	vst v6  }
0x92: {  	v6 =	vld [tilespmem:s19+$0x180F0]  }
0x93: {  	v7 =	vld [tilespmem:s19+$0x18000]  }
0x94: {  	v8 =	vld [tilespmem:s19+$0x18010]  }
0x95: {  	v9 =	vld [tilespmem:s19+$0x18020]  }
0x96: {  	v10 =	vld [tilespmem:s19+$0x18030]  }
0x97: {  	v11 =	vld [tilespmem:s19+$0x18040]  }
0x98: {  	v12 =	vld [tilespmem:s19+$0x18050]  }
0x99: {  	v13 =	vld [tilespmem:s19+$0x18060]  }
0x9a: {  	v22 =	vld [tilespmem:s19+$0x18070]  }
0x9b: {  	v25 =	vld [tilespmem:s19+$0x18080]  }
0x9c: {  	v26 =	vld [tilespmem:s19+$0x18090];
	_ =	sdelay $0x1  }
0x9d: {  	v23 =	vld [tilespmem:s19+$0x180A0];
	v6 =	vmax.f32 v5, v6;
	v20 =	vmax.f32 v5, v7;
	v19 =	vmax.f32 v5, v8  }
0x9e: {  	v21 =	vld [tilespmem:s19+$0x180B0];
	v18 =	vmax.f32 v5, v9;
	v17 =	vmax.f32 v5, v10;
	v16 =	vmax.f32 v5, v11  }
0x9f: {  	v24 =	vld [tilespmem:s19+$0x180C0];
	v15 =	vmax.f32 v5, v12;
	v14 =	vmax.f32 v5, v13;
	v13 =	vmax.f32 v5, v22  }
0xa0: {  	v12 =	vmax.f32 v5, v25;
	v22 =	vld [tilespmem:s19+$0x180D0];
	v11 =	vmax.f32 v5, v26;
	v9 =	vimm.f32 $-Inf  }
0xa1: {  	s18 =	simm.s32 $0x800;
	s17 =	simm.s32 $0x100;
	v25 =	vld [tilespmem:s19+$0x180E0];
	v10 =	vimm.f32 $-Inf;
	v8 =	vimm.f32 $-Inf;
	v7 =	vimm.f32 $-Inf  }
.LBB2_13:
0xa2: {  	p2 =	sne.s32 s18, $0x3C00;
	v26 =	vld [tilespmem:s17+$0x180F0];
	v5 =	vmax.f32 v5, v23  }
0xa3: {  	v23 =	vld [tilespmem:s17+$0x18000];
	v9 =	vmax.f32 v9, v21  }
0xa4: {  	v21 =	vld [tilespmem:s17+$0x18010];
	v10 =	vmax.f32 v10, v24  }
0xa5: {  	v24 =	vld [tilespmem:s17+$0x18020];
	v8 =	vmax.f32 v8, v22  }
0xa6: {  	v22 =	vld [tilespmem:s17+$0x18030];
	v7 =	vmax.f32 v7, v25  }
0xa7: {  	v25 =	vld [tilespmem:s17+$0x18040];
	v6 =	vmax.f32 v6, v26  }
0xa8: {  	v20 =	vmax.f32 v20, v23;
	v23 =	vld [tilespmem:s17+$0x18050]  }
0xa9: {  	v19 =	vmax.f32 v19, v21;
	v21 =	vld [tilespmem:s17+$0x18060]  }
0xaa: {  	v18 =	vmax.f32 v18, v24;
	v24 =	vld [tilespmem:s17+$0x18070]  }
0xab: {  	v17 =	vmax.f32 v17, v22;
	v22 =	vld [tilespmem:s17+$0x18080]  }
0xac: {  	v16 =	vmax.f32 v16, v25;
	v25 =	vld [tilespmem:s17+$0x18090]  }
.Ltmp9:
0xad: {  	v15 =	vmax.f32 v15, v23;
	v23 =	vld [tilespmem:s17+$0x180A0];
	(pc) =	sbr.rel @p2 .LBB2_13-.Ltmp9, $4  }
0xae: {  	v14 =	vmax.f32 v14, v21;
	v21 =	vld [tilespmem:s17+$0x180B0]  }
0xaf: {  	v13 =	vmax.f32 v13, v24;
	v24 =	vld [tilespmem:s17+$0x180C0]  }
0xb0: {  	v12 =	vmax.f32 v12, v22;
	v22 =	vld [tilespmem:s17+$0x180D0]  }
0xb1: {  	v11 =	vmax.f32 v11, v25;
	v25 =	vld [tilespmem:s17+$0x180E0];
	s17 =	sshra.s32 s18, $0x2;
	s18 =	sadd.s32 $0x400, s18  }
0xb2: {  	v26 =	vld [tilespmem:s17+$0x18000]  }
0xb3: {  	v27 =	vld [tilespmem:s17+$0x18010]  }
0xb4: {  	v28 =	vld [tilespmem:s17+$0x18020]  }
0xb5: {  	v29 =	vld [tilespmem:s17+$0x18030]  }
0xb6: {  	v30 =	vld [tilespmem:s17+$0x18040]  }
0xb7: {  	v33 =	vld [tilespmem:s17+$0x18050]  }
0xb8: {  	v34 =	vld [tilespmem:s17+$0x18060];
	v20 =	vmax.f32 v20, v26  }
0xb9: {  	v35 =	vld [tilespmem:s17+$0x18070];
	v19 =	vmax.f32 v19, v27;
	(xrf1) =	vsort.dscd.msk.f32 $0xffff, v20, v20  }
0xba: {  	v36 =	vld [tilespmem:s17+$0x18080];
	v18 =	vmax.f32 v18, v28;
	(xrf1) =	vsort.dscd.msk.f32 $0xffff, v19, v19  }
0xbb: {  	v37 =	vld [tilespmem:s17+$0x18090];
	v17 =	vmax.f32 v17, v29;
	(xrf1) =	vsort.dscd.msk.f32 $0xffff, v18, v18  }
0xbc: {  	v38 =	vld [tilespmem:s17+$0x180A0];
	v16 =	vmax.f32 v16, v30;
	(xrf1) =	vsort.dscd.msk.f32 $0xffff, v17, v17  }
0xbd: {  	v39 =	vld [tilespmem:s17+$0x180B0];
	v15 =	vmax.f32 v15, v33;
	(xrf1) =	vsort.dscd.msk.f32 $0xffff, v16, v16  }
0xbe: {  	v40 =	vld [tilespmem:s17+$0x180C0];
	v14 =	vmax.f32 v14, v34;
	(xrf1) =	vsort.dscd.msk.f32 $0xffff, v15, v15  }
0xbf: {  	v41 =	vld [tilespmem:s17+$0x180D0];
	v13 =	vmax.f32 v13, v35;
	(xrf1) =	vsort.dscd.msk.f32 $0xffff, v14, v14  }
0xc0: {  	v5 =	vmax.f32 v5, v23;
	v42 =	vld [tilespmem:s17+$0x180E0];
	v12 =	vmax.f32 v12, v36;
	(xrf1) =	vsort.dscd.msk.f32 $0xffff, v13, v13  }
0xc1: {  	v43 =	vld [tilespmem:s17+$0x180F0];
	v9 =	vmax.f32 v9, v21;
	v11 =	vmax.f32 v11, v37;
	(xrf1) =	vsort.dscd.msk.f32 $0xffff, v12, v12  }
0xc2: {  	v10 =	vmax.f32 v10, v24;
	v5 =	vmax.f32 v5, v38;
	(xrf1) =	vsort.dscd.msk.f32 $0xffff, v11, v11  }
0xc3: {  	v7 =	vmax.f32 v7, v25;
	v9 =	vmax.f32 v9, v39;
	(xrf1) =	vsort.dscd.msk.f32 $0xffff, v5, v5  }
0xc4: {  	v44 =	vmax.f32 v10, v40;
	v5 =	vmax.f32 v8, v22;
	(xrf1) =	vsort.dscd.msk.f32 $0xffff, v9, v9  }
0xc5: {  	v7 =	vmax.f32 v7, v42;
	v5 =	vmax.f32 v5, v41;
	(xrf1) =	vsort.dscd.msk.f32 $0xffff, v44, v44  }
0xc6: {  	(xrf1) =	vsort.dscd.msk.f32 $0xffff, v5, v5;
	v5 =	vmax.f32 v6, v43  }
0xc7: {  	v6, _, _ =	vpop (xrf1);
	(xrf1) =	vsort.dscd.msk.f32 $0xffff, v7, v7  }
0xc8: {  	v7, _, _ =	vpop (xrf1);
	(xrf1) =	vsort.dscd.msk.f32 $0xffff, v5, v5  }
0xc9: {  	v5, _, _ =	vpop (xrf1)  }
0xca: {  	v45, _, _ =	vpop (xrf1)  }
0xcb: {  	v46, _, _ =	vpop (xrf1)  }
0xcc: {  	v47, _, _ =	vpop (xrf1)  }
0xcd: {  	v48, _, _ =	vpop (xrf1)  }
0xce: {  	v49, _, _ =	vpop (xrf1)  }
0xcf: {  	v50, _, _ =	vpop (xrf1)  }
0xd0: {  	v7 =	vperm.xlane v7, v2;
	v51, _, _ =	vpop (xrf1)  }
0xd1: {  	v8 =	vperm.xlane v45, v2;
	v52, _, _ =	vpop (xrf1)  }
0xd2: {  	v6 =	vmax.f32 v6, v7;
	v7 =	vperm.xlane v47, v2;
	v53, _, _ =	vpop (xrf1)  }
0xd3: {  	(xrf1) =	vsort.dscd.msk.f32 $0xffff, v6, v6;
	v5 =	vmax.f32 v5, v8;
	v6 =	vperm.xlane v49, v2;
	v54, _, _ =	vpop (xrf1)  }
0xd4: {  	(xrf1) =	vsort.dscd.msk.f32 $0xffff, v5, v5;
	v5 =	vmax.f32 v46, v7;
	v7 =	vperm.xlane v51, v2;
	v55, _, _ =	vpop (xrf1)  }
0xd5: {  	v56, _, _ =	vpop (xrf1);
	(xrf1) =	vsort.dscd.msk.f32 $0xffff, v5, v5;
	v5 =	vmax.f32 v48, v6;
	v6 =	vperm.xlane v53, v2  }
0xd6: {  	v57, _, _ =	vpop (xrf1);
	(xrf1) =	vsort.dscd.msk.f32 $0xffff, v5, v5;
	v5 =	vmax.f32 v50, v7;
	v7 =	vperm.xlane v55, v2  }
0xd7: {  	(xrf1) =	vsort.dscd.msk.f32 $0xffff, v5, v5;
	v5 =	vmax.f32 v52, v6;
	v6 =	vperm.xlane v57, v2  }
0xd8: {  	(xrf1) =	vsort.dscd.msk.f32 $0xffff, v5, v5;
	v5 =	vmax.f32 v54, v7  }
0xd9: {  	(xrf1) =	vsort.dscd.msk.f32 $0xffff, v5, v5;
	v5 =	vmax.f32 v56, v6  }
0xda: {  	(xrf1) =	vsort.dscd.msk.f32 $0xffff, v5, v5;
	_ =	sdelay $0x6  }
0xdb: {  	v5, _, _ =	vpop (xrf1)  }
0xdc: {  	v6, _, _ =	vpop (xrf1)  }
0xdd: {  	v7, _, _ =	vpop (xrf1)  }
0xde: {  	v58, _, _ =	vpop (xrf1)  }
0xdf: {  	v59, _, _ =	vpop (xrf1)  }
0xe0: {  	v6 =	vperm.xlane v6, v2;
	v60, _, _ =	vpop (xrf1)  }
0xe1: {  	v8 =	vperm.xlane v58, v2;
	v61, _, _ =	vpop (xrf1)  }
0xe2: {  	v5 =	vmax.f32 v5, v6;
	v6 =	vperm.xlane v60, v2;
	v62, _, _ =	vpop (xrf1)  }
0xe3: {  	(xrf1) =	vsort.dscd.msk.f32 $0xffff, v5, v5;
	v5 =	vmax.f32 v7, v8;
	v7 =	vperm.xlane v62, v2  }
0xe4: {  	(xrf1) =	vsort.dscd.msk.f32 $0xffff, v5, v5;
	v5 =	vmax.f32 v59, v6  }
0xe5: {  	(xrf1) =	vsort.dscd.msk.f32 $0xffff, v5, v5;
	v5 =	vmax.f32 v61, v7  }
0xe6: {  	(xrf1) =	vsort.dscd.msk.f32 $0xffff, v5, v5;
	_ =	sdelay $0xa  }
0xe7: {  	v5, _, _ =	vpop (xrf1)  }
0xe8: {  	v6, _, _ =	vpop (xrf1)  }
0xe9: {  	v7, _, _ =	vpop (xrf1)  }
0xea: {  	v6 =	vperm.xlane v6, v2;
	v63, _, _ =	vpop (xrf1)  }
0xeb: {  	v8 =	vperm.xlane v63, v2  }
0xec: {  	v5 =	vmax.f32 v5, v6  }
0xed: {  	(xrf1) =	vsort.dscd.msk.f32 $0xffff, v5, v5;
	v5 =	vmax.f32 v7, v8  }
0xee: {  	(xrf1) =	vsort.dscd.msk.f32 $0xffff, v5, v5;
	_ =	sdelay $0xc  }
0xef: {  	v5, _, _ =	vpop (xrf1)  }
0xf0: {  	v6, _, _ =	vpop (xrf1)  }
0xf1: {  	v6 =	vperm.xlane v6, v2;
	_ =	sdelay $0x1  }
0xf2: {  	v5 =	vmax.f32 v5, v6  }
0xf3: {  	(xrf1) =	vsort.dscd.msk.f32 $0xffff, v5, v5;
	_ =	sdelay $0xa  }
.Ltmp10:
0xf4: {  	_ = 	snop;
	(pc) =	sbr.rel .LBB2_15-.Ltmp10, $3  }
0xf5: {  	_ =	sdelay $0x1  }
0xf6: {  	v5, _, _ =	vpop (xrf1)  }
0xf7: {  	s17 =	simm.s32 $0x0;
	s18 =	simm.s32 $0x18020;
	s19 =	simm.s32 $0x0;
	v5 =	vbroadcast v5, $0xF  }
.LBB2_24:
0xf8: {  	s17 =	sadd.s32 $0x200, s17  }
0xf9: {  	p2 =	sne.s32 s17, $0x8000  }
.Ltmp11:
0xfa: {  	_ = 	snop;
	(pc) =	sbr.rel @!p2 .LBB2_25-.Ltmp11, $2  }
0xfb: {  	_ =	sdelay $0x2  }
0xfc: {  	s16 =	sadd.s32 $0x400, s16;
	s18 =	sadd.s32 $0x40, s18  }
.LBB2_15:
0xfd: {  	v6 =	vld [tilespmem:s18+$0xFFFFFFE0]  }
0xfe: {  	v7 =	vld [tilespmem:s18+$0xFFFFFFF0]  }
0xff: {  	v8 =	vld [tilespmem:s18+$0x0]  }
0x100: {  	v9 =	vld [tilespmem:s18+$0x10];
	_ =	sdelay $0x2  }
0x101: {  	vm3 =	vge.f32 v6, v5;
	vm2 =	vge.f32 v7, v5  }
0x102: {  	vm1 =	vge.f32 v8, v5;
	vm4 =	vmor vm3, vm2  }
0x103: {  	vm0 =	vge.f32 v9, v5;
	vm4 =	vmor vm4, vm1  }
0x104: {  	vm4 =	vmor vm4, vm0  }
0x105: {  	v6 =	vmpcnt.ones.xlane vm4;
	_ =	sdelay $0x1  }
0x106: {  	(v2sf) =	vpush v6, $0x0;
	_ =	sdelay $0xe  }
0x107: {  	s20 =	spop (v2sf)  }
0x108: {  	p2 =	slt.s32 s20, $0x1  }
.Ltmp12:
0x109: {  	_ = 	snop;
	(pc) =	sbr.rel @p2 .LBB2_24-.Ltmp12, $1  }
0x10a: {  	_ =	sdelay $0x3  }
0x10b: {  	v6 =	vmpcnt.ones.xlane vm3;
	_ =	sdelay $0x1  }
0x10c: {  	(v2sf) =	vpush v6, $0x0;
	_ =	sdelay $0xe  }
0x10d: {  	s20 =	spop (v2sf)  }
0x10e: {  	p2 =	slt.s32 s20, $0x1  }
.Ltmp13:
0x10f: {  	_ = 	snop;
	(pc) =	sbr.rel @p2 .LBB2_18-.Ltmp13, $1  }
0x110: {  	_ =	sdelay $0x3  }
0x111: {  	v6 =	vld [tilespmem:s16+$0xFFFFFE00];
	_ =	sdelay $0x4  }
0x112: {  	vm3 =	vge.f32 v6, v5  }
0x113: {  	v7 =	vmpcnt.ones.xlane vm3;
	[tilespmem:s19+$0x19000] =	vst.msk vm3, v6;
	v6 =	vor.u32 s17, v0  }
0x114: {  	[tilespmem:s19+$0x19480] =	vst.msk vm3, v6  }
0x115: {  	(v2sf) =	vpush v7, $0x0;
	v6 =	vld [tilespmem:s16+$0xFFFFFE10];
	_ =	sdelay $0x4  }
0x116: {  	vm3 =	vge.f32 v6, v5  }
0x117: {  	v7 =	vmpcnt.ones.xlane vm3;
	_ =	sdelay $0x1  }
0x118: {  	(v2sf) =	vpush v7, $0x0;
	_ =	sdelay $0x6  }
0x119: {  	s20 =	spop (v2sf)  }
0x11a: {  	s19 =	sadd.s32 s19, s20  }
0x11b: {  	p2 =	slt.s32 s19, $0x400  }
0x11c: {  	s29 =	sadd.s32 $0x10, s17;
	s19 =	simm.s32 @!p2 $0x400  }
0x11d: {  	[tilespmem:s19+$0x19000] =	vst.msk vm3, v6;
	v6 =	vor.u32 s29, v0  }
0x11e: {  	[tilespmem:s19+$0x19480] =	vst.msk vm3, v6  }
0x11f: {  	v6 =	vld [tilespmem:s16+$0xFFFFFE20];
	_ =	sdelay $0x1  }
0x120: {  	s30 =	spop (v2sf)  }
0x121: {  	s19 =	sadd.s32 s19, s30  }
0x122: {  	p2 =	slt.s32 s19, $0x400  }
0x123: {  	s31 =	sadd.s32 $0x20, s17;
	s19 =	simm.s32 @!p2 $0x400;
	vm3 =	vge.f32 v6, v5  }
0x124: {  	v7 =	vmpcnt.ones.xlane vm3;
	[tilespmem:s19+$0x19000] =	vst.msk vm3, v6;
	v6 =	vor.u32 s31, v0  }
0x125: {  	[tilespmem:s19+$0x19480] =	vst.msk vm3, v6  }
0x126: {  	(v2sf) =	vpush v7, $0x0;
	v6 =	vld [tilespmem:s16+$0xFFFFFE30];
	_ =	sdelay $0x4  }
0x127: {  	vm3 =	vge.f32 v6, v5  }
0x128: {  	v7 =	vmpcnt.ones.xlane vm3;
	_ =	sdelay $0x1  }
0x129: {  	(v2sf) =	vpush v7, $0x0;
	_ =	sdelay $0x6  }
0x12a: {  	s21 =	spop (v2sf)  }
0x12b: {  	s19 =	sadd.s32 s19, s21  }
0x12c: {  	p2 =	slt.s32 s19, $0x400  }
0x12d: {  	s22 =	sadd.s32 $0x30, s17;
	s19 =	simm.s32 @!p2 $0x400  }
0x12e: {  	[tilespmem:s19+$0x19000] =	vst.msk vm3, v6;
	v6 =	vor.u32 s22, v0  }
0x12f: {  	[tilespmem:s19+$0x19480] =	vst.msk vm3, v6  }
0x130: {  	v6 =	vld [tilespmem:s16+$0xFFFFFE40];
	_ =	sdelay $0x1  }
0x131: {  	s23 =	spop (v2sf)  }
0x132: {  	s19 =	sadd.s32 s19, s23  }
0x133: {  	p2 =	slt.s32 s19, $0x400  }
0x134: {  	s24 =	sadd.s32 $0x40, s17;
	s19 =	simm.s32 @!p2 $0x400;
	vm3 =	vge.f32 v6, v5  }
0x135: {  	v7 =	vmpcnt.ones.xlane vm3;
	[tilespmem:s19+$0x19000] =	vst.msk vm3, v6;
	v6 =	vor.u32 s24, v0  }
0x136: {  	[tilespmem:s19+$0x19480] =	vst.msk vm3, v6  }
0x137: {  	(v2sf) =	vpush v7, $0x0;
	v6 =	vld [tilespmem:s16+$0xFFFFFE50];
	_ =	sdelay $0x4  }
0x138: {  	vm3 =	vge.f32 v6, v5  }
0x139: {  	v7 =	vmpcnt.ones.xlane vm3;
	_ =	sdelay $0x1  }
0x13a: {  	(v2sf) =	vpush v7, $0x0;
	_ =	sdelay $0x6  }
0x13b: {  	s25 =	spop (v2sf)  }
0x13c: {  	s19 =	sadd.s32 s19, s25  }
0x13d: {  	p2 =	slt.s32 s19, $0x400  }
0x13e: {  	s26 =	sadd.s32 $0x50, s17;
	s19 =	simm.s32 @!p2 $0x400  }
0x13f: {  	[tilespmem:s19+$0x19000] =	vst.msk vm3, v6;
	v6 =	vor.u32 s26, v0  }
0x140: {  	[tilespmem:s19+$0x19480] =	vst.msk vm3, v6  }
0x141: {  	v6 =	vld [tilespmem:s16+$0xFFFFFE60];
	_ =	sdelay $0x1  }
0x142: {  	s28 =	spop (v2sf)  }
0x143: {  	s19 =	sadd.s32 s19, s28  }
0x144: {  	p2 =	slt.s32 s19, $0x400  }
0x145: {  	s29 =	sadd.s32 $0x60, s17;
	s19 =	simm.s32 @!p2 $0x400;
	vm3 =	vge.f32 v6, v5  }
0x146: {  	[tilespmem:s19+$0x19000] =	vst.msk vm3, v6;
	v6 =	vor.u32 s29, v0  }
0x147: {  	[tilespmem:s19+$0x19480] =	vst.msk vm3, v6  }
0x148: {  	v6 =	vld [tilespmem:s16+$0xFFFFFE70];
	_ =	sdelay $0x2  }
0x149: {  	v7 =	vmpcnt.ones.xlane vm3;
	_ =	sdelay $0x1  }
0x14a: {  	(v2sf) =	vpush v7, $0x0;
	vm3 =	vge.f32 v6, v5  }
0x14b: {  	v7 =	vmpcnt.ones.xlane vm3;
	_ =	sdelay $0x1  }
0x14c: {  	(v2sf) =	vpush v7, $0x0;
	_ =	sdelay $0xb  }
0x14d: {  	s30 =	spop (v2sf)  }
0x14e: {  	s20 =	sadd.s32 s19, s30  }
0x14f: {  	p2 =	slt.s32 s20, $0x400  }
0x150: {  	s20 =	simm.s32 @!p2 $0x400;
	s31 =	spop (v2sf)  }
0x151: {  	s21 =	sadd.s32 $0x70, s17;
	s19 =	sadd.s32 s20, s31  }
0x152: {  	[tilespmem:s20+$0x19000] =	vst.msk vm3, v6;
	v6 =	vor.u32 s21, v0;
	p2 =	slt.s32 s19, $0x400  }
0x153: {  	[tilespmem:s20+$0x19480] =	vst.msk vm3, v6;
	s19 =	simm.s32 @!p2 $0x400  }
.LBB2_18:
0x154: {  	v6 =	vmpcnt.ones.xlane vm2;
	_ =	sdelay $0x1  }
0x155: {  	(v2sf) =	vpush v6, $0x0;
	_ =	sdelay $0xe  }
0x156: {  	s20 =	spop (v2sf)  }
0x157: {  	p2 =	slt.s32 s20, $0x1  }
.Ltmp14:
0x158: {  	_ = 	snop;
	(pc) =	sbr.rel @p2 .LBB2_20-.Ltmp14, $1  }
0x159: {  	_ =	sdelay $0x3  }
0x15a: {  	v6 =	vld [tilespmem:s16+$0xFFFFFF00];
	_ =	sdelay $0x4  }
0x15b: {  	s20 =	sadd.s32 $0x80, s17;
	vm2 =	vge.f32 v6, v5  }
0x15c: {  	v7 =	vmpcnt.ones.xlane vm2;
	[tilespmem:s19+$0x19000] =	vst.msk vm2, v6;
	v6 =	vor.u32 s20, v0  }
0x15d: {  	[tilespmem:s19+$0x19480] =	vst.msk vm2, v6  }
0x15e: {  	(v2sf) =	vpush v7, $0x0;
	v6 =	vld [tilespmem:s16+$0xFFFFFF10];
	_ =	sdelay $0x4  }
0x15f: {  	vm2 =	vge.f32 v6, v5  }
0x160: {  	v7 =	vmpcnt.ones.xlane vm2;
	_ =	sdelay $0x1  }
0x161: {  	(v2sf) =	vpush v7, $0x0;
	_ =	sdelay $0x6  }
0x162: {  	s28 =	spop (v2sf)  }
0x163: {  	s19 =	sadd.s32 s19, s28  }
0x164: {  	p2 =	slt.s32 s19, $0x400  }
0x165: {  	s29 =	sadd.s32 $0x90, s17;
	s19 =	simm.s32 @!p2 $0x400  }
0x166: {  	[tilespmem:s19+$0x19000] =	vst.msk vm2, v6;
	v6 =	vor.u32 s29, v0  }
0x167: {  	[tilespmem:s19+$0x19480] =	vst.msk vm2, v6  }
0x168: {  	v6 =	vld [tilespmem:s16+$0xFFFFFF20];
	_ =	sdelay $0x1  }
0x169: {  	s30 =	spop (v2sf)  }
0x16a: {  	s19 =	sadd.s32 s19, s30  }
0x16b: {  	p2 =	slt.s32 s19, $0x400  }
0x16c: {  	s31 =	sadd.s32 $0xA0, s17;
	s19 =	simm.s32 @!p2 $0x400;
	vm2 =	vge.f32 v6, v5  }
0x16d: {  	v7 =	vmpcnt.ones.xlane vm2;
	[tilespmem:s19+$0x19000] =	vst.msk vm2, v6;
	v6 =	vor.u32 s31, v0  }
0x16e: {  	[tilespmem:s19+$0x19480] =	vst.msk vm2, v6  }
0x16f: {  	(v2sf) =	vpush v7, $0x0;
	v6 =	vld [tilespmem:s16+$0xFFFFFF30];
	_ =	sdelay $0x4  }
0x170: {  	vm2 =	vge.f32 v6, v5  }
0x171: {  	v7 =	vmpcnt.ones.xlane vm2;
	_ =	sdelay $0x1  }
0x172: {  	(v2sf) =	vpush v7, $0x0;
	_ =	sdelay $0x6  }
0x173: {  	s21 =	spop (v2sf)  }
0x174: {  	s19 =	sadd.s32 s19, s21  }
0x175: {  	p2 =	slt.s32 s19, $0x400  }
0x176: {  	s22 =	sadd.s32 $0xB0, s17;
	s19 =	simm.s32 @!p2 $0x400  }
0x177: {  	[tilespmem:s19+$0x19000] =	vst.msk vm2, v6;
	v6 =	vor.u32 s22, v0  }
0x178: {  	[tilespmem:s19+$0x19480] =	vst.msk vm2, v6  }
0x179: {  	v6 =	vld [tilespmem:s16+$0xFFFFFF40];
	_ =	sdelay $0x1  }
0x17a: {  	s23 =	spop (v2sf)  }
0x17b: {  	s19 =	sadd.s32 s19, s23  }
0x17c: {  	p2 =	slt.s32 s19, $0x400  }
0x17d: {  	s24 =	sadd.s32 $0xC0, s17;
	s19 =	simm.s32 @!p2 $0x400;
	vm2 =	vge.f32 v6, v5  }
0x17e: {  	v7 =	vmpcnt.ones.xlane vm2;
	[tilespmem:s19+$0x19000] =	vst.msk vm2, v6;
	v6 =	vor.u32 s24, v0  }
0x17f: {  	[tilespmem:s19+$0x19480] =	vst.msk vm2, v6  }
0x180: {  	(v2sf) =	vpush v7, $0x0;
	v6 =	vld [tilespmem:s16+$0xFFFFFF50];
	_ =	sdelay $0x4  }
0x181: {  	vm2 =	vge.f32 v6, v5  }
0x182: {  	v7 =	vmpcnt.ones.xlane vm2;
	_ =	sdelay $0x1  }
0x183: {  	(v2sf) =	vpush v7, $0x0;
	_ =	sdelay $0x6  }
0x184: {  	s25 =	spop (v2sf)  }
0x185: {  	s19 =	sadd.s32 s19, s25  }
0x186: {  	p2 =	slt.s32 s19, $0x400  }
0x187: {  	s26 =	sadd.s32 $0xD0, s17;
	s19 =	simm.s32 @!p2 $0x400  }
0x188: {  	[tilespmem:s19+$0x19000] =	vst.msk vm2, v6;
	v6 =	vor.u32 s26, v0  }
0x189: {  	[tilespmem:s19+$0x19480] =	vst.msk vm2, v6  }
0x18a: {  	v6 =	vld [tilespmem:s16+$0xFFFFFF60];
	_ =	sdelay $0x1  }
0x18b: {  	s28 =	spop (v2sf)  }
0x18c: {  	s19 =	sadd.s32 s19, s28  }
0x18d: {  	p2 =	slt.s32 s19, $0x400  }
0x18e: {  	s29 =	sadd.s32 $0xE0, s17;
	s19 =	simm.s32 @!p2 $0x400;
	vm2 =	vge.f32 v6, v5  }
0x18f: {  	[tilespmem:s19+$0x19000] =	vst.msk vm2, v6;
	v6 =	vor.u32 s29, v0  }
0x190: {  	[tilespmem:s19+$0x19480] =	vst.msk vm2, v6  }
0x191: {  	v6 =	vld [tilespmem:s16+$0xFFFFFF70];
	_ =	sdelay $0x2  }
0x192: {  	v7 =	vmpcnt.ones.xlane vm2;
	_ =	sdelay $0x1  }
0x193: {  	(v2sf) =	vpush v7, $0x0;
	vm2 =	vge.f32 v6, v5  }
0x194: {  	v7 =	vmpcnt.ones.xlane vm2;
	_ =	sdelay $0x1  }
0x195: {  	(v2sf) =	vpush v7, $0x0;
	_ =	sdelay $0xb  }
0x196: {  	s30 =	spop (v2sf)  }
0x197: {  	s20 =	sadd.s32 s19, s30  }
0x198: {  	p2 =	slt.s32 s20, $0x400  }
0x199: {  	s20 =	simm.s32 @!p2 $0x400;
	s31 =	spop (v2sf)  }
0x19a: {  	s21 =	sadd.s32 $0xF0, s17;
	s19 =	sadd.s32 s20, s31  }
0x19b: {  	[tilespmem:s20+$0x19000] =	vst.msk vm2, v6;
	v6 =	vor.u32 s21, v0;
	p2 =	slt.s32 s19, $0x400  }
0x19c: {  	[tilespmem:s20+$0x19480] =	vst.msk vm2, v6;
	s19 =	simm.s32 @!p2 $0x400  }
.LBB2_20:
0x19d: {  	v6 =	vmpcnt.ones.xlane vm1;
	_ =	sdelay $0x1  }
0x19e: {  	(v2sf) =	vpush v6, $0x0;
	_ =	sdelay $0xe  }
0x19f: {  	s20 =	spop (v2sf)  }
0x1a0: {  	p2 =	slt.s32 s20, $0x1  }
.Ltmp15:
0x1a1: {  	_ = 	snop;
	(pc) =	sbr.rel @p2 .LBB2_22-.Ltmp15, $1  }
0x1a2: {  	_ =	sdelay $0x3  }
0x1a3: {  	v6 =	vld [tilespmem:s16+$0x0];
	_ =	sdelay $0x4  }
0x1a4: {  	s20 =	sadd.s32 $0x100, s17;
	vm1 =	vge.f32 v6, v5  }
0x1a5: {  	v7 =	vmpcnt.ones.xlane vm1;
	[tilespmem:s19+$0x19000] =	vst.msk vm1, v6;
	v6 =	vor.u32 s20, v0  }
0x1a6: {  	[tilespmem:s19+$0x19480] =	vst.msk vm1, v6  }
0x1a7: {  	(v2sf) =	vpush v7, $0x0;
	v6 =	vld [tilespmem:s16+$0x10];
	_ =	sdelay $0x4  }
0x1a8: {  	vm1 =	vge.f32 v6, v5  }
0x1a9: {  	v7 =	vmpcnt.ones.xlane vm1;
	_ =	sdelay $0x1  }
0x1aa: {  	(v2sf) =	vpush v7, $0x0;
	_ =	sdelay $0x6  }
0x1ab: {  	s28 =	spop (v2sf)  }
0x1ac: {  	s19 =	sadd.s32 s19, s28  }
0x1ad: {  	p2 =	slt.s32 s19, $0x400  }
0x1ae: {  	s29 =	sadd.s32 $0x110, s17;
	s19 =	simm.s32 @!p2 $0x400  }
0x1af: {  	[tilespmem:s19+$0x19000] =	vst.msk vm1, v6;
	v6 =	vor.u32 s29, v0  }
0x1b0: {  	[tilespmem:s19+$0x19480] =	vst.msk vm1, v6  }
0x1b1: {  	v6 =	vld [tilespmem:s16+$0x20];
	_ =	sdelay $0x1  }
0x1b2: {  	s30 =	spop (v2sf)  }
0x1b3: {  	s19 =	sadd.s32 s19, s30  }
0x1b4: {  	p2 =	slt.s32 s19, $0x400  }
0x1b5: {  	s31 =	sadd.s32 $0x120, s17;
	s19 =	simm.s32 @!p2 $0x400;
	vm1 =	vge.f32 v6, v5  }
0x1b6: {  	v7 =	vmpcnt.ones.xlane vm1;
	[tilespmem:s19+$0x19000] =	vst.msk vm1, v6;
	v6 =	vor.u32 s31, v0  }
0x1b7: {  	[tilespmem:s19+$0x19480] =	vst.msk vm1, v6  }
0x1b8: {  	(v2sf) =	vpush v7, $0x0;
	v6 =	vld [tilespmem:s16+$0x30];
	_ =	sdelay $0x4  }
0x1b9: {  	vm1 =	vge.f32 v6, v5  }
0x1ba: {  	v7 =	vmpcnt.ones.xlane vm1;
	_ =	sdelay $0x1  }
0x1bb: {  	(v2sf) =	vpush v7, $0x0;
	_ =	sdelay $0x6  }
0x1bc: {  	s21 =	spop (v2sf)  }
0x1bd: {  	s19 =	sadd.s32 s19, s21  }
0x1be: {  	p2 =	slt.s32 s19, $0x400  }
0x1bf: {  	s22 =	sadd.s32 $0x130, s17;
	s19 =	simm.s32 @!p2 $0x400  }
0x1c0: {  	[tilespmem:s19+$0x19000] =	vst.msk vm1, v6;
	v6 =	vor.u32 s22, v0  }
0x1c1: {  	[tilespmem:s19+$0x19480] =	vst.msk vm1, v6  }
0x1c2: {  	v6 =	vld [tilespmem:s16+$0x40];
	_ =	sdelay $0x1  }
0x1c3: {  	s23 =	spop (v2sf)  }
0x1c4: {  	s19 =	sadd.s32 s19, s23  }
0x1c5: {  	p2 =	slt.s32 s19, $0x400  }
0x1c6: {  	s24 =	sadd.s32 $0x140, s17;
	s19 =	simm.s32 @!p2 $0x400;
	vm1 =	vge.f32 v6, v5  }
0x1c7: {  	v7 =	vmpcnt.ones.xlane vm1;
	[tilespmem:s19+$0x19000] =	vst.msk vm1, v6;
	v6 =	vor.u32 s24, v0  }
0x1c8: {  	[tilespmem:s19+$0x19480] =	vst.msk vm1, v6  }
0x1c9: {  	(v2sf) =	vpush v7, $0x0;
	v6 =	vld [tilespmem:s16+$0x50];
	_ =	sdelay $0x4  }
0x1ca: {  	vm1 =	vge.f32 v6, v5  }
0x1cb: {  	v7 =	vmpcnt.ones.xlane vm1;
	_ =	sdelay $0x1  }
0x1cc: {  	(v2sf) =	vpush v7, $0x0;
	_ =	sdelay $0x6  }
0x1cd: {  	s25 =	spop (v2sf)  }
0x1ce: {  	s19 =	sadd.s32 s19, s25  }
0x1cf: {  	p2 =	slt.s32 s19, $0x400  }
0x1d0: {  	s26 =	sadd.s32 $0x150, s17;
	s19 =	simm.s32 @!p2 $0x400  }
0x1d1: {  	[tilespmem:s19+$0x19000] =	vst.msk vm1, v6;
	v6 =	vor.u32 s26, v0  }
0x1d2: {  	[tilespmem:s19+$0x19480] =	vst.msk vm1, v6  }
0x1d3: {  	v6 =	vld [tilespmem:s16+$0x60];
	_ =	sdelay $0x1  }
0x1d4: {  	s28 =	spop (v2sf)  }
0x1d5: {  	s19 =	sadd.s32 s19, s28  }
0x1d6: {  	p2 =	slt.s32 s19, $0x400  }
0x1d7: {  	s29 =	sadd.s32 $0x160, s17;
	s19 =	simm.s32 @!p2 $0x400;
	vm1 =	vge.f32 v6, v5  }
0x1d8: {  	[tilespmem:s19+$0x19000] =	vst.msk vm1, v6;
	v6 =	vor.u32 s29, v0  }
0x1d9: {  	[tilespmem:s19+$0x19480] =	vst.msk vm1, v6  }
0x1da: {  	v6 =	vld [tilespmem:s16+$0x70];
	_ =	sdelay $0x2  }
0x1db: {  	v7 =	vmpcnt.ones.xlane vm1;
	_ =	sdelay $0x1  }
0x1dc: {  	(v2sf) =	vpush v7, $0x0;
	vm1 =	vge.f32 v6, v5  }
0x1dd: {  	v7 =	vmpcnt.ones.xlane vm1;
	_ =	sdelay $0x1  }
0x1de: {  	(v2sf) =	vpush v7, $0x0;
	_ =	sdelay $0xb  }
0x1df: {  	s30 =	spop (v2sf)  }
0x1e0: {  	s20 =	sadd.s32 s19, s30  }
0x1e1: {  	p2 =	slt.s32 s20, $0x400  }
0x1e2: {  	s20 =	simm.s32 @!p2 $0x400;
	s31 =	spop (v2sf)  }
0x1e3: {  	s21 =	sadd.s32 $0x170, s17;
	s19 =	sadd.s32 s20, s31  }
0x1e4: {  	[tilespmem:s20+$0x19000] =	vst.msk vm1, v6;
	v6 =	vor.u32 s21, v0;
	p2 =	slt.s32 s19, $0x400  }
0x1e5: {  	[tilespmem:s20+$0x19480] =	vst.msk vm1, v6;
	s19 =	simm.s32 @!p2 $0x400  }
.LBB2_22:
0x1e6: {  	v6 =	vmpcnt.ones.xlane vm0;
	_ =	sdelay $0x1  }
0x1e7: {  	(v2sf) =	vpush v6, $0x0;
	_ =	sdelay $0xe  }
0x1e8: {  	s20 =	spop (v2sf)  }
0x1e9: {  	p2 =	slt.s32 s20, $0x1  }
.Ltmp16:
0x1ea: {  	_ = 	snop;
	(pc) =	sbr.rel @p2 .LBB2_24-.Ltmp16, $1  }
0x1eb: {  	_ =	sdelay $0x3  }
0x1ec: {  	v6 =	vld [tilespmem:s16+$0x100];
	_ =	sdelay $0x4  }
0x1ed: {  	s20 =	sadd.s32 $0x180, s17;
	vm0 =	vge.f32 v6, v5  }
0x1ee: {  	v7 =	vmpcnt.ones.xlane vm0;
	[tilespmem:s19+$0x19000] =	vst.msk vm0, v6;
	v6 =	vor.u32 s20, v0  }
0x1ef: {  	[tilespmem:s19+$0x19480] =	vst.msk vm0, v6  }
0x1f0: {  	(v2sf) =	vpush v7, $0x0;
	v6 =	vld [tilespmem:s16+$0x110];
	_ =	sdelay $0x4  }
0x1f1: {  	vm9 =	vge.f32 v6, v5  }
0x1f2: {  	v7 =	vmpcnt.ones.xlane vm9;
	_ =	sdelay $0x1  }
0x1f3: {  	(v2sf) =	vpush v7, $0x0;
	_ =	sdelay $0x6  }
0x1f4: {  	s28 =	spop (v2sf)  }
0x1f5: {  	s19 =	sadd.s32 s19, s28  }
0x1f6: {  	p2 =	slt.s32 s19, $0x400  }
0x1f7: {  	s29 =	sadd.s32 $0x190, s17;
	s19 =	simm.s32 @!p2 $0x400  }
0x1f8: {  	[tilespmem:s19+$0x19000] =	vst.msk vm9, v6;
	v6 =	vor.u32 s29, v0  }
0x1f9: {  	[tilespmem:s19+$0x19480] =	vst.msk vm9, v6  }
0x1fa: {  	v6 =	vld [tilespmem:s16+$0x120];
	_ =	sdelay $0x1  }
0x1fb: {  	s30 =	spop (v2sf)  }
0x1fc: {  	s19 =	sadd.s32 s19, s30  }
0x1fd: {  	p2 =	slt.s32 s19, $0x400  }
0x1fe: {  	s31 =	sadd.s32 $0x1A0, s17;
	s19 =	simm.s32 @!p2 $0x400;
	vm10 =	vge.f32 v6, v5  }
0x1ff: {  	v7 =	vmpcnt.ones.xlane vm10;
	[tilespmem:s19+$0x19000] =	vst.msk vm10, v6;
	v6 =	vor.u32 s31, v0  }
0x200: {  	[tilespmem:s19+$0x19480] =	vst.msk vm10, v6  }
0x201: {  	(v2sf) =	vpush v7, $0x0;
	v6 =	vld [tilespmem:s16+$0x130];
	_ =	sdelay $0x4  }
0x202: {  	vm11 =	vge.f32 v6, v5  }
0x203: {  	v7 =	vmpcnt.ones.xlane vm11;
	_ =	sdelay $0x1  }
0x204: {  	(v2sf) =	vpush v7, $0x0;
	_ =	sdelay $0x6  }
0x205: {  	s21 =	spop (v2sf)  }
0x206: {  	s19 =	sadd.s32 s19, s21  }
0x207: {  	p2 =	slt.s32 s19, $0x400  }
0x208: {  	s22 =	sadd.s32 $0x1B0, s17;
	s19 =	simm.s32 @!p2 $0x400  }
0x209: {  	[tilespmem:s19+$0x19000] =	vst.msk vm11, v6;
	v6 =	vor.u32 s22, v0  }
0x20a: {  	[tilespmem:s19+$0x19480] =	vst.msk vm11, v6  }
0x20b: {  	v6 =	vld [tilespmem:s16+$0x140];
	_ =	sdelay $0x1  }
0x20c: {  	s23 =	spop (v2sf)  }
0x20d: {  	s19 =	sadd.s32 s19, s23  }
0x20e: {  	p2 =	slt.s32 s19, $0x400  }
0x20f: {  	s24 =	sadd.s32 $0x1C0, s17;
	s19 =	simm.s32 @!p2 $0x400;
	vm12 =	vge.f32 v6, v5  }
0x210: {  	v7 =	vmpcnt.ones.xlane vm12;
	[tilespmem:s19+$0x19000] =	vst.msk vm12, v6;
	v6 =	vor.u32 s24, v0  }
0x211: {  	[tilespmem:s19+$0x19480] =	vst.msk vm12, v6  }
0x212: {  	(v2sf) =	vpush v7, $0x0;
	v6 =	vld [tilespmem:s16+$0x150];
	_ =	sdelay $0x4  }
0x213: {  	vm13 =	vge.f32 v6, v5  }
0x214: {  	v7 =	vmpcnt.ones.xlane vm13;
	_ =	sdelay $0x1  }
0x215: {  	(v2sf) =	vpush v7, $0x0;
	_ =	sdelay $0x6  }
0x216: {  	s25 =	spop (v2sf)  }
0x217: {  	s19 =	sadd.s32 s19, s25  }
0x218: {  	p2 =	slt.s32 s19, $0x400  }
0x219: {  	s26 =	sadd.s32 $0x1D0, s17;
	s19 =	simm.s32 @!p2 $0x400  }
0x21a: {  	[tilespmem:s19+$0x19000] =	vst.msk vm13, v6;
	v6 =	vor.u32 s26, v0  }
0x21b: {  	[tilespmem:s19+$0x19480] =	vst.msk vm13, v6  }
0x21c: {  	v6 =	vld [tilespmem:s16+$0x160];
	_ =	sdelay $0x1  }
0x21d: {  	s28 =	spop (v2sf)  }
0x21e: {  	s19 =	sadd.s32 s19, s28  }
0x21f: {  	p2 =	slt.s32 s19, $0x400  }
0x220: {  	s29 =	sadd.s32 $0x1E0, s17;
	s19 =	simm.s32 @!p2 $0x400;
	vm14 =	vge.f32 v6, v5  }
0x221: {  	[tilespmem:s19+$0x19000] =	vst.msk vm14, v6;
	v6 =	vor.u32 s29, v0  }
0x222: {  	[tilespmem:s19+$0x19480] =	vst.msk vm14, v6  }
0x223: {  	v6 =	vld [tilespmem:s16+$0x170];
	_ =	sdelay $0x2  }
0x224: {  	v7 =	vmpcnt.ones.xlane vm14;
	_ =	sdelay $0x1  }
0x225: {  	(v2sf) =	vpush v7, $0x0;
	vm15 =	vge.f32 v6, v5  }
0x226: {  	v7 =	vmpcnt.ones.xlane vm15;
	_ =	sdelay $0x1  }
0x227: {  	(v2sf) =	vpush v7, $0x0;
	_ =	sdelay $0xb  }
0x228: {  	s30 =	spop (v2sf)  }
0x229: {  	s20 =	sadd.s32 s19, s30  }
.Ltmp17:
0x22a: {  	p2 =	slt.s32 s20, $0x400;
	(pc) =	sbr.rel .LBB2_24-.Ltmp17, $4  }
0x22b: {  	s20 =	simm.s32 @!p2 $0x400;
	s31 =	spop (v2sf)  }
0x22c: {  	s21 =	sadd.s32 $0x1F0, s17;
	s19 =	sadd.s32 s20, s31  }
0x22d: {  	[tilespmem:s20+$0x19000] =	vst.msk vm15, v6;
	v6 =	vor.u32 s21, v0;
	p2 =	slt.s32 s19, $0x400  }
0x22e: {  	[tilespmem:s20+$0x19480] =	vst.msk vm15, v6;
	s19 =	simm.s32 @!p2 $0x400  }
.LBB2_25:
0x22f: {  	s16 =	sadd.s32 $0xF, s19  }
0x230: {  	s17 =	sand.u32 $0xF, s16  }
0x231: {  	p3 =	slt.s32 s19, $0xFFFFFFF2;
	s31 =	sshra.s32 s16, $0x1F;
	p2 =	sne.s32 s17, $0x0  }
0x232: {  	s17 =	sshrl.u32 s31, $0x1C;
	p2 =	por !p3, !p2  }
0x233: {  	s16 =	sadd.s32 s17, s16;
	s17 =	simm.s32 $0x1;
	p2 =	por !p2, !p2  }
0x234: {  	s16 =	sshra.s32 s16, $0x4;
	s17 =	simm.s32 @!p2 $0x0  }
0x235: {  	s17 =	ssub.s32 s16, s17  }
0x236: {  	p2 =	sgt.s32 s17, $0x0  }
.Ltmp18:
0x237: {  	_ = 	snop;
	(pc) =	sbr.rel @!p2 .LBB2_43-.Ltmp18, $3  }
0x238: {  	_ =	sdelay $0x1  }
0x239: {  	v5 =	vimm.f32 $-Inf  }
0x23a: {  	[tilespmem:s19+$0x19000] =	vst v5;
	s16 =	simm.s32 $0x19000  }
0x23b: {  	p4 =	seq.s32 s17, $0x1  }
.Ltmp19:
0x23c: {  	_ = 	snop;
	(pc) =	sbr.rel @p4 .LBB2_27-.Ltmp19, $2  }
0x23d: {  	_ =	sdelay $0x2  }
0x23e: {  	v6 =	vld [tilespmem:s16+$0x0];
	s18 =	sadd.s32 $0xFFFFFFFF, s17;
	p2 =	por $0x0, $0x0;
	p3 =	por $0x0, $0x0  }
0x23f: {  	p4 =	seq.s32 s18, $0x1  }
.Ltmp20:
0x240: {  	_ = 	snop;
	(pc) =	sbr.rel @p4 .LBB2_29-.Ltmp20, $3  }
0x241: {  	_ =	sdelay $0x1  }
0x242: {  	s16 =	sadd.s32 $0x10, s16  }
0x243: {  	s18 =	sadd.s32 $0xFFFFFFFF, s18;
	p2 =	por $0x1, $0x1;
	(xrf1) =	vsort.dscd.msk.f32 $0xffff, v6, v6;
	v6 =	vld [tilespmem:s16+$0x0]  }
0x244: {  	_ =	sdelay $0xc  }
0x245: {  	v7, _, _ =	vpop (xrf1)  }
0x246: {  	v7 =	vperm.xlane v7, v2  }
0x247: {  	(xrf1) =	vsort.dscd.msk.f32 $0xffff, v6, v6  }
0x248: {  	v6 =	vmax.f32 v5, v7  }
0x249: {  	(xrf1) =	vsort.dscd.msk.f32 $0xffff, v6, v6;
	_ =	sdelay $0x3  }
0x24a: {  	p4 =	seq.s32 s18, $0x1  }
.Ltmp21:
0x24b: {  	_ = 	snop;
	(pc) =	sbr.rel @p4 .LBB2_32-.Ltmp21, $3  }
0x24c: {  	_ =	sdelay $0x1  }
0x24d: {  	s16 =	sadd.s32 $0x10, s16  }
0x24e: {  	s18 =	sadd.s32 $0xFFFFFFFF, s18;
	p3 =	por $0x1, $0x1;
	v6 =	vld [tilespmem:s16+$0x0]  }
.LBB2_31:
0x24f: {  	p4 =	seq.s32 s18, $0x1;
	_ =	sdelay $0x1  }
0x250: {  	v7, _, _ =	vpop (xrf1)  }
0x251: {  	v7 =	vperm.xlane v7, v2  }
0x252: {  	(xrf1) =	vsort.dscd.msk.f32 $0xffff, v6, v6;
	v6, _, _ =	vpop (xrf1)  }
0x253: {  	v6 =	vmax.f32 v6, v7  }
0x254: {  	(xrf1) =	vsort.dscd.msk.f32 $0xffff, v6, v6;
	_ =	sdelay $0x4  }
.Ltmp22:
0x255: {  	(pc) =	sbr.rel @!p4 .LBB2_31-.Ltmp22, $3  }
0x256: {  	_ =	sdelay $0x1  }
0x257: {  	s16 =	sadd.s32 $0x10, s16  }
0x258: {  	s18 =	sadd.s32 $0xFFFFFFFF, s18;
	v6 =	vld [tilespmem:s16+$0x0]  }
.LBB2_32:
0x259: {  	_ =	sdelay $0x2  }
0x25a: {  	v7, _, _ =	vpop @p2 (xrf1)  }
0x25b: {  	v7 =	vperm.xlane @p2 v7, v2;
	v8, _, _ =	vpop @p3 (xrf1)  }
0x25c: {  	v8 =	vpsel p3, v8, v5  }
0x25d: {  	(xrf1) =	vsort.dscd.msk.f32 $0xffff, v6, v6;
	v6 =	vmax.f32 @p2 v8, v7  }
0x25e: {  	(xrf1) =	vsort.dscd.msk.f32 @p2 $0xffff, v6, v6;
	_ =	sdelay $0xc  }
0x25f: {  	v6, _, _ =	vpop (xrf1)  }
0x260: {  	v6 =	vperm.xlane v6, v2;
	v7, _, _ =	vpop @p2 (xrf1)  }
0x261: {  	v5 =	vpsel p2, v7, v5  }
0x262: {  	v5 =	vmax.f32 v5, v6  }
0x263: {  	(xrf1) =	vsort.dscd.msk.f32 $0xffff, v5, v5;
	_ =	sdelay $0xa  }
0x264: {  	p3 =	sne.s32 s17, $0x1  }
.Ltmp23:
0x265: {  	_ = 	snop;
	(pc) =	sbr.rel @!p3 .LBB2_33-.Ltmp23, $4  }
0x266: {  	_ = 	snop  }
0x267: {  	v5, _, _ =	vpop (xrf1)  }
0x268: {  	s19 =	simm.s32 $0x0;
	s18 =	simm.s32 $0x19000;
	v5 =	vbroadcast v5, $0xF  }
0x269: {  	s16 =	simm.s32 $0x19480;
	s17 =	sadd.s32 $0xFFFFFFFF, s17;
	p2 =	por $0x0, $0x0;
	v6 =	vld [tilespmem:s18+$0x0]  }
0x26a: {  	_ =	sdelay $0x3  }
0x26b: {  	vm0 =	vgt.f32 v6, v5  }
0x26c: {  	v6 =	vmpcnt.ones.xlane vm0;
	_ =	sdelay $0x1  }
0x26d: {  	(v2sf) =	vpush v6, $0x0;
	_ =	sdelay $0x1  }
0x26e: {  	v7 =	vld [tilespmem:s16+$0x0]  }
0x26f: {  	p5 =	sne.s32 s17, $0x1  }
.Ltmp24:
0x270: {  	_ = 	snop;
	(pc) =	sbr.rel @!p5 .LBB2_35-.Ltmp24, $3  }
0x271: {  	_ =	sdelay $0x1  }
0x272: {  	s22 =	simm.s32 $0x19010;
	s23 =	sadd.s32 $0xFFFFFFFF, s17;
	[tilespmem:s19+$0x19900] =	vst.msk vm0, v7  }
0x273: {  	p4 =	por $0x1, $0x1;
	s21 =	simm.s32 $0x19480;
	s20 =	simm.s32 $0x0;
	v6 =	vld [tilespmem:s22+$0x0]  }
.LBB2_36:
0x274: {  	p5 =	sne.s32 s23, $0x1;
	_ =	sdelay $0x1  }
0x275: {  	s21 =	sadd.s32 $0x10, s21  }
0x276: {  	v7 =	vld [tilespmem:s21+$0x0]  }
0x277: {  	vm0 =	vgt.f32 v6, v5  }
0x278: {  	v6 =	vmpcnt.ones.xlane vm0  }
0x279: {  	s24 =	spop (v2sf)  }
0x27a: {  	(v2sf) =	vpush v6, $0x0;
	s20 =	sadd.s32 s20, s24  }
0x27b: {  	[tilespmem:s20+$0x19900] =	vst.msk vm0, v7;
	_ =	sdelay $0x2  }
.Ltmp25:
0x27c: {  	(pc) =	sbr.rel @p5 .LBB2_36-.Ltmp25, $3  }
0x27d: {  	_ =	sdelay $0x1  }
0x27e: {  	s22 =	sadd.s32 $0x10, s22  }
0x27f: {  	s23 =	sadd.s32 $0xFFFFFFFF, s23;
	v6 =	vld [tilespmem:s22+$0x0]  }
.LBB2_37:
0x280: {  	_ =	sdelay $0x3  }
0x281: {  	vm0 =	vgt.f32 v6, v5  }
0x282: {  	v6 =	vmpcnt.ones.xlane vm0;
	_ =	sdelay $0x1  }
0x283: {  	(v2sf) =	vpush v6, $0x0;
	_ =	sdelay $0x3  }
0x284: {  	s21 =	sadd.s32 @p4 $0x10, s21;
	s22 =	simm.s32 $0x19480  }
0x285: {  	s22 =	smov.u32 @p4 s21  }
0x286: {  	v6 =	vld [tilespmem:s22+$0x0];
	_ =	sdelay $0x1  }
0x287: {  	s21 =	spop @p4 (v2sf)  }
0x288: {  	s20 =	sadd.s32 @p4 s20, s21  }
0x289: {  	s19 =	smov.u32 @p4 s20  }
0x28a: {  	[tilespmem:s19+$0x19900] =	vst.msk vm0, v6  }
.Ltmp26:
0x28b: {  	v6 =	vld [tilespmem:s18+$0x0];
	(pc) =	sbr.rel @!p3 .LBB2_38-.Ltmp26, $3  }
0x28c: {  	_ =	sdelay $0x1  }
0x28d: {  	s31 =	spop (v2sf)  }
0x28e: {  	s19 =	sadd.s32 s19, s31  }
0x28f: {  	vm0 =	veq.f32 v6, v5  }
0x290: {  	v7 =	vld [tilespmem:s16+$0x0];
	v6 =	vmpcnt.ones.xlane vm0;
	_ =	sdelay $0x1  }
0x291: {  	(v2sf) =	vpush v6, $0x0;
	_ =	sdelay $0x2  }
0x292: {  	p3 =	sne.s32 s17, $0x1;
	s20 =	simm.s32 $0x19010;
	[tilespmem:s19+$0x19900] =	vst.msk vm0, v7  }
.Ltmp27:
0x293: {  	v6 =	vld [tilespmem:s20+$0x0];
	(pc) =	sbr.rel @!p3 .LBB2_40-.Ltmp27, $3  }
0x294: {  	_ =	sdelay $0x1  }
0x295: {  	s21 =	sadd.s32 $0xFFFFFFFF, s17  }
0x296: {  	p2 =	por $0x1, $0x1;
	s17 =	simm.s32 $0x19480;
	s18 =	smov.u32 s19  }
.LBB2_41:
0x297: {  	p3 =	sne.s32 s21, $0x1;
	_ =	sdelay $0x1  }
0x298: {  	s17 =	sadd.s32 $0x10, s17  }
0x299: {  	v7 =	vld [tilespmem:s17+$0x0]  }
0x29a: {  	vm0 =	veq.f32 v6, v5  }
0x29b: {  	v6 =	vmpcnt.ones.xlane vm0  }
0x29c: {  	s22 =	spop (v2sf)  }
0x29d: {  	(v2sf) =	vpush v6, $0x0;
	s18 =	sadd.s32 s18, s22  }
0x29e: {  	[tilespmem:s18+$0x19900] =	vst.msk vm0, v7;
	_ =	sdelay $0x2  }
.Ltmp28:
0x29f: {  	(pc) =	sbr.rel @p3 .LBB2_41-.Ltmp28, $3  }
0x2a0: {  	_ =	sdelay $0x1  }
0x2a1: {  	s20 =	sadd.s32 $0x10, s20  }
0x2a2: {  	s21 =	sadd.s32 $0xFFFFFFFF, s21;
	v6 =	vld [tilespmem:s20+$0x0]  }
.Ltmp29:
0x2a3: {  	_ = 	snop;
	(pc) =	sbr.rel .LBB2_42-.Ltmp29, $1  }
0x2a4: {  	_ =	sdelay $0x3  }
.LBB2_27:
.Ltmp30:
0x2a5: {  	(pc) =	sbr.rel .LBB2_32-.Ltmp30, $2  }
0x2a6: {  	_ =	sdelay $0x2  }
0x2a7: {  	_ = 	snop  }
.LBB2_33:
.Ltmp31:
0x2a8: {  	(pc) =	sbr.rel .LBB2_37-.Ltmp31, $2  }
0x2a9: {  	_ =	sdelay $0x2  }
0x2aa: {  	s21 =	simm.s32 $0x19480;
	s20 =	simm.s32 $0x0;
	p4 =	por $0x0, $0x0  }
.LBB2_29:
.Ltmp32:
0x2ab: {  	(pc) =	sbr.rel .LBB2_32-.Ltmp32, $2  }
0x2ac: {  	_ =	sdelay $0x2  }
0x2ad: {  	_ = 	snop  }
.LBB2_35:
.Ltmp33:
0x2ae: {  	(pc) =	sbr.rel .LBB2_37-.Ltmp33, $2  }
0x2af: {  	_ =	sdelay $0x2  }
0x2b0: {  	s21 =	simm.s32 $0x19480;
	s20 =	simm.s32 $0x0  }
.LBB2_40:
.Ltmp34:
0x2b1: {  	(pc) =	sbr.rel .LBB2_42-.Ltmp34, $2  }
0x2b2: {  	_ =	sdelay $0x2  }
0x2b3: {  	s17 =	simm.s32 $0x19480;
	s18 =	smov.u32 s19  }
.LBB2_45:
0x2b4: {  	_ =	sfence.sel $0x180000  }
0x2b5: {  	[bflag:$0x0] =	sbarrier.arrive $0xFFFF  }
0x2b6: {  	p0 =	sne.s32 s2, $0x0;
	_ =	strace $0x90000047  }
0x2b7: {  	s0 =	sadd.s32 @!p0 $0x100000, s0;
	[bflag:$0x2] =	sbarrier.arrive $0xFFFF  }
0x2b8: {  	[sflag:s0] =	ssyncadd.tile.s32 @!p0 $0x1;
	_ =	shalt  }
.Lfunc_end2:
_tile_overlayer_lowered:
.L_overlay_start_2:
0x2b9: {  	(tag) =	ssettag $0x2  }
0x2ba: {  	s0 =	rddreg [dreg:$0x0];
	s2 =	stileid.u32  }
0x2bb: {  	s1 =	rddreg [dreg:$0x1];
	p0 =	sne.s32 s2, $0x0  }
0x2bc: {  	s3 =	rddreg [dreg:$0x2];
	[bflag:$0x3] =	sbarrier.arrive $0xFFFF;
	s2 =	simm.s32 @!p0 $0x1C04  }
0x2bd: {  	[timem:s3], [sflag:s2] =	dma.local @!p0 [hbm:s0], s1  }
0x2be: {  	s0 =	simm.s32 @!p0 $0x4  }
0x2bf: {  	_ =	swait.ge @!p0 [sflag:s0], s1  }
0x2c0: {  	s1 =	ssub.s32 @!p0 $0x0, s1;
	[sflag:s0] =	ssyncset.done @!p0 $0x0  }
0x2c1: {  	[sflag:s0] =	ssyncadd.s32 @!p0 s1  }
0x2c2: {  	[bflag:$0x3] =	sbarrier.arrive $0xFFFF  }
0x2c3: {  	_ =	shalt  }

</sc_bundles>
